<compile_context>
chip_gen: v7x
topology: tpu7x:2x2x1
jax: 0.10.2.dev20260603
libtpu: 0.0.44.dev20260713+nightly
codegen_flags: <defaults>
</compile_context>

<pallas_src>
import jax
import jax.numpy as jnp
import numpy as np
from jax import lax
from jax.experimental import pallas as pl
from jax.experimental.pallas import tpu as pltpu
from jax.experimental.pallas import tpu_sc as plsc

NUM_WORDS = 1000000
EMBED_DIM = 64
NUM_SAMPLES = 8192
BATCH = 4096
LOG_NUM_WORDS_P1 = float(np.log(NUM_WORDS + 1))

_NC = 2
_NS = 16
_NW = _NC * _NS
_TOTAL_IDS = BATCH + NUM_SAMPLES
_IDS_PER_W = _TOTAL_IDS // _NW
_CHUNK = 128
_NCHUNK = _IDS_PER_W // _CHUNK

_GC = 16
_NGC = _IDS_PER_W // _GC


def _sc_gather_body(w_hbm, b_hbm, ids_hbm, out_w, out_b,
                    ids_v, tiles_v, rows_v, bias_v, sem_w, sem_b):
    wid = lax.axis_index("s") * _NC + lax.axis_index("c")
    base = wid * _IDS_PER_W
    pltpu.sync_copy(ids_hbm.at[pl.ds(base, _IDS_PER_W)], ids_v)
    bcps = [pltpu.async_copy(b_hbm.at[ids_v.at[pl.ds(j * _CHUNK, _CHUNK)]],
                             bias_v.at[pl.ds(j * _CHUNK, _CHUNK)], sem_b)
            for j in range(_NCHUNK)]

    def body(c, carry):
        idvec = ids_v[pl.ds(c * _GC, _GC)]
        tvec = jax.lax.shift_right_logical(idvec, 3)
        pvec = idvec & 7
        cps = []
        for k in range(_GC):
            cps.append(pltpu.async_copy(
                w_hbm.at[tvec[k]], tiles_v.at[k], sem_w))
        for cp in cps:
            cp.wait()
        for k in range(_GC):
            p = pvec[k]
            for g in range(EMBED_DIM // 16):
                rows_v[c * _GC + k, pl.ds(g * 16, 16)] = (
                    tiles_v[k, p, pl.ds(g * 16, 16)])
        return carry

    jax.lax.fori_loop(0, _NGC, body, 0)
    for cp in bcps:
        cp.wait()
    pltpu.sync_copy(rows_v, out_w.at[pl.ds(base, _IDS_PER_W)])
    pltpu.sync_copy(bias_v, out_b.at[pl.ds(base, _IDS_PER_W)])


def _sc_gather(softmax_w3, softmax_b, all_ids):
    mesh = plsc.VectorSubcoreMesh(core_axis_name="c", subcore_axis_name="s")
    return pl.kernel(
        _sc_gather_body,
        out_type=(
            jax.ShapeDtypeStruct((_TOTAL_IDS, EMBED_DIM), jnp.float32),
            jax.ShapeDtypeStruct((_TOTAL_IDS,), jnp.float32),
        ),
        mesh=mesh,
        scratch_types=[
            pltpu.VMEM((_IDS_PER_W,), jnp.int32),
            pltpu.VMEM((_GC, 8, EMBED_DIM), jnp.float32),
            pltpu.VMEM((_IDS_PER_W, EMBED_DIM), jnp.float32),
            pltpu.VMEM((_IDS_PER_W,), jnp.float32),
            pltpu.SemaphoreType.DMA,
            pltpu.SemaphoreType.DMA,
        ],
    )(softmax_w3, softmax_b, all_ids)


_BB = 256
_NB = BATCH // _BB


def _tc_loss_body(nt_ref, emb_ref, tw_ref, tb_ref, t_ref,
                  sw_ref, sb_ref, sid_ref, out_ref):
    i = pl.program_id(0)
    nt = nt_ref[0, 0]
    e = emb_ref[...]
    tw = tw_ref[...]
    tb = tb_ref[...]
    t = t_ref[...]
    sw = sw_ref[...]
    sb = sb_ref[...]
    sid = sid_ref[...]

    tf = t.astype(jnp.float32)
    tp = jnp.log((tf + 2.0) / (tf + 1.0)) / LOG_NUM_WORDS_P1
    tec = -1.0 * (jnp.exp(nt * jnp.log1p(-tp)) - 1.0)
    true_logit = (jnp.sum(tw * e, axis=1, keepdims=True) + tb
                  - jnp.log(tec + 1e-07))

    sf = sid.astype(jnp.float32)
    sp = jnp.log((sf + 2.0) / (sf + 1.0)) / LOG_NUM_WORDS_P1
    sec = -1.0 * (jnp.exp(nt * jnp.log1p(-sp)) - 1.0)
    sadj = sb - jnp.log(sec + 1e-07)

    logits = lax.dot_general(e, sw, (((1,), (1,)), ((), ())),
                             preferred_element_type=jnp.float32)
    logits = logits + sadj
    logits = jnp.where(sid == t, -10000.0, logits)

    m = jnp.maximum(jnp.max(logits, axis=1, keepdims=True), true_logit)
    s = (jnp.sum(jnp.exp(logits - m), axis=1, keepdims=True)
         + jnp.exp(true_logit - m))
    lse = m + jnp.log(s)
    part = jnp.sum(lse - true_logit)

    @pl.when(i == 0)
    def _():
        out_ref[0, 0] = part

    @pl.when(i != 0)
    def _():
        out_ref[0, 0] = out_ref[0, 0] + part


def _tc_loss(nt, emb, tw, tb, t2, sw, sb2, sid2, interpret=False):
    return pl.pallas_call(
        _tc_loss_body,
        grid=(_NB,),
        in_specs=[
            pl.BlockSpec(memory_space=pltpu.SMEM),
            pl.BlockSpec((_BB, EMBED_DIM), lambda i: (i, 0)),
            pl.BlockSpec((_BB, EMBED_DIM), lambda i: (i, 0)),
            pl.BlockSpec((_BB, 1), lambda i: (i, 0)),
            pl.BlockSpec((_BB, 1), lambda i: (i, 0)),
            pl.BlockSpec((NUM_SAMPLES, EMBED_DIM), lambda i: (0, 0)),
            pl.BlockSpec((1, NUM_SAMPLES), lambda i: (0, 0)),
            pl.BlockSpec((1, NUM_SAMPLES), lambda i: (0, 0)),
        ],
        out_specs=pl.BlockSpec(memory_space=pltpu.SMEM),
        out_shape=jax.ShapeDtypeStruct((1, 1), jnp.float32),
        interpret=interpret,
    )(nt, emb, tw, tb, t2, sw, sb2, sid2)


def kernel(embeddings, targets, softmax_w, softmax_b, sampled_ids, num_tries):
    all_ids = jnp.concatenate([targets, sampled_ids], axis=0)
    all_w, all_b = _sc_gather(softmax_w.reshape(NUM_WORDS // 8, 8, EMBED_DIM),
                              softmax_b, all_ids)
    tw = all_w[:BATCH]
    sw = all_w[BATCH:]
    tb = all_b[:BATCH].reshape(BATCH, 1)
    sb2 = all_b[BATCH:].reshape(1, NUM_SAMPLES)
    t2 = targets.reshape(BATCH, 1)
    sid2 = sampled_ids.reshape(1, NUM_SAMPLES)
    nt = jnp.asarray(num_tries, jnp.float32).reshape(1, 1)
    loss = _tc_loss(nt, embeddings, tw, tb, t2, sw, sb2, sid2)
    return loss[0, 0]

# --- scband reference (transcript-rebuilt; emitter-appended) ---
"""Pipeline reference for scband-sampled-softmax-loss-32109175505609 (READ-ONLY COPY).

The authoritative reference and input builder live on the scoring server;
editing this copy changes nothing except your own understanding.
"""

import jax, jax.numpy as jnp
import numpy as np

NUM_WORDS = 1000000
EMBED_DIM = 64
NUM_SAMPLES = 8192
BATCH = 4096
LOG_NUM_WORDS_P1 = float(np.log(NUM_WORDS + 1))


def _choice(num_words, num_samples):
    num_tries = 0
    num_chosen = 0

    def get_buffer():
        log_samples = np.random.rand(num_samples) * np.log(num_words + 1)
        samples = np.exp(log_samples).astype('int64') - 1
        return np.clip(samples, a_min=0, a_max=num_words - 1)

    sample_buffer = get_buffer()
    buffer_index = 0
    samples = set()
    while num_chosen < num_samples:
        num_tries += 1
        sample_id = sample_buffer[buffer_index]
        if sample_id not in samples:
            samples.add(sample_id)
            num_chosen += 1
        buffer_index += 1
        if buffer_index == num_samples:
            sample_buffer = get_buffer()
            buffer_index = 0
    return np.array(list(samples)), num_tries


def setup_inputs(seed: int = 0):
    key = jax.random.key(seed)
    k1, k2, k3 = jax.random.split(key, 3)
    embeddings = jax.random.normal(k1, (BATCH, EMBED_DIM), dtype=jnp.float32)
    targets = jax.random.randint(k2, (BATCH,), 0, NUM_WORDS, dtype=jnp.int32)
    # learned parameters (sparse=True branch): softmax_w Embedding(num_words, dim), softmax_b Embedding(num_words, 1)
    softmax_w = jax.random.normal(k3, (NUM_WORDS, EMBED_DIM), dtype=jnp.float32) * (1.0 / np.sqrt(EMBED_DIM))
    softmax_b = jnp.zeros((NUM_WORDS,), dtype=jnp.float32)
    # deterministic replication of the log-uniform candidate sampler (_choice)
    np.random.seed(0)
    sampled_np, num_tries = _choice(NUM_WORDS, NUM_SAMPLES)
    sampled_ids = jnp.asarray(sampled_np.astype(np.int32))
    return {
        'embeddings': embeddings,
        'targets': targets,
        'softmax_w': softmax_w,
        'softmax_b': softmax_b,
        'sampled_ids': sampled_ids,
        'num_tries': float(num_tries),
    }


def reference(embeddings, targets, softmax_w, softmax_b, sampled_ids, num_tries):
    # log_uniform_candidate_sampler expected counts
    tf = targets.astype(jnp.float32)
    target_probs = jnp.log((tf + 2.0) / (tf + 1.0)) / LOG_NUM_WORDS_P1
    target_expected_count = -1.0 * (jnp.exp(num_tries * jnp.log1p(-target_probs)) - 1.0)
    sf = sampled_ids.astype(jnp.float32)
    sampled_probs = jnp.log((sf + 2.0) / (sf + 1.0)) / LOG_NUM_WORDS_P1
    sampled_expected_count = -1.0 * (jnp.exp(num_tries * jnp.log1p(-sampled_probs)) - 1.0)
    # gather rows for true targets and negative samples (sparse embedding lookup)
    all_ids = jnp.concatenate([targets, sampled_ids], axis=0)
    all_w = jnp.take(softmax_w, all_ids, axis=0)
    all_b = jnp.take(softmax_b, all_ids, axis=0)
    bs = embeddings.shape[0]
    true_w = all_w[:bs, :]
    sampled_w = all_w[bs:, :]
    true_b = all_b[:bs]
    sampled_b = all_b[bs:]
    true_logits = jnp.sum(true_w * embeddings, axis=1) + true_b - jnp.log(target_expected_count + 1e-07)
    sampled_logits = jnp.matmul(embeddings, sampled_w.T) + sampled_b[None, :] - jnp.log(sampled_expected_count + 1e-07)[None, :]
    # mask out accidental hits of the true target among the samples
    true_in_sample_mask = sampled_ids[None, :] == targets[:, None]
    masked_sampled_logits = jnp.where(true_in_sample_mask, -10000.0, sampled_logits)
    logits = jnp.concatenate([true_logits[:, None], masked_sampled_logits], axis=1)
    log_softmax = jax.nn.log_softmax(logits, axis=1)
    nll_loss = -1.0 * jnp.sum(log_softmax[:, 0])
    return nll_loss

if __name__ == "__main__":
    import jax
    _d = setup_inputs()
    print(jax.jit(kernel)(*tuple(_d.values())))

</pallas_src>

<mosaic_0001>
#map = affine_map<(d0, d1) -> (0, 0, 0)>
#map1 = affine_map<(d0, d1) -> (0)>
#map2 = affine_map<(d0, d1) -> (0, 0)>
module attributes {stable_mosaic.version = 14 : i64} {
  func.func @_sc_gather_body(%arg0: i32, %arg1: i32, %arg2: memref<125000x8x64xf32, #tpu.memory_space<hbm>>, %arg3: memref<1000000xf32, #tpu.memory_space<hbm>>, %arg4: memref<12288xi32, #tpu.memory_space<hbm>>, %arg5: memref<12288x64xf32, #tpu.memory_space<hbm>>, %arg6: memref<12288xf32, #tpu.memory_space<hbm>>, %arg7: memref<384xi32, #tpu.memory_space<vmem>>, %arg8: memref<16x8x64xf32, #tpu.memory_space<vmem>>, %arg9: memref<384x64xf32, #tpu.memory_space<vmem>>, %arg10: memref<384xf32, #tpu.memory_space<vmem>>, %arg11: memref<!tpu.dma_semaphore, #tpu.memory_space<semaphore_mem>>, %arg12: memref<!tpu.dma_semaphore, #tpu.memory_space<semaphore_mem>>) attributes {dimension_semantics = [#tpu.dimension_semantics<core_parallel>, #tpu.dimension_semantics<subcore_parallel>], iteration_bounds = array<i64: 2, 16>, scalar_prefetch = 0 : i64, scratch_operands = 6 : i64, tpu.core_type = #tpu.core_type<sc_vector_subcore>, window_params = [{transform_indices = #map}, {transform_indices = #map1}, {transform_indices = #map1}, {transform_indices = #map2}, {transform_indices = #map1}]} {
    %mul3A = arith.constant 2 : i32
    %mul3A_0 = arith.muli %arg1, %mul3A : i32
    %add3A = arith.addi %mul3A_0, %arg0 : i32
    %mul3A_1 = arith.constant 384 : i32
    %mul3A_2 = arith.muli %add3A, %mul3A_1 : i32
    "tpu.region"() ({
      %run_scoped3A = tpu.sem_alloc : memref<!tpu.dma_semaphore, #tpu.memory_space<semaphore_mem>>
      %dma_start3A_42 = tpu.memref_slice %arg4[%mul3A_2] : memref<12288xi32, #tpu.memory_space<hbm>> -> memref<384xi32, #tpu.memory_space<hbm>>
      %dma_start3A_43 = tpu.memref_slice %arg4[%mul3A_2] : memref<12288xi32, #tpu.memory_space<hbm>> -> memref<384xi32, #tpu.memory_space<hbm>>
      tpu.enqueue_dma source(%dma_start3A_43 : memref<384xi32, #tpu.memory_space<hbm>>) target(%arg7 : memref<384xi32, #tpu.memory_space<vmem>>) target_semaphore(%run_scoped3A : memref<!tpu.dma_semaphore, #tpu.memory_space<semaphore_mem>>)
      %dma_wait3A_44 = tpu.memref_slice %arg4[%mul3A_2] : memref<12288xi32, #tpu.memory_space<hbm>> -> memref<384xi32, #tpu.memory_space<hbm>>
      %dma_wait3A_45 = tpu.memref_slice %arg4[%mul3A_2] : memref<12288xi32, #tpu.memory_space<hbm>> -> memref<384xi32, #tpu.memory_space<hbm>>
      tpu.wait_dma2 semaphore(%run_scoped3A : memref<!tpu.dma_semaphore, #tpu.memory_space<semaphore_mem>>) src(%dma_wait3A_45 : memref<384xi32, #tpu.memory_space<hbm>>) dst(%arg7 : memref<384xi32, #tpu.memory_space<vmem>>)
      tpu.yield
    }) : () -> ()
    %dma_start3A = arith.constant 0 : i32
    %dma_start3A_3 = tpu.memref_slice %arg10[%dma_start3A] : memref<384xf32, #tpu.memory_space<vmem>> -> memref<128xf32, #tpu.memory_space<vmem>>
    %dma_start3A_4 = arith.constant 0 : i32
    %dma_start3A_5 = tpu.memref_slice %arg7[%dma_start3A_4] : memref<384xi32, #tpu.memory_space<vmem>> -> memref<128xi32, #tpu.memory_space<vmem>>
    %dma_start3A_6 = arith.constant 0 : i32
    %dma_start3A_7 = tpu.memref_slice %arg3[%dma_start3A_6] : memref<1000000xf32, #tpu.memory_space<hbm>> -> memref<1000000xf32, #tpu.memory_space<hbm>>
    tpu.enqueue_indirect_dma source(%dma_start3A_7 : memref<1000000xf32, #tpu.memory_space<hbm>>) target(%dma_start3A_3 : memref<128xf32, #tpu.memory_space<vmem>>) offsets(%dma_start3A_5 : memref<128xi32, #tpu.memory_space<vmem>>) semaphore(%arg12 : memref<!tpu.dma_semaphore, #tpu.memory_space<semaphore_mem>>)
    %dma_start3A_8 = arith.constant 128 : i32
    %dma_start3A_9 = tpu.memref_slice %arg10[%dma_start3A_8] : memref<384xf32, #tpu.memory_space<vmem>> -> memref<128xf32, #tpu.memory_space<vmem>>
    %dma_start3A_10 = arith.constant 128 : i32
    %dma_start3A_11 = tpu.memref_slice %arg7[%dma_start3A_10] : memref<384xi32, #tpu.memory_space<vmem>> -> memref<128xi32, #tpu.memory_space<vmem>>
    %dma_start3A_12 = arith.constant 0 : i32
    %dma_start3A_13 = tpu.memref_slice %arg3[%dma_start3A_12] : memref<1000000xf32, #tpu.memory_space<hbm>> -> memref<1000000xf32, #tpu.memory_space<hbm>>
    tpu.enqueue_indirect_dma source(%dma_start3A_13 : memref<1000000xf32, #tpu.memory_space<hbm>>) target(%dma_start3A_9 : memref<128xf32, #tpu.memory_space<vmem>>) offsets(%dma_start3A_11 : memref<128xi32, #tpu.memory_space<vmem>>) semaphore(%arg12 : memref<!tpu.dma_semaphore, #tpu.memory_space<semaphore_mem>>)
    %dma_start3A_14 = arith.constant 256 : i32
    %dma_start3A_15 = tpu.memref_slice %arg10[%dma_start3A_14] : memref<384xf32, #tpu.memory_space<vmem>> -> memref<128xf32, #tpu.memory_space<vmem>>
    %dma_start3A_16 = arith.constant 256 : i32
    %dma_start3A_17 = tpu.memref_slice %arg7[%dma_start3A_16] : memref<384xi32, #tpu.memory_space<vmem>> -> memref<128xi32, #tpu.memory_space<vmem>>
    %dma_start3A_18 = arith.constant 0 : i32
    %dma_start3A_19 = tpu.memref_slice %arg3[%dma_start3A_18] : memref<1000000xf32, #tpu.memory_space<hbm>> -> memref<1000000xf32, #tpu.memory_space<hbm>>
    tpu.enqueue_indirect_dma source(%dma_start3A_19 : memref<1000000xf32, #tpu.memory_space<hbm>>) target(%dma_start3A_15 : memref<128xf32, #tpu.memory_space<vmem>>) offsets(%dma_start3A_17 : memref<128xi32, #tpu.memory_space<vmem>>) semaphore(%arg12 : memref<!tpu.dma_semaphore, #tpu.memory_space<semaphore_mem>>)
    %scan3A = arith.constant 0 : i32
    %scan3A_20 = arith.constant 0 : i32
    %scan3A_21 = arith.constant 24 : i32
    %scan3A_22 = arith.addi %scan3A_20, %scan3A_21 : i32
    %scan3A_23 = arith.constant 1 : i32
    scf.for %scan3A_42 = %scan3A_20 to %scan3A_22 step %scan3A_23  : i32 {
      %mul3A_43 = arith.constant 16 : i32
      %mul3A_44 = arith.muli %scan3A_42, %mul3A_43 : i32
      %get3A = arith.index_cast %mul3A_44 : i32 to index
      %get3A_45 = tpu.vector_load %arg7[%get3A] {strides = array<i32>} : memref<384xi32, #tpu.memory_space<vmem>>, vector<16xi32>,
      %get3A_46 = vector.shape_cast %get3A_45 : vector<16xi32> to vector<16xi32>
      %shift_right_logical3A = arith.constant 3 : i32
      %shift_right_logical3A_47 = vector.broadcast %shift_right_logical3A : i32 to vector<16xi32>
      %shift_right_logical3A_48 = arith.shrui %get3A_46, %shift_right_logical3A_47 : vector<16xi32>
      %and3A = arith.constant 7 : i32
      %and3A_49 = vector.broadcast %and3A : i32 to vector<16xi32>
      %and3A_50 = arith.andi %get3A_46, %and3A_49 : vector<16xi32>
      %slice3A = vector.extract_strided_slice %shift_right_logical3A_48 {offsets = [0], sizes = [1], strides = [1]} : vector<16xi32> to vector<1xi32>
      %squeeze3A = vector.extract %slice3A[0] : i32 from vector<1xi32>
      %dma_start3A_51 = arith.constant 0 : i32
      %dma_start3A_52 = arith.constant 0 : i32
      %dma_start3A_53 = arith.constant 0 : i32
      %dma_start3A_54 = tpu.memref_slice %arg8[%dma_start3A_51, %dma_start3A_52, %dma_start3A_53] : memref<16x8x64xf32, #tpu.memory_space<vmem>> -> memref<1x8x64xf32, #tpu.memory_space<vmem>>
      %dma_start3A_55 = tpu.memref_squeeze %dma_start3A_54 : memref<1x8x64xf32, #tpu.memory_space<vmem>> -> memref<8x64xf32, #tpu.memory_space<vmem>>
      %dma_start3A_56 = arith.constant 0 : i32
      %dma_start3A_57 = arith.constant 0 : i32
      %dma_start3A_58 = tpu.memref_slice %arg2[%squeeze3A, %dma_start3A_56, %dma_start3A_57] : memref<125000x8x64xf32, #tpu.memory_space<hbm>> -> memref<1x8x64xf32, #tpu.memory_space<hbm>>
      %dma_start3A_59 = tpu.memref_squeeze %dma_start3A_58 : memref<1x8x64xf32, #tpu.memory_space<hbm>> -> memref<8x64xf32, #tpu.memory_space<hbm>>
      %dma_start3A_60 = arith.constant 0 : i32
      %dma_start3A_61 = arith.constant 0 : i32
      %dma_start3A_62 = tpu.memref_slice %arg8[%dma_start3A_51, %dma_start3A_60, %dma_start3A_61] : memref<16x8x64xf32, #tpu.memory_space<vmem>> -> memref<1x8x64xf32, #tpu.memory_space<vmem>>
      %dma_start3A_63 = tpu.memref_squeeze %dma_start3A_62 : memref<1x8x64xf32, #tpu.memory_space<vmem>> -> memref<8x64xf32, #tpu.memory_space<vmem>>
      %dma_start3A_64 = arith.constant 0 : i32
      %dma_start3A_65 = arith.constant 0 : i32
      %dma_start3A_66 = tpu.memref_slice %arg2[%squeeze3A, %dma_start3A_64, %dma_start3A_65] : memref<125000x8x64xf32, #tpu.memory_space<hbm>> -> memref<1x8x64xf32, #tpu.memory_space<hbm>>
      %dma_start3A_67 = tpu.memref_squeeze %dma_start3A_66 : memref<1x8x64xf32, #tpu.memory_space<hbm>> -> memref<8x64xf32, #tpu.memory_space<hbm>>
      tpu.enqueue_dma source(%dma_start3A_67 : memref<8x64xf32, #tpu.memory_space<hbm>>) target(%dma_start3A_63 : memref<8x64xf32, #tpu.memory_space<vmem>>) target_semaphore(%arg11 : memref<!tpu.dma_semaphore, #tpu.memory_space<semaphore_mem>>)
      %slice3A_68 = vector.extract_strided_slice %shift_right_logical3A_48 {offsets = [1], sizes = [1], strides = [1]} : vector<16xi32> to vector<1xi32>
      %squeeze3A_69 = vector.extract %slice3A_68[0] : i32 from vector<1xi32>
      %dma_start3A_70 = arith.constant 1 : i32
      %dma_start3A_71 = arith.constant 0 : i32
      %dma_start3A_72 = arith.constant 0 : i32
      %dma_start3A_73 = tpu.memref_slice %arg8[%dma_start3A_70, %dma_start3A_71, %dma_start3A_72] : memref<16x8x64xf32, #tpu.memory_space<vmem>> -> memref<1x8x64xf32, #tpu.memory_space<vmem>>
      %dma_start3A_74 = tpu.memref_squeeze %dma_start3A_73 : memref<1x8x64xf32, #tpu.memory_space<vmem>> -> memref<8x64xf32, #tpu.memory_space<vmem>>
      %dma_start3A_75 = arith.constant 0 : i32
      %dma_start3A_76 = arith.constant 0 : i32
      %dma_start3A_77 = tpu.memref_slice %arg2[%squeeze3A_69, %dma_start3A_75, %dma_start3A_76] : memref<125000x8x64xf32, #tpu.memory_space<hbm>> -> memref<1x8x64xf32, #tpu.memory_space<hbm>>
      %dma_start3A_78 = tpu.memref_squeeze %dma_start3A_77 : memref<1x8x64xf32, #tpu.memory_space<hbm>> -> memref<8x64xf32, #tpu.memory_space<hbm>>
      %dma_start3A_79 = arith.constant 0 : i32
      %dma_start3A_80 = arith.constant 0 : i32
      %dma_start3A_81 = tpu.memref_slice %arg8[%dma_start3A_70, %dma_start3A_79, %dma_start3A_80] : memref<16x8x64xf32, #tpu.memory_space<vmem>> -> memref<1x8x64xf32, #tpu.memory_space<vmem>>
      %dma_start3A_82 = tpu.memref_squeeze %dma_start3A_81 : memref<1x8x64xf32, #tpu.memory_space<vmem>> -> memref<8x64xf32, #tpu.memory_space<vmem>>
      %dma_start3A_83 = arith.constant 0 : i32
      %dma_start3A_84 = arith.constant 0 : i32
      %dma_start3A_85 = tpu.memref_slice %arg2[%squeeze3A_69, %dma_start3A_83, %dma_start3A_84] : memref<125000x8x64xf32, #tpu.memory_space<hbm>> -> memref<1x8x64xf32, #tpu.memory_space<hbm>>
      %dma_start3A_86 = tpu.memref_squeeze %dma_start3A_85 : memref<1x8x64xf32, #tpu.memory_space<hbm>> -> memref<8x64xf32, #tpu.memory_space<hbm>>
      tpu.enqueue_dma source(%dma_start3A_86 : memref<8x64xf32, #tpu.memory_space<hbm>>) target(%dma_start3A_82 : memref<8x64xf32, #tpu.memory_space<vmem>>) target_semaphore(%arg11 : memref<!tpu.dma_semaphore, #tpu.memory_space<semaphore_mem>>)
      %slice3A_87 = vector.extract_strided_slice %shift_right_logical3A_48 {offsets = [2], sizes = [1], strides = [1]} : vector<16xi32> to vector<1xi32>
      %squeeze3A_88 = vector.extract %slice3A_87[0] : i32 from vector<1xi32>
      %dma_start3A_89 = arith.constant 2 : i32
      %dma_start3A_90 = arith.constant 0 : i32
      %dma_start3A_91 = arith.constant 0 : i32
      %dma_start3A_92 = tpu.memref_slice %arg8[%dma_start3A_89, %dma_start3A_90, %dma_start3A_91] : memref<16x8x64xf32, #tpu.memory_space<vmem>> -> memref<1x8x64xf32, #tpu.memory_space<vmem>>
      %dma_start3A_93 = tpu.memref_squeeze %dma_start3A_92 : memref<1x8x64xf32, #tpu.memory_space<vmem>> -> memref<8x64xf32, #tpu.memory_space<vmem>>
      %dma_start3A_94 = arith.constant 0 : i32
      %dma_start3A_95 = arith.constant 0 : i32
      %dma_start3A_96 = tpu.memref_slice %arg2[%squeeze3A_88, %dma_start3A_94, %dma_start3A_95] : memref<125000x8x64xf32, #tpu.memory_space<hbm>> -> memref<1x8x64xf32, #tpu.memory_space<hbm>>
      %dma_start3A_97 = tpu.memref_squeeze %dma_start3A_96 : memref<1x8x64xf32, #tpu.memory_space<hbm>> -> memref<8x64xf32, #tpu.memory_space<hbm>>
      %dma_start3A_98 = arith.constant 0 : i32
      %dma_start3A_99 = arith.constant 0 : i32
      %dma_start3A_100 = tpu.memref_slice %arg8[%dma_start3A_89, %dma_start3A_98, %dma_start3A_99] : memref<16x8x64xf32, #tpu.memory_space<vmem>> -> memref<1x8x64xf32, #tpu.memory_space<vmem>>
      %dma_start3A_101 = tpu.memref_squeeze %dma_start3A_100 : memref<1x8x64xf32, #tpu.memory_space<vmem>> -> memref<8x64xf32, #tpu.memory_space<vmem>>
      %dma_start3A_102 = arith.constant 0 : i32
      %dma_start3A_103 = arith.constant 0 : i32
      %dma_start3A_104 = tpu.memref_slice %arg2[%squeeze3A_88, %dma_start3A_102, %dma_start3A_103] : memref<125000x8x64xf32, #tpu.memory_space<hbm>> -> memref<1x8x64xf32, #tpu.memory_space<hbm>>
      %dma_start3A_105 = tpu.memref_squeeze %dma_start3A_104 : memref<1x8x64xf32, #tpu.memory_space<hbm>> -> memref<8x64xf32, #tpu.memory_space<hbm>>
      tpu.enqueue_dma source(%dma_start3A_105 : memref<8x64xf32, #tpu.memory_space<hbm>>) target(%dma_start3A_101 : memref<8x64xf32, #tpu.memory_space<vmem>>) target_semaphore(%arg11 : memref<!tpu.dma_semaphore, #tpu.memory_space<semaphore_mem>>)
      %slice3A_106 = vector.extract_strided_slice %shift_right_logical3A_48 {offsets = [3], sizes = [1], strides = [1]} : vector<16xi32> to vector<1xi32>
      %squeeze3A_107 = vector.extract %slice3A_106[0] : i32 from vector<1xi32>
      %dma_start3A_108 = arith.constant 3 : i32
      %dma_start3A_109 = arith.constant 0 : i32
      %dma_start3A_110 = arith.constant 0 : i32
      %dma_start3A_111 = tpu.memref_slice %arg8[%dma_start3A_108, %dma_start3A_109, %dma_start3A_110] : memref<16x8x64xf32, #tpu.memory_space<vmem>> -> memref<1x8x64xf32, #tpu.memory_space<vmem>>
      %dma_start3A_112 = tpu.memref_squeeze %dma_start3A_111 : memref<1x8x64xf32, #tpu.memory_space<vmem>> -> memref<8x64xf32, #tpu.memory_space<vmem>>
      %dma_start3A_113 = arith.constant 0 : i32
      %dma_start3A_114 = arith.constant 0 : i32
      %dma_start3A_115 = tpu.memref_slice %arg2[%squeeze3A_107, %dma_start3A_113, %dma_start3A_114] : memref<125000x8x64xf32, #tpu.memory_space<hbm>> -> memref<1x8x64xf32, #tpu.memory_space<hbm>>
      %dma_start3A_116 = tpu.memref_squeeze %dma_start3A_115 : memref<1x8x64xf32, #tpu.memory_space<hbm>> -> memref<8x64xf32, #tpu.memory_space<hbm>>
      %dma_start3A_117 = arith.constant 0 : i32
      %dma_start3A_118 = arith.constant 0 : i32
      %dma_start3A_119 = tpu.memref_slice %arg8[%dma_start3A_108, %dma_start3A_117, %dma_start3A_118] : memref<16x8x64xf32, #tpu.memory_space<vmem>> -> memref<1x8x64xf32, #tpu.memory_space<vmem>>
      %dma_start3A_120 = tpu.memref_squeeze %dma_start3A_119 : memref<1x8x64xf32, #tpu.memory_space<vmem>> -> memref<8x64xf32, #tpu.memory_space<vmem>>
      %dma_start3A_121 = arith.constant 0 : i32
      %dma_start3A_122 = arith.constant 0 : i32
      %dma_start3A_123 = tpu.memref_slice %arg2[%squeeze3A_107, %dma_start3A_121, %dma_start3A_122] : memref<125000x8x64xf32, #tpu.memory_space<hbm>> -> memref<1x8x64xf32, #tpu.memory_space<hbm>>
      %dma_start3A_124 = tpu.memref_squeeze %dma_start3A_123 : memref<1x8x64xf32, #tpu.memory_space<hbm>> -> memref<8x64xf32, #tpu.memory_space<hbm>>
      tpu.enqueue_dma source(%dma_start3A_124 : memref<8x64xf32, #tpu.memory_space<hbm>>) target(%dma_start3A_120 : memref<8x64xf32, #tpu.memory_space<vmem>>) target_semaphore(%arg11 : memref<!tpu.dma_semaphore, #tpu.memory_space<semaphore_mem>>)
      %slice3A_125 = vector.extract_strided_slice %shift_right_logical3A_48 {offsets = [4], sizes = [1], strides = [1]} : vector<16xi32> to vector<1xi32>
      %squeeze3A_126 = vector.extract %slice3A_125[0] : i32 from vector<1xi32>
      %dma_start3A_127 = arith.constant 4 : i32
      %dma_start3A_128 = arith.constant 0 : i32
      %dma_start3A_129 = arith.constant 0 : i32
      %dma_start3A_130 = tpu.memref_slice %arg8[%dma_start3A_127, %dma_start3A_128, %dma_start3A_129] : memref<16x8x64xf32, #tpu.memory_space<vmem>> -> memref<1x8x64xf32, #tpu.memory_space<vmem>>
      %dma_start3A_131 = tpu.memref_squeeze %dma_start3A_130 : memref<1x8x64xf32, #tpu.memory_space<vmem>> -> memref<8x64xf32, #tpu.memory_space<vmem>>
      %dma_start3A_132 = arith.constant 0 : i32
      %dma_start3A_133 = arith.constant 0 : i32
      %dma_start3A_134 = tpu.memref_slice %arg2[%squeeze3A_126, %dma_start3A_132, %dma_start3A_133] : memref<125000x8x64xf32, #tpu.memory_space<hbm>> -> memref<1x8x64xf32, #tpu.memory_space<hbm>>
      %dma_start3A_135 = tpu.memref_squeeze %dma_start3A_134 : memref<1x8x64xf32, #tpu.memory_space<hbm>> -> memref<8x64xf32, #tpu.memory_space<hbm>>
      %dma_start3A_136 = arith.constant 0 : i32
      %dma_start3A_137 = arith.constant 0 : i32
      %dma_start3A_138 = tpu.memref_slice %arg8[%dma_start3A_127, %dma_start3A_136, %dma_start3A_137] : memref<16x8x64xf32, #tpu.memory_space<vmem>> -> memref<1x8x64xf32, #tpu.memory_space<vmem>>
      %dma_start3A_139 = tpu.memref_squeeze %dma_start3A_138 : memref<1x8x64xf32, #tpu.memory_space<vmem>> -> memref<8x64xf32, #tpu.memory_space<vmem>>
      %dma_start3A_140 = arith.constant 0 : i32
      %dma_start3A_141 = arith.constant 0 : i32
      %dma_start3A_142 = tpu.memref_slice %arg2[%squeeze3A_126, %dma_start3A_140, %dma_start3A_141] : memref<125000x8x64xf32, #tpu.memory_space<hbm>> -> memref<1x8x64xf32, #tpu.memory_space<hbm>>
      %dma_start3A_143 = tpu.memref_squeeze %dma_start3A_142 : memref<1x8x64xf32, #tpu.memory_space<hbm>> -> memref<8x64xf32, #tpu.memory_space<hbm>>
      tpu.enqueue_dma source(%dma_start3A_143 : memref<8x64xf32, #tpu.memory_space<hbm>>) target(%dma_start3A_139 : memref<8x64xf32, #tpu.memory_space<vmem>>) target_semaphore(%arg11 : memref<!tpu.dma_semaphore, #tpu.memory_space<semaphore_mem>>)
      %slice3A_144 = vector.extract_strided_slice %shift_right_logical3A_48 {offsets = [5], sizes = [1], strides = [1]} : vector<16xi32> to vector<1xi32>
      %squeeze3A_145 = vector.extract %slice3A_144[0] : i32 from vector<1xi32>
      %dma_start3A_146 = arith.constant 5 : i32
      %dma_start3A_147 = arith.constant 0 : i32
      %dma_start3A_148 = arith.constant 0 : i32
      %dma_start3A_149 = tpu.memref_slice %arg8[%dma_start3A_146, %dma_start3A_147, %dma_start3A_148] : memref<16x8x64xf32, #tpu.memory_space<vmem>> -> memref<1x8x64xf32, #tpu.memory_space<vmem>>
      %dma_start3A_150 = tpu.memref_squeeze %dma_start3A_149 : memref<1x8x64xf32, #tpu.memory_space<vmem>> -> memref<8x64xf32, #tpu.memory_space<vmem>>
      %dma_start3A_151 = arith.constant 0 : i32
      %dma_start3A_152 = arith.constant 0 : i32
      %dma_start3A_153 = tpu.memref_slice %arg2[%squeeze3A_145, %dma_start3A_151, %dma_start3A_152] : memref<125000x8x64xf32, #tpu.memory_space<hbm>> -> memref<1x8x64xf32, #tpu.memory_space<hbm>>
      %dma_start3A_154 = tpu.memref_squeeze %dma_start3A_153 : memref<1x8x64xf32, #tpu.memory_space<hbm>> -> memref<8x64xf32, #tpu.memory_space<hbm>>
      %dma_start3A_155 = arith.constant 0 : i32
      %dma_start3A_156 = arith.constant 0 : i32
      %dma_start3A_157 = tpu.memref_slice %arg8[%dma_start3A_146, %dma_start3A_155, %dma_start3A_156] : memref<16x8x64xf32, #tpu.memory_space<vmem>> -> memref<1x8x64xf32, #tpu.memory_space<vmem>>
      %dma_start3A_158 = tpu.memref_squeeze %dma_start3A_157 : memref<1x8x64xf32, #tpu.memory_space<vmem>> -> memref<8x64xf32, #tpu.memory_space<vmem>>
      %dma_start3A_159 = arith.constant 0 : i32
      %dma_start3A_160 = arith.constant 0 : i32
      %dma_start3A_161 = tpu.memref_slice %arg2[%squeeze3A_145, %dma_start3A_159, %dma_start3A_160] : memref<125000x8x64xf32, #tpu.memory_space<hbm>> -> memref<1x8x64xf32, #tpu.memory_space<hbm>>
      %dma_start3A_162 = tpu.memref_squeeze %dma_start3A_161 : memref<1x8x64xf32, #tpu.memory_space<hbm>> -> memref<8x64xf32, #tpu.memory_space<hbm>>
      tpu.enqueue_dma source(%dma_start3A_162 : memref<8x64xf32, #tpu.memory_space<hbm>>) target(%dma_start3A_158 : memref<8x64xf32, #tpu.memory_space<vmem>>) target_semaphore(%arg11 : memref<!tpu.dma_semaphore, #tpu.memory_space<semaphore_mem>>)
      %slice3A_163 = vector.extract_strided_slice %shift_right_logical3A_48 {offsets = [6], sizes = [1], strides = [1]} : vector<16xi32> to vector<1xi32>
      %squeeze3A_164 = vector.extract %slice3A_163[0] : i32 from vector<1xi32>
      %dma_start3A_165 = arith.constant 6 : i32
      %dma_start3A_166 = arith.constant 0 : i32
      %dma_start3A_167 = arith.constant 0 : i32
      %dma_start3A_168 = tpu.memref_slice %arg8[%dma_start3A_165, %dma_start3A_166, %dma_start3A_167] : memref<16x8x64xf32, #tpu.memory_space<vmem>> -> memref<1x8x64xf32, #tpu.memory_space<vmem>>
      %dma_start3A_169 = tpu.memref_squeeze %dma_start3A_168 : memref<1x8x64xf32, #tpu.memory_space<vmem>> -> memref<8x64xf32, #tpu.memory_space<vmem>>
      %dma_start3A_170 = arith.constant 0 : i32
      %dma_start3A_171 = arith.constant 0 : i32
      %dma_start3A_172 = tpu.memref_slice %arg2[%squeeze3A_164, %dma_start3A_170, %dma_start3A_171] : memref<125000x8x64xf32, #tpu.memory_space<hbm>> -> memref<1x8x64xf32, #tpu.memory_space<hbm>>
      %dma_start3A_173 = tpu.memref_squeeze %dma_start3A_172 : memref<1x8x64xf32, #tpu.memory_space<hbm>> -> memref<8x64xf32, #tpu.memory_space<hbm>>
      %dma_start3A_174 = arith.constant 0 : i32
      %dma_start3A_175 = arith.constant 0 : i32
      %dma_start3A_176 = tpu.memref_slice %arg8[%dma_start3A_165, %dma_start3A_174, %dma_start3A_175] : memref<16x8x64xf32, #tpu.memory_space<vmem>> -> memref<1x8x64xf32, #tpu.memory_space<vmem>>
      %dma_start3A_177 = tpu.memref_squeeze %dma_start3A_176 : memref<1x8x64xf32, #tpu.memory_space<vmem>> -> memref<8x64xf32, #tpu.memory_space<vmem>>
      %dma_start3A_178 = arith.constant 0 : i32
      %dma_start3A_179 = arith.constant 0 : i32
      %dma_start3A_180 = tpu.memref_slice %arg2[%squeeze3A_164, %dma_start3A_178, %dma_start3A_179] : memref<125000x8x64xf32, #tpu.memory_space<hbm>> -> memref<1x8x64xf32, #tpu.memory_space<hbm>>
      %dma_start3A_181 = tpu.memref_squeeze %dma_start3A_180 : memref<1x8x64xf32, #tpu.memory_space<hbm>> -> memref<8x64xf32, #tpu.memory_space<hbm>>
      tpu.enqueue_dma source(%dma_start3A_181 : memref<8x64xf32, #tpu.memory_space<hbm>>) target(%dma_start3A_177 : memref<8x64xf32, #tpu.memory_space<vmem>>) target_semaphore(%arg11 : memref<!tpu.dma_semaphore, #tpu.memory_space<semaphore_mem>>)
      %slice3A_182 = vector.extract_strided_slice %shift_right_logical3A_48 {offsets = [7], sizes = [1], strides = [1]} : vector<16xi32> to vector<1xi32>
      %squeeze3A_183 = vector.extract %slice3A_182[0] : i32 from vector<1xi32>
      %dma_start3A_184 = arith.constant 7 : i32
      %dma_start3A_185 = arith.constant 0 : i32
      %dma_start3A_186 = arith.constant 0 : i32
      %dma_start3A_187 = tpu.memref_slice %arg8[%dma_start3A_184, %dma_start3A_185, %dma_start3A_186] : memref<16x8x64xf32, #tpu.memory_space<vmem>> -> memref<1x8x64xf32, #tpu.memory_space<vmem>>
      %dma_start3A_188 = tpu.memref_squeeze %dma_start3A_187 : memref<1x8x64xf32, #tpu.memory_space<vmem>> -> memref<8x64xf32, #tpu.memory_space<vmem>>
      %dma_start3A_189 = arith.constant 0 : i32
      %dma_start3A_190 = arith.constant 0 : i32
      %dma_start3A_191 = tpu.memref_slice %arg2[%squeeze3A_183, %dma_start3A_189, %dma_start3A_190] : memref<125000x8x64xf32, #tpu.memory_space<hbm>> -> memref<1x8x64xf32, #tpu.memory_space<hbm>>
      %dma_start3A_192 = tpu.memref_squeeze %dma_start3A_191 : memref<1x8x64xf32, #tpu.memory_space<hbm>> -> memref<8x64xf32, #tpu.memory_space<hbm>>
      %dma_start3A_193 = arith.constant 0 : i32
      %dma_start3A_194 = arith.constant 0 : i32
      %dma_start3A_195 = tpu.memref_slice %arg8[%dma_start3A_184, %dma_start3A_193, %dma_start3A_194] : memref<16x8x64xf32, #tpu.memory_space<vmem>> -> memref<1x8x64xf32, #tpu.memory_space<vmem>>
      %dma_start3A_196 = tpu.memref_squeeze %dma_start3A_195 : memref<1x8x64xf32, #tpu.memory_space<vmem>> -> memref<8x64xf32, #tpu.memory_space<vmem>>
      %dma_start3A_197 = arith.constant 0 : i32
      %dma_start3A_198 = arith.constant 0 : i32
      %dma_start3A_199 = tpu.memref_slice %arg2[%squeeze3A_183, %dma_start3A_197, %dma_start3A_198] : memref<125000x8x64xf32, #tpu.memory_space<hbm>> -> memref<1x8x64xf32, #tpu.memory_space<hbm>>
      %dma_start3A_200 = tpu.memref_squeeze %dma_start3A_199 : memref<1x8x64xf32, #tpu.memory_space<hbm>> -> memref<8x64xf32, #tpu.memory_space<hbm>>
      tpu.enqueue_dma source(%dma_start3A_200 : memref<8x64xf32, #tpu.memory_space<hbm>>) target(%dma_start3A_196 : memref<8x64xf32, #tpu.memory_space<vmem>>) target_semaphore(%arg11 : memref<!tpu.dma_semaphore, #tpu.memory_space<semaphore_mem>>)
      %slice3A_201 = vector.extract_strided_slice %shift_right_logical3A_48 {offsets = [8], sizes = [1], strides = [1]} : vector<16xi32> to vector<1xi32>
      %squeeze3A_202 = vector.extract %slice3A_201[0] : i32 from vector<1xi32>
      %dma_start3A_203 = arith.constant 8 : i32
      %dma_start3A_204 = arith.constant 0 : i32
      %dma_start3A_205 = arith.constant 0 : i32
      %dma_start3A_206 = tpu.memref_slice %arg8[%dma_start3A_203, %dma_start3A_204, %dma_start3A_205] : memref<16x8x64xf32, #tpu.memory_space<vmem>> -> memref<1x8x64xf32, #tpu.memory_space<vmem>>
      %dma_start3A_207 = tpu.memref_squeeze %dma_start3A_206 : memref<1x8x64xf32, #tpu.memory_space<vmem>> -> memref<8x64xf32, #tpu.memory_space<vmem>>
      %dma_start3A_208 = arith.constant 0 : i32
      %dma_start3A_209 = arith.constant 0 : i32
      %dma_start3A_210 = tpu.memref_slice %arg2[%squeeze3A_202, %dma_start3A_208, %dma_start3A_209] : memref<125000x8x64xf32, #tpu.memory_space<hbm>> -> memref<1x8x64xf32, #tpu.memory_space<hbm>>
      %dma_start3A_211 = tpu.memref_squeeze %dma_start3A_210 : memref<1x8x64xf32, #tpu.memory_space<hbm>> -> memref<8x64xf32, #tpu.memory_space<hbm>>
      %dma_start3A_212 = arith.constant 0 : i32
      %dma_start3A_213 = arith.constant 0 : i32
      %dma_start3A_214 = tpu.memref_slice %arg8[%dma_start3A_203, %dma_start3A_212, %dma_start3A_213] : memref<16x8x64xf32, #tpu.memory_space<vmem>> -> memref<1x8x64xf32, #tpu.memory_space<vmem>>
      %dma_start3A_215 = tpu.memref_squeeze %dma_start3A_214 : memref<1x8x64xf32, #tpu.memory_space<vmem>> -> memref<8x64xf32, #tpu.memory_space<vmem>>
      %dma_start3A_216 = arith.constant 0 : i32
      %dma_start3A_217 = arith.constant 0 : i32
      %dma_start3A_218 = tpu.memref_slice %arg2[%squeeze3A_202, %dma_start3A_216, %dma_start3A_217] : memref<125000x8x64xf32, #tpu.memory_space<hbm>> -> memref<1x8x64xf32, #tpu.memory_space<hbm>>
      %dma_start3A_219 = tpu.memref_squeeze %dma_start3A_218 : memref<1x8x64xf32, #tpu.memory_space<hbm>> -> memref<8x64xf32, #tpu.memory_space<hbm>>
      tpu.enqueue_dma source(%dma_start3A_219 : memref<8x64xf32, #tpu.memory_space<hbm>>) target(%dma_start3A_215 : memref<8x64xf32, #tpu.memory_space<vmem>>) target_semaphore(%arg11 : memref<!tpu.dma_semaphore, #tpu.memory_space<semaphore_mem>>)
      %slice3A_220 = vector.extract_strided_slice %shift_right_logical3A_48 {offsets = [9], sizes = [1], strides = [1]} : vector<16xi32> to vector<1xi32>
      %squeeze3A_221 = vector.extract %slice3A_220[0] : i32 from vector<1xi32>
      %dma_start3A_222 = arith.constant 9 : i32
      %dma_start3A_223 = arith.constant 0 : i32
      %dma_start3A_224 = arith.constant 0 : i32
      %dma_start3A_225 = tpu.memref_slice %arg8[%dma_start3A_222, %dma_start3A_223, %dma_start3A_224] : memref<16x8x64xf32, #tpu.memory_space<vmem>> -> memref<1x8x64xf32, #tpu.memory_space<vmem>>
      %dma_start3A_226 = tpu.memref_squeeze %dma_start3A_225 : memref<1x8x64xf32, #tpu.memory_space<vmem>> -> memref<8x64xf32, #tpu.memory_space<vmem>>
      %dma_start3A_227 = arith.constant 0 : i32
      %dma_start3A_228 = arith.constant 0 : i32
      %dma_start3A_229 = tpu.memref_slice %arg2[%squeeze3A_221, %dma_start3A_227, %dma_start3A_228] : memref<125000x8x64xf32, #tpu.memory_space<hbm>> -> memref<1x8x64xf32, #tpu.memory_space<hbm>>
      %dma_start3A_230 = tpu.memref_squeeze %dma_start3A_229 : memref<1x8x64xf32, #tpu.memory_space<hbm>> -> memref<8x64xf32, #tpu.memory_space<hbm>>
      %dma_start3A_231 = arith.constant 0 : i32
      %dma_start3A_232 = arith.constant 0 : i32
      %dma_start3A_233 = tpu.memref_slice %arg8[%dma_start3A_222, %dma_start3A_231, %dma_start3A_232] : memref<16x8x64xf32, #tpu.memory_space<vmem>> -> memref<1x8x64xf32, #tpu.memory_space<vmem>>
      %dma_start3A_234 = tpu.memref_squeeze %dma_start3A_233 : memref<1x8x64xf32, #tpu.memory_space<vmem>> -> memref<8x64xf32, #tpu.memory_space<vmem>>
      %dma_start3A_235 = arith.constant 0 : i32
      %dma_start3A_236 = arith.constant 0 : i32
      %dma_start3A_237 = tpu.memref_slice %arg2[%squeeze3A_221, %dma_start3A_235, %dma_start3A_236] : memref<125000x8x64xf32, #tpu.memory_space<hbm>> -> memref<1x8x64xf32, #tpu.memory_space<hbm>>
      %dma_start3A_238 = tpu.memref_squeeze %dma_start3A_237 : memref<1x8x64xf32, #tpu.memory_space<hbm>> -> memref<8x64xf32, #tpu.memory_space<hbm>>
      tpu.enqueue_dma source(%dma_start3A_238 : memref<8x64xf32, #tpu.memory_space<hbm>>) target(%dma_start3A_234 : memref<8x64xf32, #tpu.memory_space<vmem>>) target_semaphore(%arg11 : memref<!tpu.dma_semaphore, #tpu.memory_space<semaphore_mem>>)
      %slice3A_239 = vector.extract_strided_slice %shift_right_logical3A_48 {offsets = [10], sizes = [1], strides = [1]} : vector<16xi32> to vector<1xi32>
      %squeeze3A_240 = vector.extract %slice3A_239[0] : i32 from vector<1xi32>
      %dma_start3A_241 = arith.constant 10 : i32
      %dma_start3A_242 = arith.constant 0 : i32
      %dma_start3A_243 = arith.constant 0 : i32
      %dma_start3A_244 = tpu.memref_slice %arg8[%dma_start3A_241, %dma_start3A_242, %dma_start3A_243] : memref<16x8x64xf32, #tpu.memory_space<vmem>> -> memref<1x8x64xf32, #tpu.memory_space<vmem>>
      %dma_start3A_245 = tpu.memref_squeeze %dma_start3A_244 : memref<1x8x64xf32, #tpu.memory_space<vmem>> -> memref<8x64xf32, #tpu.memory_space<vmem>>
      %dma_start3A_246 = arith.constant 0 : i32
      %dma_start3A_247 = arith.constant 0 : i32
      %dma_start3A_248 = tpu.memref_slice %arg2[%squeeze3A_240, %dma_start3A_246, %dma_start3A_247] : memref<125000x8x64xf32, #tpu.memory_space<hbm>> -> memref<1x8x64xf32, #tpu.memory_space<hbm>>
      %dma_start3A_249 = tpu.memref_squeeze %dma_start3A_248 : memref<1x8x64xf32, #tpu.memory_space<hbm>> -> memref<8x64xf32, #tpu.memory_space<hbm>>
      %dma_start3A_250 = arith.constant 0 : i32
      %dma_start3A_251 = arith.constant 0 : i32
      %dma_start3A_252 = tpu.memref_slice %arg8[%dma_start3A_241, %dma_start3A_250, %dma_start3A_251] : memref<16x8x64xf32, #tpu.memory_space<vmem>> -> memref<1x8x64xf32, #tpu.memory_space<vmem>>
      %dma_start3A_253 = tpu.memref_squeeze %dma_start3A_252 : memref<1x8x64xf32, #tpu.memory_space<vmem>> -> memref<8x64xf32, #tpu.memory_space<vmem>>
      %dma_start3A_254 = arith.constant 0 : i32
      %dma_start3A_255 = arith.constant 0 : i32
      %dma_start3A_256 = tpu.memref_slice %arg2[%squeeze3A_240, %dma_start3A_254, %dma_start3A_255] : memref<125000x8x64xf32, #tpu.memory_space<hbm>> -> memref<1x8x64xf32, #tpu.memory_space<hbm>>
      %dma_start3A_257 = tpu.memref_squeeze %dma_start3A_256 : memref<1x8x64xf32, #tpu.memory_space<hbm>> -> memref<8x64xf32, #tpu.memory_space<hbm>>
      tpu.enqueue_dma source(%dma_start3A_257 : memref<8x64xf32, #tpu.memory_space<hbm>>) target(%dma_start3A_253 : memref<8x64xf32, #tpu.memory_space<vmem>>) target_semaphore(%arg11 : memref<!tpu.dma_semaphore, #tpu.memory_space<semaphore_mem>>)
      %slice3A_258 = vector.extract_strided_slice %shift_right_logical3A_48 {offsets = [11], sizes = [1], strides = [1]} : vector<16xi32> to vector<1xi32>
      %squeeze3A_259 = vector.extract %slice3A_258[0] : i32 from vector<1xi32>
      %dma_start3A_260 = arith.constant 11 : i32
      %dma_start3A_261 = arith.constant 0 : i32
      %dma_start3A_262 = arith.constant 0 : i32
      %dma_start3A_263 = tpu.memref_slice %arg8[%dma_start3A_260, %dma_start3A_261, %dma_start3A_262] : memref<16x8x64xf32, #tpu.memory_space<vmem>> -> memref<1x8x64xf32, #tpu.memory_space<vmem>>
      %dma_start3A_264 = tpu.memref_squeeze %dma_start3A_263 : memref<1x8x64xf32, #tpu.memory_space<vmem>> -> memref<8x64xf32, #tpu.memory_space<vmem>>
      %dma_start3A_265 = arith.constant 0 : i32
      %dma_start3A_266 = arith.constant 0 : i32
      %dma_start3A_267 = tpu.memref_slice %arg2[%squeeze3A_259, %dma_start3A_265, %dma_start3A_266] : memref<125000x8x64xf32, #tpu.memory_space<hbm>> -> memref<1x8x64xf32, #tpu.memory_space<hbm>>
      %dma_start3A_268 = tpu.memref_squeeze %dma_start3A_267 : memref<1x8x64xf32, #tpu.memory_space<hbm>> -> memref<8x64xf32, #tpu.memory_space<hbm>>
      %dma_start3A_269 = arith.constant 0 : i32
      %dma_start3A_270 = arith.constant 0 : i32
      %dma_start3A_271 = tpu.memref_slice %arg8[%dma_start3A_260, %dma_start3A_269, %dma_start3A_270] : memref<16x8x64xf32, #tpu.memory_space<vmem>> -> memref<1x8x64xf32, #tpu.memory_space<vmem>>
      %dma_start3A_272 = tpu.memref_squeeze %dma_start3A_271 : memref<1x8x64xf32, #tpu.memory_space<vmem>> -> memref<8x64xf32, #tpu.memory_space<vmem>>
      %dma_start3A_273 = arith.constant 0 : i32
      %dma_start3A_274 = arith.constant 0 : i32
      %dma_start3A_275 = tpu.memref_slice %arg2[%squeeze3A_259, %dma_start3A_273, %dma_start3A_274] : memref<125000x8x64xf32, #tpu.memory_space<hbm>> -> memref<1x8x64xf32, #tpu.memory_space<hbm>>
      %dma_start3A_276 = tpu.memref_squeeze %dma_start3A_275 : memref<1x8x64xf32, #tpu.memory_space<hbm>> -> memref<8x64xf32, #tpu.memory_space<hbm>>
      tpu.enqueue_dma source(%dma_start3A_276 : memref<8x64xf32, #tpu.memory_space<hbm>>) target(%dma_start3A_272 : memref<8x64xf32, #tpu.memory_space<vmem>>) target_semaphore(%arg11 : memref<!tpu.dma_semaphore, #tpu.memory_space<semaphore_mem>>)
      %slice3A_277 = vector.extract_strided_slice %shift_right_logical3A_48 {offsets = [12], sizes = [1], strides = [1]} : vector<16xi32> to vector<1xi32>
      %squeeze3A_278 = vector.extract %slice3A_277[0] : i32 from vector<1xi32>
      %dma_start3A_279 = arith.constant 12 : i32
      %dma_start3A_280 = arith.constant 0 : i32
      %dma_start3A_281 = arith.constant 0 : i32
      %dma_start3A_282 = tpu.memref_slice %arg8[%dma_start3A_279, %dma_start3A_280, %dma_start3A_281] : memref<16x8x64xf32, #tpu.memory_space<vmem>> -> memref<1x8x64xf32, #tpu.memory_space<vmem>>
      %dma_start3A_283 = tpu.memref_squeeze %dma_start3A_282 : memref<1x8x64xf32, #tpu.memory_space<vmem>> -> memref<8x64xf32, #tpu.memory_space<vmem>>
      %dma_start3A_284 = arith.constant 0 : i32
      %dma_start3A_285 = arith.constant 0 : i32
      %dma_start3A_286 = tpu.memref_slice %arg2[%squeeze3A_278, %dma_start3A_284, %dma_start3A_285] : memref<125000x8x64xf32, #tpu.memory_space<hbm>> -> memref<1x8x64xf32, #tpu.memory_space<hbm>>
      %dma_start3A_287 = tpu.memref_squeeze %dma_start3A_286 : memref<1x8x64xf32, #tpu.memory_space<hbm>> -> memref<8x64xf32, #tpu.memory_space<hbm>>
      %dma_start3A_288 = arith.constant 0 : i32
      %dma_start3A_289 = arith.constant 0 : i32
      %dma_start3A_290 = tpu.memref_slice %arg8[%dma_start3A_279, %dma_start3A_288, %dma_start3A_289] : memref<16x8x64xf32, #tpu.memory_space<vmem>> -> memref<1x8x64xf32, #tpu.memory_space<vmem>>
      %dma_start3A_291 = tpu.memref_squeeze %dma_start3A_290 : memref<1x8x64xf32, #tpu.memory_space<vmem>> -> memref<8x64xf32, #tpu.memory_space<vmem>>
      %dma_start3A_292 = arith.constant 0 : i32
      %dma_start3A_293 = arith.constant 0 : i32
      %dma_start3A_294 = tpu.memref_slice %arg2[%squeeze3A_278, %dma_start3A_292, %dma_start3A_293] : memref<125000x8x64xf32, #tpu.memory_space<hbm>> -> memref<1x8x64xf32, #tpu.memory_space<hbm>>
      %dma_start3A_295 = tpu.memref_squeeze %dma_start3A_294 : memref<1x8x64xf32, #tpu.memory_space<hbm>> -> memref<8x64xf32, #tpu.memory_space<hbm>>
      tpu.enqueue_dma source(%dma_start3A_295 : memref<8x64xf32, #tpu.memory_space<hbm>>) target(%dma_start3A_291 : memref<8x64xf32, #tpu.memory_space<vmem>>) target_semaphore(%arg11 : memref<!tpu.dma_semaphore, #tpu.memory_space<semaphore_mem>>)
      %slice3A_296 = vector.extract_strided_slice %shift_right_logical3A_48 {offsets = [13], sizes = [1], strides = [1]} : vector<16xi32> to vector<1xi32>
      %squeeze3A_297 = vector.extract %slice3A_296[0] : i32 from vector<1xi32>
      %dma_start3A_298 = arith.constant 13 : i32
      %dma_start3A_299 = arith.constant 0 : i32
      %dma_start3A_300 = arith.constant 0 : i32
      %dma_start3A_301 = tpu.memref_slice %arg8[%dma_start3A_298, %dma_start3A_299, %dma_start3A_300] : memref<16x8x64xf32, #tpu.memory_space<vmem>> -> memref<1x8x64xf32, #tpu.memory_space<vmem>>
      %dma_start3A_302 = tpu.memref_squeeze %dma_start3A_301 : memref<1x8x64xf32, #tpu.memory_space<vmem>> -> memref<8x64xf32, #tpu.memory_space<vmem>>
      %dma_start3A_303 = arith.constant 0 : i32
      %dma_start3A_304 = arith.constant 0 : i32
      %dma_start3A_305 = tpu.memref_slice %arg2[%squeeze3A_297, %dma_start3A_303, %dma_start3A_304] : memref<125000x8x64xf32, #tpu.memory_space<hbm>> -> memref<1x8x64xf32, #tpu.memory_space<hbm>>
      %dma_start3A_306 = tpu.memref_squeeze %dma_start3A_305 : memref<1x8x64xf32, #tpu.memory_space<hbm>> -> memref<8x64xf32, #tpu.memory_space<hbm>>
      %dma_start3A_307 = arith.constant 0 : i32
      %dma_start3A_308 = arith.constant 0 : i32
      %dma_start3A_309 = tpu.memref_slice %arg8[%dma_start3A_298, %dma_start3A_307, %dma_start3A_308] : memref<16x8x64xf32, #tpu.memory_space<vmem>> -> memref<1x8x64xf32, #tpu.memory_space<vmem>>
      %dma_start3A_310 = tpu.memref_squeeze %dma_start3A_309 : memref<1x8x64xf32, #tpu.memory_space<vmem>> -> memref<8x64xf32, #tpu.memory_space<vmem>>
      %dma_start3A_311 = arith.constant 0 : i32
      %dma_start3A_312 = arith.constant 0 : i32
      %dma_start3A_313 = tpu.memref_slice %arg2[%squeeze3A_297, %dma_start3A_311, %dma_start3A_312] : memref<125000x8x64xf32, #tpu.memory_space<hbm>> -> memref<1x8x64xf32, #tpu.memory_space<hbm>>
      %dma_start3A_314 = tpu.memref_squeeze %dma_start3A_313 : memref<1x8x64xf32, #tpu.memory_space<hbm>> -> memref<8x64xf32, #tpu.memory_space<hbm>>
      tpu.enqueue_dma source(%dma_start3A_314 : memref<8x64xf32, #tpu.memory_space<hbm>>) target(%dma_start3A_310 : memref<8x64xf32, #tpu.memory_space<vmem>>) target_semaphore(%arg11 : memref<!tpu.dma_semaphore, #tpu.memory_space<semaphore_mem>>)
      %slice3A_315 = vector.extract_strided_slice %shift_right_logical3A_48 {offsets = [14], sizes = [1], strides = [1]} : vector<16xi32> to vector<1xi32>
      %squeeze3A_316 = vector.extract %slice3A_315[0] : i32 from vector<1xi32>
      %dma_start3A_317 = arith.constant 14 : i32
      %dma_start3A_318 = arith.constant 0 : i32
      %dma_start3A_319 = arith.constant 0 : i32
      %dma_start3A_320 = tpu.memref_slice %arg8[%dma_start3A_317, %dma_start3A_318, %dma_start3A_319] : memref<16x8x64xf32, #tpu.memory_space<vmem>> -> memref<1x8x64xf32, #tpu.memory_space<vmem>>
      %dma_start3A_321 = tpu.memref_squeeze %dma_start3A_320 : memref<1x8x64xf32, #tpu.memory_space<vmem>> -> memref<8x64xf32, #tpu.memory_space<vmem>>
      %dma_start3A_322 = arith.constant 0 : i32
      %dma_start3A_323 = arith.constant 0 : i32
      %dma_start3A_324 = tpu.memref_slice %arg2[%squeeze3A_316, %dma_start3A_322, %dma_start3A_323] : memref<125000x8x64xf32, #tpu.memory_space<hbm>> -> memref<1x8x64xf32, #tpu.memory_space<hbm>>
      %dma_start3A_325 = tpu.memref_squeeze %dma_start3A_324 : memref<1x8x64xf32, #tpu.memory_space<hbm>> -> memref<8x64xf32, #tpu.memory_space<hbm>>
      %dma_start3A_326 = arith.constant 0 : i32
      %dma_start3A_327 = arith.constant 0 : i32
      %dma_start3A_328 = tpu.memref_slice %arg8[%dma_start3A_317, %dma_start3A_326, %dma_start3A_327] : memref<16x8x64xf32, #tpu.memory_space<vmem>> -> memref<1x8x64xf32, #tpu.memory_space<vmem>>
      %dma_start3A_329 = tpu.memref_squeeze %dma_start3A_328 : memref<1x8x64xf32, #tpu.memory_space<vmem>> -> memref<8x64xf32, #tpu.memory_space<vmem>>
      %dma_start3A_330 = arith.constant 0 : i32
      %dma_start3A_331 = arith.constant 0 : i32
      %dma_start3A_332 = tpu.memref_slice %arg2[%squeeze3A_316, %dma_start3A_330, %dma_start3A_331] : memref<125000x8x64xf32, #tpu.memory_space<hbm>> -> memref<1x8x64xf32, #tpu.memory_space<hbm>>
      %dma_start3A_333 = tpu.memref_squeeze %dma_start3A_332 : memref<1x8x64xf32, #tpu.memory_space<hbm>> -> memref<8x64xf32, #tpu.memory_space<hbm>>
      tpu.enqueue_dma source(%dma_start3A_333 : memref<8x64xf32, #tpu.memory_space<hbm>>) target(%dma_start3A_329 : memref<8x64xf32, #tpu.memory_space<vmem>>) target_semaphore(%arg11 : memref<!tpu.dma_semaphore, #tpu.memory_space<semaphore_mem>>)
      %slice3A_334 = vector.extract_strided_slice %shift_right_logical3A_48 {offsets = [15], sizes = [1], strides = [1]} : vector<16xi32> to vector<1xi32>
      %squeeze3A_335 = vector.extract %slice3A_334[0] : i32 from vector<1xi32>
      %dma_start3A_336 = arith.constant 15 : i32
      %dma_start3A_337 = arith.constant 0 : i32
      %dma_start3A_338 = arith.constant 0 : i32
      %dma_start3A_339 = tpu.memref_slice %arg8[%dma_start3A_336, %dma_start3A_337, %dma_start3A_338] : memref<16x8x64xf32, #tpu.memory_space<vmem>> -> memref<1x8x64xf32, #tpu.memory_space<vmem>>
      %dma_start3A_340 = tpu.memref_squeeze %dma_start3A_339 : memref<1x8x64xf32, #tpu.memory_space<vmem>> -> memref<8x64xf32, #tpu.memory_space<vmem>>
      %dma_start3A_341 = arith.constant 0 : i32
      %dma_start3A_342 = arith.constant 0 : i32
      %dma_start3A_343 = tpu.memref_slice %arg2[%squeeze3A_335, %dma_start3A_341, %dma_start3A_342] : memref<125000x8x64xf32, #tpu.memory_space<hbm>> -> memref<1x8x64xf32, #tpu.memory_space<hbm>>
      %dma_start3A_344 = tpu.memref_squeeze %dma_start3A_343 : memref<1x8x64xf32, #tpu.memory_space<hbm>> -> memref<8x64xf32, #tpu.memory_space<hbm>>
      %dma_start3A_345 = arith.constant 0 : i32
      %dma_start3A_346 = arith.constant 0 : i32
      %dma_start3A_347 = tpu.memref_slice %arg8[%dma_start3A_336, %dma_start3A_345, %dma_start3A_346] : memref<16x8x64xf32, #tpu.memory_space<vmem>> -> memref<1x8x64xf32, #tpu.memory_space<vmem>>
      %dma_start3A_348 = tpu.memref_squeeze %dma_start3A_347 : memref<1x8x64xf32, #tpu.memory_space<vmem>> -> memref<8x64xf32, #tpu.memory_space<vmem>>
      %dma_start3A_349 = arith.constant 0 : i32
      %dma_start3A_350 = arith.constant 0 : i32
      %dma_start3A_351 = tpu.memref_slice %arg2[%squeeze3A_335, %dma_start3A_349, %dma_start3A_350] : memref<125000x8x64xf32, #tpu.memory_space<hbm>> -> memref<1x8x64xf32, #tpu.memory_space<hbm>>
      %dma_start3A_352 = tpu.memref_squeeze %dma_start3A_351 : memref<1x8x64xf32, #tpu.memory_space<hbm>> -> memref<8x64xf32, #tpu.memory_space<hbm>>
      tpu.enqueue_dma source(%dma_start3A_352 : memref<8x64xf32, #tpu.memory_space<hbm>>) target(%dma_start3A_348 : memref<8x64xf32, #tpu.memory_space<vmem>>) target_semaphore(%arg11 : memref<!tpu.dma_semaphore, #tpu.memory_space<semaphore_mem>>)
      %dma_wait3A_353 = arith.constant 0 : i32
      %dma_wait3A_354 = arith.constant 0 : i32
      %dma_wait3A_355 = arith.constant 0 : i32
      %dma_wait3A_356 = tpu.memref_slice %arg8[%dma_wait3A_353, %dma_wait3A_354, %dma_wait3A_355] : memref<16x8x64xf32, #tpu.memory_space<vmem>> -> memref<1x8x64xf32, #tpu.memory_space<vmem>>
      %dma_wait3A_357 = tpu.memref_squeeze %dma_wait3A_356 : memref<1x8x64xf32, #tpu.memory_space<vmem>> -> memref<8x64xf32, #tpu.memory_space<vmem>>
      %dma_wait3A_358 = arith.constant 0 : i32
      %dma_wait3A_359 = arith.constant 0 : i32
      %dma_wait3A_360 = tpu.memref_slice %arg2[%squeeze3A, %dma_wait3A_358, %dma_wait3A_359] : memref<125000x8x64xf32, #tpu.memory_space<hbm>> -> memref<1x8x64xf32, #tpu.memory_space<hbm>>
      %dma_wait3A_361 = tpu.memref_squeeze %dma_wait3A_360 : memref<1x8x64xf32, #tpu.memory_space<hbm>> -> memref<8x64xf32, #tpu.memory_space<hbm>>
      %dma_wait3A_362 = arith.constant 0 : i32
      %dma_wait3A_363 = arith.constant 0 : i32
      %dma_wait3A_364 = tpu.memref_slice %arg8[%dma_wait3A_353, %dma_wait3A_362, %dma_wait3A_363] : memref<16x8x64xf32, #tpu.memory_space<vmem>> -> memref<1x8x64xf32, #tpu.memory_space<vmem>>
      %dma_wait3A_365 = tpu.memref_squeeze %dma_wait3A_364 : memref<1x8x64xf32, #tpu.memory_space<vmem>> -> memref<8x64xf32, #tpu.memory_space<vmem>>
      %dma_wait3A_366 = arith.constant 0 : i32
      %dma_wait3A_367 = arith.constant 0 : i32
      %dma_wait3A_368 = tpu.memref_slice %arg2[%squeeze3A, %dma_wait3A_366, %dma_wait3A_367] : memref<125000x8x64xf32, #tpu.memory_space<hbm>> -> memref<1x8x64xf32, #tpu.memory_space<hbm>>
      %dma_wait3A_369 = tpu.memref_squeeze %dma_wait3A_368 : memref<1x8x64xf32, #tpu.memory_space<hbm>> -> memref<8x64xf32, #tpu.memory_space<hbm>>
      tpu.wait_dma2 semaphore(%arg11 : memref<!tpu.dma_semaphore, #tpu.memory_space<semaphore_mem>>) src(%dma_wait3A_369 : memref<8x64xf32, #tpu.memory_space<hbm>>) dst(%dma_wait3A_365 : memref<8x64xf32, #tpu.memory_space<vmem>>)
      %dma_wait3A_370 = arith.constant 1 : i32
      %dma_wait3A_371 = arith.constant 0 : i32
      %dma_wait3A_372 = arith.constant 0 : i32
      %dma_wait3A_373 = tpu.memref_slice %arg8[%dma_wait3A_370, %dma_wait3A_371, %dma_wait3A_372] : memref<16x8x64xf32, #tpu.memory_space<vmem>> -> memref<1x8x64xf32, #tpu.memory_space<vmem>>
      %dma_wait3A_374 = tpu.memref_squeeze %dma_wait3A_373 : memref<1x8x64xf32, #tpu.memory_space<vmem>> -> memref<8x64xf32, #tpu.memory_space<vmem>>
      %dma_wait3A_375 = arith.constant 0 : i32
      %dma_wait3A_376 = arith.constant 0 : i32
      %dma_wait3A_377 = tpu.memref_slice %arg2[%squeeze3A_69, %dma_wait3A_375, %dma_wait3A_376] : memref<125000x8x64xf32, #tpu.memory_space<hbm>> -> memref<1x8x64xf32, #tpu.memory_space<hbm>>
      %dma_wait3A_378 = tpu.memref_squeeze %dma_wait3A_377 : memref<1x8x64xf32, #tpu.memory_space<hbm>> -> memref<8x64xf32, #tpu.memory_space<hbm>>
      %dma_wait3A_379 = arith.constant 0 : i32
      %dma_wait3A_380 = arith.constant 0 : i32
      %dma_wait3A_381 = tpu.memref_slice %arg8[%dma_wait3A_370, %dma_wait3A_379, %dma_wait3A_380] : memref<16x8x64xf32, #tpu.memory_space<vmem>> -> memref<1x8x64xf32, #tpu.memory_space<vmem>>
      %dma_wait3A_382 = tpu.memref_squeeze %dma_wait3A_381 : memref<1x8x64xf32, #tpu.memory_space<vmem>> -> memref<8x64xf32, #tpu.memory_space<vmem>>
      %dma_wait3A_383 = arith.constant 0 : i32
      %dma_wait3A_384 = arith.constant 0 : i32
      %dma_wait3A_385 = tpu.memref_slice %arg2[%squeeze3A_69, %dma_wait3A_383, %dma_wait3A_384] : memref<125000x8x64xf32, #tpu.memory_space<hbm>> -> memref<1x8x64xf32, #tpu.memory_space<hbm>>
      %dma_wait3A_386 = tpu.memref_squeeze %dma_wait3A_385 : memref<1x8x64xf32, #tpu.memory_space<hbm>> -> memref<8x64xf32, #tpu.memory_space<hbm>>
      tpu.wait_dma2 semaphore(%arg11 : memref<!tpu.dma_semaphore, #tpu.memory_space<semaphore_mem>>) src(%dma_wait3A_386 : memref<8x64xf32, #tpu.memory_space<hbm>>) dst(%dma_wait3A_382 : memref<8x64xf32, #tpu.memory_space<vmem>>)
      %dma_wait3A_387 = arith.constant 2 : i32
      %dma_wait3A_388 = arith.constant 0 : i32
      %dma_wait3A_389 = arith.constant 0 : i32
      %dma_wait3A_390 = tpu.memref_slice %arg8[%dma_wait3A_387, %dma_wait3A_388, %dma_wait3A_389] : memref<16x8x64xf32, #tpu.memory_space<vmem>> -> memref<1x8x64xf32, #tpu.memory_space<vmem>>
      %dma_wait3A_391 = tpu.memref_squeeze %dma_wait3A_390 : memref<1x8x64xf32, #tpu.memory_space<vmem>> -> memref<8x64xf32, #tpu.memory_space<vmem>>
      %dma_wait3A_392 = arith.constant 0 : i32
      %dma_wait3A_393 = arith.constant 0 : i32
      %dma_wait3A_394 = tpu.memref_slice %arg2[%squeeze3A_88, %dma_wait3A_392, %dma_wait3A_393] : memref<125000x8x64xf32, #tpu.memory_space<hbm>> -> memref<1x8x64xf32, #tpu.memory_space<hbm>>
      %dma_wait3A_395 = tpu.memref_squeeze %dma_wait3A_394 : memref<1x8x64xf32, #tpu.memory_space<hbm>> -> memref<8x64xf32, #tpu.memory_space<hbm>>
      %dma_wait3A_396 = arith.constant 0 : i32
      %dma_wait3A_397 = arith.constant 0 : i32
      %dma_wait3A_398 = tpu.memref_slice %arg8[%dma_wait3A_387, %dma_wait3A_396, %dma_wait3A_397] : memref<16x8x64xf32, #tpu.memory_space<vmem>> -> memref<1x8x64xf32, #tpu.memory_space<vmem>>
      %dma_wait3A_399 = tpu.memref_squeeze %dma_wait3A_398 : memref<1x8x64xf32, #tpu.memory_space<vmem>> -> memref<8x64xf32, #tpu.memory_space<vmem>>
      %dma_wait3A_400 = arith.constant 0 : i32
      %dma_wait3A_401 = arith.constant 0 : i32
      %dma_wait3A_402 = tpu.memref_slice %arg2[%squeeze3A_88, %dma_wait3A_400, %dma_wait3A_401] : memref<125000x8x64xf32, #tpu.memory_space<hbm>> -> memref<1x8x64xf32, #tpu.memory_space<hbm>>
      %dma_wait3A_403 = tpu.memref_squeeze %dma_wait3A_402 : memref<1x8x64xf32, #tpu.memory_space<hbm>> -> memref<8x64xf32, #tpu.memory_space<hbm>>
      tpu.wait_dma2 semaphore(%arg11 : memref<!tpu.dma_semaphore, #tpu.memory_space<semaphore_mem>>) src(%dma_wait3A_403 : memref<8x64xf32, #tpu.memory_space<hbm>>) dst(%dma_wait3A_399 : memref<8x64xf32, #tpu.memory_space<vmem>>)
      %dma_wait3A_404 = arith.constant 3 : i32
      %dma_wait3A_405 = arith.constant 0 : i32
      %dma_wait3A_406 = arith.constant 0 : i32
      %dma_wait3A_407 = tpu.memref_slice %arg8[%dma_wait3A_404, %dma_wait3A_405, %dma_wait3A_406] : memref<16x8x64xf32, #tpu.memory_space<vmem>> -> memref<1x8x64xf32, #tpu.memory_space<vmem>>
      %dma_wait3A_408 = tpu.memref_squeeze %dma_wait3A_407 : memref<1x8x64xf32, #tpu.memory_space<vmem>> -> memref<8x64xf32, #tpu.memory_space<vmem>>
      %dma_wait3A_409 = arith.constant 0 : i32
      %dma_wait3A_410 = arith.constant 0 : i32
      %dma_wait3A_411 = tpu.memref_slice %arg2[%squeeze3A_107, %dma_wait3A_409, %dma_wait3A_410] : memref<125000x8x64xf32, #tpu.memory_space<hbm>> -> memref<1x8x64xf32, #tpu.memory_space<hbm>>
      %dma_wait3A_412 = tpu.memref_squeeze %dma_wait3A_411 : memref<1x8x64xf32, #tpu.memory_space<hbm>> -> memref<8x64xf32, #tpu.memory_space<hbm>>
      %dma_wait3A_413 = arith.constant 0 : i32
      %dma_wait3A_414 = arith.constant 0 : i32
      %dma_wait3A_415 = tpu.memref_slice %arg8[%dma_wait3A_404, %dma_wait3A_413, %dma_wait3A_414] : memref<16x8x64xf32, #tpu.memory_space<vmem>> -> memref<1x8x64xf32, #tpu.memory_space<vmem>>
      %dma_wait3A_416 = tpu.memref_squeeze %dma_wait3A_415 : memref<1x8x64xf32, #tpu.memory_space<vmem>> -> memref<8x64xf32, #tpu.memory_space<vmem>>
      %dma_wait3A_417 = arith.constant 0 : i32
      %dma_wait3A_418 = arith.constant 0 : i32
      %dma_wait3A_419 = tpu.memref_slice %arg2[%squeeze3A_107, %dma_wait3A_417, %dma_wait3A_418] : memref<125000x8x64xf32, #tpu.memory_space<hbm>> -> memref<1x8x64xf32, #tpu.memory_space<hbm>>
      %dma_wait3A_420 = tpu.memref_squeeze %dma_wait3A_419 : memref<1x8x64xf32, #tpu.memory_space<hbm>> -> memref<8x64xf32, #tpu.memory_space<hbm>>
      tpu.wait_dma2 semaphore(%arg11 : memref<!tpu.dma_semaphore, #tpu.memory_space<semaphore_mem>>) src(%dma_wait3A_420 : memref<8x64xf32, #tpu.memory_space<hbm>>) dst(%dma_wait3A_416 : memref<8x64xf32, #tpu.memory_space<vmem>>)
      %dma_wait3A_421 = arith.constant 4 : i32
      %dma_wait3A_422 = arith.constant 0 : i32
      %dma_wait3A_423 = arith.constant 0 : i32
      %dma_wait3A_424 = tpu.memref_slice %arg8[%dma_wait3A_421, %dma_wait3A_422, %dma_wait3A_423] : memref<16x8x64xf32, #tpu.memory_space<vmem>> -> memref<1x8x64xf32, #tpu.memory_space<vmem>>
      %dma_wait3A_425 = tpu.memref_squeeze %dma_wait3A_424 : memref<1x8x64xf32, #tpu.memory_space<vmem>> -> memref<8x64xf32, #tpu.memory_space<vmem>>
      %dma_wait3A_426 = arith.constant 0 : i32
      %dma_wait3A_427 = arith.constant 0 : i32
      %dma_wait3A_428 = tpu.memref_slice %arg2[%squeeze3A_126, %dma_wait3A_426, %dma_wait3A_427] : memref<125000x8x64xf32, #tpu.memory_space<hbm>> -> memref<1x8x64xf32, #tpu.memory_space<hbm>>
      %dma_wait3A_429 = tpu.memref_squeeze %dma_wait3A_428 : memref<1x8x64xf32, #tpu.memory_space<hbm>> -> memref<8x64xf32, #tpu.memory_space<hbm>>
      %dma_wait3A_430 = arith.constant 0 : i32
      %dma_wait3A_431 = arith.constant 0 : i32
      %dma_wait3A_432 = tpu.memref_slice %arg8[%dma_wait3A_421, %dma_wait3A_430, %dma_wait3A_431] : memref<16x8x64xf32, #tpu.memory_space<vmem>> -> memref<1x8x64xf32, #tpu.memory_space<vmem>>
      %dma_wait3A_433 = tpu.memref_squeeze %dma_wait3A_432 : memref<1x8x64xf32, #tpu.memory_space<vmem>> -> memref<8x64xf32, #tpu.memory_space<vmem>>
      %dma_wait3A_434 = arith.constant 0 : i32
      %dma_wait3A_435 = arith.constant 0 : i32
      %dma_wait3A_436 = tpu.memref_slice %arg2[%squeeze3A_126, %dma_wait3A_434, %dma_wait3A_435] : memref<125000x8x64xf32, #tpu.memory_space<hbm>> -> memref<1x8x64xf32, #tpu.memory_space<hbm>>
      %dma_wait3A_437 = tpu.memref_squeeze %dma_wait3A_436 : memref<1x8x64xf32, #tpu.memory_space<hbm>> -> memref<8x64xf32, #tpu.memory_space<hbm>>
      tpu.wait_dma2 semaphore(%arg11 : memref<!tpu.dma_semaphore, #tpu.memory_space<semaphore_mem>>) src(%dma_wait3A_437 : memref<8x64xf32, #tpu.memory_space<hbm>>) dst(%dma_wait3A_433 : memref<8x64xf32, #tpu.memory_space<vmem>>)
      %dma_wait3A_438 = arith.constant 5 : i32
      %dma_wait3A_439 = arith.constant 0 : i32
      %dma_wait3A_440 = arith.constant 0 : i32
      %dma_wait3A_441 = tpu.memref_slice %arg8[%dma_wait3A_438, %dma_wait3A_439, %dma_wait3A_440] : memref<16x8x64xf32, #tpu.memory_space<vmem>> -> memref<1x8x64xf32, #tpu.memory_space<vmem>>
      %dma_wait3A_442 = tpu.memref_squeeze %dma_wait3A_441 : memref<1x8x64xf32, #tpu.memory_space<vmem>> -> memref<8x64xf32, #tpu.memory_space<vmem>>
      %dma_wait3A_443 = arith.constant 0 : i32
      %dma_wait3A_444 = arith.constant 0 : i32
      %dma_wait3A_445 = tpu.memref_slice %arg2[%squeeze3A_145, %dma_wait3A_443, %dma_wait3A_444] : memref<125000x8x64xf32, #tpu.memory_space<hbm>> -> memref<1x8x64xf32, #tpu.memory_space<hbm>>
      %dma_wait3A_446 = tpu.memref_squeeze %dma_wait3A_445 : memref<1x8x64xf32, #tpu.memory_space<hbm>> -> memref<8x64xf32, #tpu.memory_space<hbm>>
      %dma_wait3A_447 = arith.constant 0 : i32
      %dma_wait3A_448 = arith.constant 0 : i32
      %dma_wait3A_449 = tpu.memref_slice %arg8[%dma_wait3A_438, %dma_wait3A_447, %dma_wait3A_448] : memref<16x8x64xf32, #tpu.memory_space<vmem>> -> memref<1x8x64xf32, #tpu.memory_space<vmem>>
      %dma_wait3A_450 = tpu.memref_squeeze %dma_wait3A_449 : memref<1x8x64xf32, #tpu.memory_space<vmem>> -> memref<8x64xf32, #tpu.memory_space<vmem>>
      %dma_wait3A_451 = arith.constant 0 : i32
      %dma_wait3A_452 = arith.constant 0 : i32
      %dma_wait3A_453 = tpu.memref_slice %arg2[%squeeze3A_145, %dma_wait3A_451, %dma_wait3A_452] : memref<125000x8x64xf32, #tpu.memory_space<hbm>> -> memref<1x8x64xf32, #tpu.memory_space<hbm>>
      %dma_wait3A_454 = tpu.memref_squeeze %dma_wait3A_453 : memref<1x8x64xf32, #tpu.memory_space<hbm>> -> memref<8x64xf32, #tpu.memory_space<hbm>>
      tpu.wait_dma2 semaphore(%arg11 : memref<!tpu.dma_semaphore, #tpu.memory_space<semaphore_mem>>) src(%dma_wait3A_454 : memref<8x64xf32, #tpu.memory_space<hbm>>) dst(%dma_wait3A_450 : memref<8x64xf32, #tpu.memory_space<vmem>>)
      %dma_wait3A_455 = arith.constant 6 : i32
      %dma_wait3A_456 = arith.constant 0 : i32
      %dma_wait3A_457 = arith.constant 0 : i32
      %dma_wait3A_458 = tpu.memref_slice %arg8[%dma_wait3A_455, %dma_wait3A_456, %dma_wait3A_457] : memref<16x8x64xf32, #tpu.memory_space<vmem>> -> memref<1x8x64xf32, #tpu.memory_space<vmem>>
      %dma_wait3A_459 = tpu.memref_squeeze %dma_wait3A_458 : memref<1x8x64xf32, #tpu.memory_space<vmem>> -> memref<8x64xf32, #tpu.memory_space<vmem>>
      %dma_wait3A_460 = arith.constant 0 : i32
      %dma_wait3A_461 = arith.constant 0 : i32
      %dma_wait3A_462 = tpu.memref_slice %arg2[%squeeze3A_164, %dma_wait3A_460, %dma_wait3A_461] : memref<125000x8x64xf32, #tpu.memory_space<hbm>> -> memref<1x8x64xf32, #tpu.memory_space<hbm>>
      %dma_wait3A_463 = tpu.memref_squeeze %dma_wait3A_462 : memref<1x8x64xf32, #tpu.memory_space<hbm>> -> memref<8x64xf32, #tpu.memory_space<hbm>>
      %dma_wait3A_464 = arith.constant 0 : i32
      %dma_wait3A_465 = arith.constant 0 : i32
      %dma_wait3A_466 = tpu.memref_slice %arg8[%dma_wait3A_455, %dma_wait3A_464, %dma_wait3A_465] : memref<16x8x64xf32, #tpu.memory_space<vmem>> -> memref<1x8x64xf32, #tpu.memory_space<vmem>>
      %dma_wait3A_467 = tpu.memref_squeeze %dma_wait3A_466 : memref<1x8x64xf32, #tpu.memory_space<vmem>> -> memref<8x64xf32, #tpu.memory_space<vmem>>
      %dma_wait3A_468 = arith.constant 0 : i32
      %dma_wait3A_469 = arith.constant 0 : i32
      %dma_wait3A_470 = tpu.memref_slice %arg2[%squeeze3A_164, %dma_wait3A_468, %dma_wait3A_469] : memref<125000x8x64xf32, #tpu.memory_space<hbm>> -> memref<1x8x64xf32, #tpu.memory_space<hbm>>
      %dma_wait3A_471 = tpu.memref_squeeze %dma_wait3A_470 : memref<1x8x64xf32, #tpu.memory_space<hbm>> -> memref<8x64xf32, #tpu.memory_space<hbm>>
      tpu.wait_dma2 semaphore(%arg11 : memref<!tpu.dma_semaphore, #tpu.memory_space<semaphore_mem>>) src(%dma_wait3A_471 : memref<8x64xf32, #tpu.memory_space<hbm>>) dst(%dma_wait3A_467 : memref<8x64xf32, #tpu.memory_space<vmem>>)
      %dma_wait3A_472 = arith.constant 7 : i32
      %dma_wait3A_473 = arith.constant 0 : i32
      %dma_wait3A_474 = arith.constant 0 : i32
      %dma_wait3A_475 = tpu.memref_slice %arg8[%dma_wait3A_472, %dma_wait3A_473, %dma_wait3A_474] : memref<16x8x64xf32, #tpu.memory_space<vmem>> -> memref<1x8x64xf32, #tpu.memory_space<vmem>>
      %dma_wait3A_476 = tpu.memref_squeeze %dma_wait3A_475 : memref<1x8x64xf32, #tpu.memory_space<vmem>> -> memref<8x64xf32, #tpu.memory_space<vmem>>
      %dma_wait3A_477 = arith.constant 0 : i32
      %dma_wait3A_478 = arith.constant 0 : i32
      %dma_wait3A_479 = tpu.memref_slice %arg2[%squeeze3A_183, %dma_wait3A_477, %dma_wait3A_478] : memref<125000x8x64xf32, #tpu.memory_space<hbm>> -> memref<1x8x64xf32, #tpu.memory_space<hbm>>
      %dma_wait3A_480 = tpu.memref_squeeze %dma_wait3A_479 : memref<1x8x64xf32, #tpu.memory_space<hbm>> -> memref<8x64xf32, #tpu.memory_space<hbm>>
      %dma_wait3A_481 = arith.constant 0 : i32
      %dma_wait3A_482 = arith.constant 0 : i32
      %dma_wait3A_483 = tpu.memref_slice %arg8[%dma_wait3A_472, %dma_wait3A_481, %dma_wait3A_482] : memref<16x8x64xf32, #tpu.memory_space<vmem>> -> memref<1x8x64xf32, #tpu.memory_space<vmem>>
      %dma_wait3A_484 = tpu.memref_squeeze %dma_wait3A_483 : memref<1x8x64xf32, #tpu.memory_space<vmem>> -> memref<8x64xf32, #tpu.memory_space<vmem>>
      %dma_wait3A_485 = arith.constant 0 : i32
      %dma_wait3A_486 = arith.constant 0 : i32
      %dma_wait3A_487 = tpu.memref_slice %arg2[%squeeze3A_183, %dma_wait3A_485, %dma_wait3A_486] : memref<125000x8x64xf32, #tpu.memory_space<hbm>> -> memref<1x8x64xf32, #tpu.memory_space<hbm>>
      %dma_wait3A_488 = tpu.memref_squeeze %dma_wait3A_487 : memref<1x8x64xf32, #tpu.memory_space<hbm>> -> memref<8x64xf32, #tpu.memory_space<hbm>>
      tpu.wait_dma2 semaphore(%arg11 : memref<!tpu.dma_semaphore, #tpu.memory_space<semaphore_mem>>) src(%dma_wait3A_488 : memref<8x64xf32, #tpu.memory_space<hbm>>) dst(%dma_wait3A_484 : memref<8x64xf32, #tpu.memory_space<vmem>>)
      %dma_wait3A_489 = arith.constant 8 : i32
      %dma_wait3A_490 = arith.constant 0 : i32
      %dma_wait3A_491 = arith.constant 0 : i32
      %dma_wait3A_492 = tpu.memref_slice %arg8[%dma_wait3A_489, %dma_wait3A_490, %dma_wait3A_491] : memref<16x8x64xf32, #tpu.memory_space<vmem>> -> memref<1x8x64xf32, #tpu.memory_space<vmem>>
      %dma_wait3A_493 = tpu.memref_squeeze %dma_wait3A_492 : memref<1x8x64xf32, #tpu.memory_space<vmem>> -> memref<8x64xf32, #tpu.memory_space<vmem>>
      %dma_wait3A_494 = arith.constant 0 : i32
      %dma_wait3A_495 = arith.constant 0 : i32
      %dma_wait3A_496 = tpu.memref_slice %arg2[%squeeze3A_202, %dma_wait3A_494, %dma_wait3A_495] : memref<125000x8x64xf32, #tpu.memory_space<hbm>> -> memref<1x8x64xf32, #tpu.memory_space<hbm>>
      %dma_wait3A_497 = tpu.memref_squeeze %dma_wait3A_496 : memref<1x8x64xf32, #tpu.memory_space<hbm>> -> memref<8x64xf32, #tpu.memory_space<hbm>>
      %dma_wait3A_498 = arith.constant 0 : i32
      %dma_wait3A_499 = arith.constant 0 : i32
      %dma_wait3A_500 = tpu.memref_slice %arg8[%dma_wait3A_489, %dma_wait3A_498, %dma_wait3A_499] : memref<16x8x64xf32, #tpu.memory_space<vmem>> -> memref<1x8x64xf32, #tpu.memory_space<vmem>>
      %dma_wait3A_501 = tpu.memref_squeeze %dma_wait3A_500 : memref<1x8x64xf32, #tpu.memory_space<vmem>> -> memref<8x64xf32, #tpu.memory_space<vmem>>
      %dma_wait3A_502 = arith.constant 0 : i32
      %dma_wait3A_503 = arith.constant 0 : i32
      %dma_wait3A_504 = tpu.memref_slice %arg2[%squeeze3A_202, %dma_wait3A_502, %dma_wait3A_503] : memref<125000x8x64xf32, #tpu.memory_space<hbm>> -> memref<1x8x64xf32, #tpu.memory_space<hbm>>
      %dma_wait3A_505 = tpu.memref_squeeze %dma_wait3A_504 : memref<1x8x64xf32, #tpu.memory_space<hbm>> -> memref<8x64xf32, #tpu.memory_space<hbm>>
      tpu.wait_dma2 semaphore(%arg11 : memref<!tpu.dma_semaphore, #tpu.memory_space<semaphore_mem>>) src(%dma_wait3A_505 : memref<8x64xf32, #tpu.memory_space<hbm>>) dst(%dma_wait3A_501 : memref<8x64xf32, #tpu.memory_space<vmem>>)
      %dma_wait3A_506 = arith.constant 9 : i32
      %dma_wait3A_507 = arith.constant 0 : i32
      %dma_wait3A_508 = arith.constant 0 : i32
      %dma_wait3A_509 = tpu.memref_slice %arg8[%dma_wait3A_506, %dma_wait3A_507, %dma_wait3A_508] : memref<16x8x64xf32, #tpu.memory_space<vmem>> -> memref<1x8x64xf32, #tpu.memory_space<vmem>>
      %dma_wait3A_510 = tpu.memref_squeeze %dma_wait3A_509 : memref<1x8x64xf32, #tpu.memory_space<vmem>> -> memref<8x64xf32, #tpu.memory_space<vmem>>
      %dma_wait3A_511 = arith.constant 0 : i32
      %dma_wait3A_512 = arith.constant 0 : i32
      %dma_wait3A_513 = tpu.memref_slice %arg2[%squeeze3A_221, %dma_wait3A_511, %dma_wait3A_512] : memref<125000x8x64xf32, #tpu.memory_space<hbm>> -> memref<1x8x64xf32, #tpu.memory_space<hbm>>
      %dma_wait3A_514 = tpu.memref_squeeze %dma_wait3A_513 : memref<1x8x64xf32, #tpu.memory_space<hbm>> -> memref<8x64xf32, #tpu.memory_space<hbm>>
      %dma_wait3A_515 = arith.constant 0 : i32
      %dma_wait3A_516 = arith.constant 0 : i32
      %dma_wait3A_517 = tpu.memref_slice %arg8[%dma_wait3A_506, %dma_wait3A_515, %dma_wait3A_516] : memref<16x8x64xf32, #tpu.memory_space<vmem>> -> memref<1x8x64xf32, #tpu.memory_space<vmem>>
      %dma_wait3A_518 = tpu.memref_squeeze %dma_wait3A_517 : memref<1x8x64xf32, #tpu.memory_space<vmem>> -> memref<8x64xf32, #tpu.memory_space<vmem>>
      %dma_wait3A_519 = arith.constant 0 : i32
      %dma_wait3A_520 = arith.constant 0 : i32
      %dma_wait3A_521 = tpu.memref_slice %arg2[%squeeze3A_221, %dma_wait3A_519, %dma_wait3A_520] : memref<125000x8x64xf32, #tpu.memory_space<hbm>> -> memref<1x8x64xf32, #tpu.memory_space<hbm>>
      %dma_wait3A_522 = tpu.memref_squeeze %dma_wait3A_521 : memref<1x8x64xf32, #tpu.memory_space<hbm>> -> memref<8x64xf32, #tpu.memory_space<hbm>>
      tpu.wait_dma2 semaphore(%arg11 : memref<!tpu.dma_semaphore, #tpu.memory_space<semaphore_mem>>) src(%dma_wait3A_522 : memref<8x64xf32, #tpu.memory_space<hbm>>) dst(%dma_wait3A_518 : memref<8x64xf32, #tpu.memory_space<vmem>>)
      %dma_wait3A_523 = arith.constant 10 : i32
      %dma_wait3A_524 = arith.constant 0 : i32
      %dma_wait3A_525 = arith.constant 0 : i32
      %dma_wait3A_526 = tpu.memref_slice %arg8[%dma_wait3A_523, %dma_wait3A_524, %dma_wait3A_525] : memref<16x8x64xf32, #tpu.memory_space<vmem>> -> memref<1x8x64xf32, #tpu.memory_space<vmem>>
      %dma_wait3A_527 = tpu.memref_squeeze %dma_wait3A_526 : memref<1x8x64xf32, #tpu.memory_space<vmem>> -> memref<8x64xf32, #tpu.memory_space<vmem>>
      %dma_wait3A_528 = arith.constant 0 : i32
      %dma_wait3A_529 = arith.constant 0 : i32
      %dma_wait3A_530 = tpu.memref_slice %arg2[%squeeze3A_240, %dma_wait3A_528, %dma_wait3A_529] : memref<125000x8x64xf32, #tpu.memory_space<hbm>> -> memref<1x8x64xf32, #tpu.memory_space<hbm>>
      %dma_wait3A_531 = tpu.memref_squeeze %dma_wait3A_530 : memref<1x8x64xf32, #tpu.memory_space<hbm>> -> memref<8x64xf32, #tpu.memory_space<hbm>>
      %dma_wait3A_532 = arith.constant 0 : i32
      %dma_wait3A_533 = arith.constant 0 : i32
      %dma_wait3A_534 = tpu.memref_slice %arg8[%dma_wait3A_523, %dma_wait3A_532, %dma_wait3A_533] : memref<16x8x64xf32, #tpu.memory_space<vmem>> -> memref<1x8x64xf32, #tpu.memory_space<vmem>>
      %dma_wait3A_535 = tpu.memref_squeeze %dma_wait3A_534 : memref<1x8x64xf32, #tpu.memory_space<vmem>> -> memref<8x64xf32, #tpu.memory_space<vmem>>
      %dma_wait3A_536 = arith.constant 0 : i32
      %dma_wait3A_537 = arith.constant 0 : i32
      %dma_wait3A_538 = tpu.memref_slice %arg2[%squeeze3A_240, %dma_wait3A_536, %dma_wait3A_537] : memref<125000x8x64xf32, #tpu.memory_space<hbm>> -> memref<1x8x64xf32, #tpu.memory_space<hbm>>
      %dma_wait3A_539 = tpu.memref_squeeze %dma_wait3A_538 : memref<1x8x64xf32, #tpu.memory_space<hbm>> -> memref<8x64xf32, #tpu.memory_space<hbm>>
      tpu.wait_dma2 semaphore(%arg11 : memref<!tpu.dma_semaphore, #tpu.memory_space<semaphore_mem>>) src(%dma_wait3A_539 : memref<8x64xf32, #tpu.memory_space<hbm>>) dst(%dma_wait3A_535 : memref<8x64xf32, #tpu.memory_space<vmem>>)
      %dma_wait3A_540 = arith.constant 11 : i32
      %dma_wait3A_541 = arith.constant 0 : i32
      %dma_wait3A_542 = arith.constant 0 : i32
      %dma_wait3A_543 = tpu.memref_slice %arg8[%dma_wait3A_540, %dma_wait3A_541, %dma_wait3A_542] : memref<16x8x64xf32, #tpu.memory_space<vmem>> -> memref<1x8x64xf32, #tpu.memory_space<vmem>>
      %dma_wait3A_544 = tpu.memref_squeeze %dma_wait3A_543 : memref<1x8x64xf32, #tpu.memory_space<vmem>> -> memref<8x64xf32, #tpu.memory_space<vmem>>
      %dma_wait3A_545 = arith.constant 0 : i32
      %dma_wait3A_546 = arith.constant 0 : i32
      %dma_wait3A_547 = tpu.memref_slice %arg2[%squeeze3A_259, %dma_wait3A_545, %dma_wait3A_546] : memref<125000x8x64xf32, #tpu.memory_space<hbm>> -> memref<1x8x64xf32, #tpu.memory_space<hbm>>
      %dma_wait3A_548 = tpu.memref_squeeze %dma_wait3A_547 : memref<1x8x64xf32, #tpu.memory_space<hbm>> -> memref<8x64xf32, #tpu.memory_space<hbm>>
      %dma_wait3A_549 = arith.constant 0 : i32
      %dma_wait3A_550 = arith.constant 0 : i32
      %dma_wait3A_551 = tpu.memref_slice %arg8[%dma_wait3A_540, %dma_wait3A_549, %dma_wait3A_550] : memref<16x8x64xf32, #tpu.memory_space<vmem>> -> memref<1x8x64xf32, #tpu.memory_space<vmem>>
      %dma_wait3A_552 = tpu.memref_squeeze %dma_wait3A_551 : memref<1x8x64xf32, #tpu.memory_space<vmem>> -> memref<8x64xf32, #tpu.memory_space<vmem>>
      %dma_wait3A_553 = arith.constant 0 : i32
      %dma_wait3A_554 = arith.constant 0 : i32
      %dma_wait3A_555 = tpu.memref_slice %arg2[%squeeze3A_259, %dma_wait3A_553, %dma_wait3A_554] : memref<125000x8x64xf32, #tpu.memory_space<hbm>> -> memref<1x8x64xf32, #tpu.memory_space<hbm>>
      %dma_wait3A_556 = tpu.memref_squeeze %dma_wait3A_555 : memref<1x8x64xf32, #tpu.memory_space<hbm>> -> memref<8x64xf32, #tpu.memory_space<hbm>>
      tpu.wait_dma2 semaphore(%arg11 : memref<!tpu.dma_semaphore, #tpu.memory_space<semaphore_mem>>) src(%dma_wait3A_556 : memref<8x64xf32, #tpu.memory_space<hbm>>) dst(%dma_wait3A_552 : memref<8x64xf32, #tpu.memory_space<vmem>>)
      %dma_wait3A_557 = arith.constant 12 : i32
      %dma_wait3A_558 = arith.constant 0 : i32
      %dma_wait3A_559 = arith.constant 0 : i32
      %dma_wait3A_560 = tpu.memref_slice %arg8[%dma_wait3A_557, %dma_wait3A_558, %dma_wait3A_559] : memref<16x8x64xf32, #tpu.memory_space<vmem>> -> memref<1x8x64xf32, #tpu.memory_space<vmem>>
      %dma_wait3A_561 = tpu.memref_squeeze %dma_wait3A_560 : memref<1x8x64xf32, #tpu.memory_space<vmem>> -> memref<8x64xf32, #tpu.memory_space<vmem>>
      %dma_wait3A_562 = arith.constant 0 : i32
      %dma_wait3A_563 = arith.constant 0 : i32
      %dma_wait3A_564 = tpu.memref_slice %arg2[%squeeze3A_278, %dma_wait3A_562, %dma_wait3A_563] : memref<125000x8x64xf32, #tpu.memory_space<hbm>> -> memref<1x8x64xf32, #tpu.memory_space<hbm>>
      %dma_wait3A_565 = tpu.memref_squeeze %dma_wait3A_564 : memref<1x8x64xf32, #tpu.memory_space<hbm>> -> memref<8x64xf32, #tpu.memory_space<hbm>>
      %dma_wait3A_566 = arith.constant 0 : i32
      %dma_wait3A_567 = arith.constant 0 : i32
      %dma_wait3A_568 = tpu.memref_slice %arg8[%dma_wait3A_557, %dma_wait3A_566, %dma_wait3A_567] : memref<16x8x64xf32, #tpu.memory_space<vmem>> -> memref<1x8x64xf32, #tpu.memory_space<vmem>>
      %dma_wait3A_569 = tpu.memref_squeeze %dma_wait3A_568 : memref<1x8x64xf32, #tpu.memory_space<vmem>> -> memref<8x64xf32, #tpu.memory_space<vmem>>
      %dma_wait3A_570 = arith.constant 0 : i32
      %dma_wait3A_571 = arith.constant 0 : i32
      %dma_wait3A_572 = tpu.memref_slice %arg2[%squeeze3A_278, %dma_wait3A_570, %dma_wait3A_571] : memref<125000x8x64xf32, #tpu.memory_space<hbm>> -> memref<1x8x64xf32, #tpu.memory_space<hbm>>
      %dma_wait3A_573 = tpu.memref_squeeze %dma_wait3A_572 : memref<1x8x64xf32, #tpu.memory_space<hbm>> -> memref<8x64xf32, #tpu.memory_space<hbm>>
      tpu.wait_dma2 semaphore(%arg11 : memref<!tpu.dma_semaphore, #tpu.memory_space<semaphore_mem>>) src(%dma_wait3A_573 : memref<8x64xf32, #tpu.memory_space<hbm>>) dst(%dma_wait3A_569 : memref<8x64xf32, #tpu.memory_space<vmem>>)
      %dma_wait3A_574 = arith.constant 13 : i32
      %dma_wait3A_575 = arith.constant 0 : i32
      %dma_wait3A_576 = arith.constant 0 : i32
      %dma_wait3A_577 = tpu.memref_slice %arg8[%dma_wait3A_574, %dma_wait3A_575, %dma_wait3A_576] : memref<16x8x64xf32, #tpu.memory_space<vmem>> -> memref<1x8x64xf32, #tpu.memory_space<vmem>>
      %dma_wait3A_578 = tpu.memref_squeeze %dma_wait3A_577 : memref<1x8x64xf32, #tpu.memory_space<vmem>> -> memref<8x64xf32, #tpu.memory_space<vmem>>
      %dma_wait3A_579 = arith.constant 0 : i32
      %dma_wait3A_580 = arith.constant 0 : i32
      %dma_wait3A_581 = tpu.memref_slice %arg2[%squeeze3A_297, %dma_wait3A_579, %dma_wait3A_580] : memref<125000x8x64xf32, #tpu.memory_space<hbm>> -> memref<1x8x64xf32, #tpu.memory_space<hbm>>
      %dma_wait3A_582 = tpu.memref_squeeze %dma_wait3A_581 : memref<1x8x64xf32, #tpu.memory_space<hbm>> -> memref<8x64xf32, #tpu.memory_space<hbm>>
      %dma_wait3A_583 = arith.constant 0 : i32
      %dma_wait3A_584 = arith.constant 0 : i32
      %dma_wait3A_585 = tpu.memref_slice %arg8[%dma_wait3A_574, %dma_wait3A_583, %dma_wait3A_584] : memref<16x8x64xf32, #tpu.memory_space<vmem>> -> memref<1x8x64xf32, #tpu.memory_space<vmem>>
      %dma_wait3A_586 = tpu.memref_squeeze %dma_wait3A_585 : memref<1x8x64xf32, #tpu.memory_space<vmem>> -> memref<8x64xf32, #tpu.memory_space<vmem>>
      %dma_wait3A_587 = arith.constant 0 : i32
      %dma_wait3A_588 = arith.constant 0 : i32
      %dma_wait3A_589 = tpu.memref_slice %arg2[%squeeze3A_297, %dma_wait3A_587, %dma_wait3A_588] : memref<125000x8x64xf32, #tpu.memory_space<hbm>> -> memref<1x8x64xf32, #tpu.memory_space<hbm>>
      %dma_wait3A_590 = tpu.memref_squeeze %dma_wait3A_589 : memref<1x8x64xf32, #tpu.memory_space<hbm>> -> memref<8x64xf32, #tpu.memory_space<hbm>>
      tpu.wait_dma2 semaphore(%arg11 : memref<!tpu.dma_semaphore, #tpu.memory_space<semaphore_mem>>) src(%dma_wait3A_590 : memref<8x64xf32, #tpu.memory_space<hbm>>) dst(%dma_wait3A_586 : memref<8x64xf32, #tpu.memory_space<vmem>>)
      %dma_wait3A_591 = arith.constant 14 : i32
      %dma_wait3A_592 = arith.constant 0 : i32
      %dma_wait3A_593 = arith.constant 0 : i32
      %dma_wait3A_594 = tpu.memref_slice %arg8[%dma_wait3A_591, %dma_wait3A_592, %dma_wait3A_593] : memref<16x8x64xf32, #tpu.memory_space<vmem>> -> memref<1x8x64xf32, #tpu.memory_space<vmem>>
      %dma_wait3A_595 = tpu.memref_squeeze %dma_wait3A_594 : memref<1x8x64xf32, #tpu.memory_space<vmem>> -> memref<8x64xf32, #tpu.memory_space<vmem>>
      %dma_wait3A_596 = arith.constant 0 : i32
      %dma_wait3A_597 = arith.constant 0 : i32
      %dma_wait3A_598 = tpu.memref_slice %arg2[%squeeze3A_316, %dma_wait3A_596, %dma_wait3A_597] : memref<125000x8x64xf32, #tpu.memory_space<hbm>> -> memref<1x8x64xf32, #tpu.memory_space<hbm>>
      %dma_wait3A_599 = tpu.memref_squeeze %dma_wait3A_598 : memref<1x8x64xf32, #tpu.memory_space<hbm>> -> memref<8x64xf32, #tpu.memory_space<hbm>>
      %dma_wait3A_600 = arith.constant 0 : i32
      %dma_wait3A_601 = arith.constant 0 : i32
      %dma_wait3A_602 = tpu.memref_slice %arg8[%dma_wait3A_591, %dma_wait3A_600, %dma_wait3A_601] : memref<16x8x64xf32, #tpu.memory_space<vmem>> -> memref<1x8x64xf32, #tpu.memory_space<vmem>>
      %dma_wait3A_603 = tpu.memref_squeeze %dma_wait3A_602 : memref<1x8x64xf32, #tpu.memory_space<vmem>> -> memref<8x64xf32, #tpu.memory_space<vmem>>
      %dma_wait3A_604 = arith.constant 0 : i32
      %dma_wait3A_605 = arith.constant 0 : i32
      %dma_wait3A_606 = tpu.memref_slice %arg2[%squeeze3A_316, %dma_wait3A_604, %dma_wait3A_605] : memref<125000x8x64xf32, #tpu.memory_space<hbm>> -> memref<1x8x64xf32, #tpu.memory_space<hbm>>
      %dma_wait3A_607 = tpu.memref_squeeze %dma_wait3A_606 : memref<1x8x64xf32, #tpu.memory_space<hbm>> -> memref<8x64xf32, #tpu.memory_space<hbm>>
      tpu.wait_dma2 semaphore(%arg11 : memref<!tpu.dma_semaphore, #tpu.memory_space<semaphore_mem>>) src(%dma_wait3A_607 : memref<8x64xf32, #tpu.memory_space<hbm>>) dst(%dma_wait3A_603 : memref<8x64xf32, #tpu.memory_space<vmem>>)
      %dma_wait3A_608 = arith.constant 15 : i32
      %dma_wait3A_609 = arith.constant 0 : i32
      %dma_wait3A_610 = arith.constant 0 : i32
      %dma_wait3A_611 = tpu.memref_slice %arg8[%dma_wait3A_608, %dma_wait3A_609, %dma_wait3A_610] : memref<16x8x64xf32, #tpu.memory_space<vmem>> -> memref<1x8x64xf32, #tpu.memory_space<vmem>>
      %dma_wait3A_612 = tpu.memref_squeeze %dma_wait3A_611 : memref<1x8x64xf32, #tpu.memory_space<vmem>> -> memref<8x64xf32, #tpu.memory_space<vmem>>
      %dma_wait3A_613 = arith.constant 0 : i32
      %dma_wait3A_614 = arith.constant 0 : i32
      %dma_wait3A_615 = tpu.memref_slice %arg2[%squeeze3A_335, %dma_wait3A_613, %dma_wait3A_614] : memref<125000x8x64xf32, #tpu.memory_space<hbm>> -> memref<1x8x64xf32, #tpu.memory_space<hbm>>
      %dma_wait3A_616 = tpu.memref_squeeze %dma_wait3A_615 : memref<1x8x64xf32, #tpu.memory_space<hbm>> -> memref<8x64xf32, #tpu.memory_space<hbm>>
      %dma_wait3A_617 = arith.constant 0 : i32
      %dma_wait3A_618 = arith.constant 0 : i32
      %dma_wait3A_619 = tpu.memref_slice %arg8[%dma_wait3A_608, %dma_wait3A_617, %dma_wait3A_618] : memref<16x8x64xf32, #tpu.memory_space<vmem>> -> memref<1x8x64xf32, #tpu.memory_space<vmem>>
      %dma_wait3A_620 = tpu.memref_squeeze %dma_wait3A_619 : memref<1x8x64xf32, #tpu.memory_space<vmem>> -> memref<8x64xf32, #tpu.memory_space<vmem>>
      %dma_wait3A_621 = arith.constant 0 : i32
      %dma_wait3A_622 = arith.constant 0 : i32
      %dma_wait3A_623 = tpu.memref_slice %arg2[%squeeze3A_335, %dma_wait3A_621, %dma_wait3A_622] : memref<125000x8x64xf32, #tpu.memory_space<hbm>> -> memref<1x8x64xf32, #tpu.memory_space<hbm>>
      %dma_wait3A_624 = tpu.memref_squeeze %dma_wait3A_623 : memref<1x8x64xf32, #tpu.memory_space<hbm>> -> memref<8x64xf32, #tpu.memory_space<hbm>>
      tpu.wait_dma2 semaphore(%arg11 : memref<!tpu.dma_semaphore, #tpu.memory_space<semaphore_mem>>) src(%dma_wait3A_624 : memref<8x64xf32, #tpu.memory_space<hbm>>) dst(%dma_wait3A_620 : memref<8x64xf32, #tpu.memory_space<vmem>>)
      %slice3A_625 = vector.extract_strided_slice %and3A_50 {offsets = [0], sizes = [1], strides = [1]} : vector<16xi32> to vector<1xi32>
      %squeeze3A_626 = vector.extract %slice3A_625[0] : i32 from vector<1xi32>
      %get3A_627 = arith.constant 0 : i32
      %get3A_628 = arith.index_cast %get3A_627 : i32 to index
      %get3A_629 = arith.index_cast %squeeze3A_626 : i32 to index
      %get3A_630 = arith.constant 0 : index
      %get3A_631 = tpu.vector_load %arg8[%get3A_628, %get3A_629, %get3A_630] {strides = array<i32>} : memref<16x8x64xf32, #tpu.memory_space<vmem>>, vector<1x1x16xf32>,
      %get3A_632 = vector.shape_cast %get3A_631 : vector<1x1x16xf32> to vector<16xf32>
      %mul3A_633 = arith.constant 16 : i32
      %mul3A_634 = arith.muli %scan3A_42, %mul3A_633 : i32
      %add3A_635 = arith.constant 0 : i32
      %add3A_636 = arith.addi %mul3A_634, %add3A_635 : i32
      %swap3A = arith.index_cast %add3A_636 : i32 to index
      %swap3A_637 = arith.constant 0 : index
      %swap3A_638 = tpu.vector_load %arg9[%swap3A, %swap3A_637] {strides = array<i32>} : memref<384x64xf32, #tpu.memory_space<vmem>>, vector<1x16xf32>,
      %swap3A_639 = vector.shape_cast %swap3A_638 : vector<1x16xf32> to vector<16xf32>
      %swap3A_640 = vector.shape_cast %get3A_632 : vector<16xf32> to vector<1x16xf32>
      tpu.vector_store %arg9[%swap3A, %swap3A_637], %swap3A_640 {strides = array<i32>} : memref<384x64xf32, #tpu.memory_space<vmem>>, vector<1x16xf32>,
      %get3A_641 = arith.constant 0 : i32
      %get3A_642 = arith.index_cast %get3A_641 : i32 to index
      %get3A_643 = arith.index_cast %squeeze3A_626 : i32 to index
      %get3A_644 = arith.constant 16 : index
      %get3A_645 = tpu.vector_load %arg8[%get3A_642, %get3A_643, %get3A_644] {strides = array<i32>} : memref<16x8x64xf32, #tpu.memory_space<vmem>>, vector<1x1x16xf32>,
      %get3A_646 = vector.shape_cast %get3A_645 : vector<1x1x16xf32> to vector<16xf32>
      %mul3A_647 = arith.constant 16 : i32
      %mul3A_648 = arith.muli %scan3A_42, %mul3A_647 : i32
      %add3A_649 = arith.constant 0 : i32
      %add3A_650 = arith.addi %mul3A_648, %add3A_649 : i32
      %swap3A_651 = arith.index_cast %add3A_650 : i32 to index
      %swap3A_652 = arith.constant 16 : index
      %swap3A_653 = tpu.vector_load %arg9[%swap3A_651, %swap3A_652] {strides = array<i32>} : memref<384x64xf32, #tpu.memory_space<vmem>>, vector<1x16xf32>,
      %swap3A_654 = vector.shape_cast %swap3A_653 : vector<1x16xf32> to vector<16xf32>
      %swap3A_655 = vector.shape_cast %get3A_646 : vector<16xf32> to vector<1x16xf32>
      tpu.vector_store %arg9[%swap3A_651, %swap3A_652], %swap3A_655 {strides = array<i32>} : memref<384x64xf32, #tpu.memory_space<vmem>>, vector<1x16xf32>,
      %get3A_656 = arith.constant 0 : i32
      %get3A_657 = arith.index_cast %get3A_656 : i32 to index
      %get3A_658 = arith.index_cast %squeeze3A_626 : i32 to index
      %get3A_659 = arith.constant 32 : index
      %get3A_660 = tpu.vector_load %arg8[%get3A_657, %get3A_658, %get3A_659] {strides = array<i32>} : memref<16x8x64xf32, #tpu.memory_space<vmem>>, vector<1x1x16xf32>,
      %get3A_661 = vector.shape_cast %get3A_660 : vector<1x1x16xf32> to vector<16xf32>
      %mul3A_662 = arith.constant 16 : i32
      %mul3A_663 = arith.muli %scan3A_42, %mul3A_662 : i32
      %add3A_664 = arith.constant 0 : i32
      %add3A_665 = arith.addi %mul3A_663, %add3A_664 : i32
      %swap3A_666 = arith.index_cast %add3A_665 : i32 to index
      %swap3A_667 = arith.constant 32 : index
      %swap3A_668 = tpu.vector_load %arg9[%swap3A_666, %swap3A_667] {strides = array<i32>} : memref<384x64xf32, #tpu.memory_space<vmem>>, vector<1x16xf32>,
      %swap3A_669 = vector.shape_cast %swap3A_668 : vector<1x16xf32> to vector<16xf32>
      %swap3A_670 = vector.shape_cast %get3A_661 : vector<16xf32> to vector<1x16xf32>
      tpu.vector_store %arg9[%swap3A_666, %swap3A_667], %swap3A_670 {strides = array<i32>} : memref<384x64xf32, #tpu.memory_space<vmem>>, vector<1x16xf32>,
      %get3A_671 = arith.constant 0 : i32
      %get3A_672 = arith.index_cast %get3A_671 : i32 to index
      %get3A_673 = arith.index_cast %squeeze3A_626 : i32 to index
      %get3A_674 = arith.constant 48 : index
      %get3A_675 = tpu.vector_load %arg8[%get3A_672, %get3A_673, %get3A_674] {strides = array<i32>} : memref<16x8x64xf32, #tpu.memory_space<vmem>>, vector<1x1x16xf32>,
      %get3A_676 = vector.shape_cast %get3A_675 : vector<1x1x16xf32> to vector<16xf32>
      %mul3A_677 = arith.constant 16 : i32
      %mul3A_678 = arith.muli %scan3A_42, %mul3A_677 : i32
      %add3A_679 = arith.constant 0 : i32
      %add3A_680 = arith.addi %mul3A_678, %add3A_679 : i32
      %swap3A_681 = arith.index_cast %add3A_680 : i32 to index
      %swap3A_682 = arith.constant 48 : index
      %swap3A_683 = tpu.vector_load %arg9[%swap3A_681, %swap3A_682] {strides = array<i32>} : memref<384x64xf32, #tpu.memory_space<vmem>>, vector<1x16xf32>,
      %swap3A_684 = vector.shape_cast %swap3A_683 : vector<1x16xf32> to vector<16xf32>
      %swap3A_685 = vector.shape_cast %get3A_676 : vector<16xf32> to vector<1x16xf32>
      tpu.vector_store %arg9[%swap3A_681, %swap3A_682], %swap3A_685 {strides = array<i32>} : memref<384x64xf32, #tpu.memory_space<vmem>>, vector<1x16xf32>,
      %slice3A_686 = vector.extract_strided_slice %and3A_50 {offsets = [1], sizes = [1], strides = [1]} : vector<16xi32> to vector<1xi32>
      %squeeze3A_687 = vector.extract %slice3A_686[0] : i32 from vector<1xi32>
      %get3A_688 = arith.constant 1 : i32
      %get3A_689 = arith.index_cast %get3A_688 : i32 to index
      %get3A_690 = arith.index_cast %squeeze3A_687 : i32 to index
      %get3A_691 = arith.constant 0 : index
      %get3A_692 = tpu.vector_load %arg8[%get3A_689, %get3A_690, %get3A_691] {strides = array<i32>} : memref<16x8x64xf32, #tpu.memory_space<vmem>>, vector<1x1x16xf32>,
      %get3A_693 = vector.shape_cast %get3A_692 : vector<1x1x16xf32> to vector<16xf32>
      %mul3A_694 = arith.constant 16 : i32
      %mul3A_695 = arith.muli %scan3A_42, %mul3A_694 : i32
      %add3A_696 = arith.constant 1 : i32
      %add3A_697 = arith.addi %mul3A_695, %add3A_696 : i32
      %swap3A_698 = arith.index_cast %add3A_697 : i32 to index
      %swap3A_699 = arith.constant 0 : index
      %swap3A_700 = tpu.vector_load %arg9[%swap3A_698, %swap3A_699] {strides = array<i32>} : memref<384x64xf32, #tpu.memory_space<vmem>>, vector<1x16xf32>,
      %swap3A_701 = vector.shape_cast %swap3A_700 : vector<1x16xf32> to vector<16xf32>
      %swap3A_702 = vector.shape_cast %get3A_693 : vector<16xf32> to vector<1x16xf32>
      tpu.vector_store %arg9[%swap3A_698, %swap3A_699], %swap3A_702 {strides = array<i32>} : memref<384x64xf32, #tpu.memory_space<vmem>>, vector<1x16xf32>,
      %get3A_703 = arith.constant 1 : i32
      %get3A_704 = arith.index_cast %get3A_703 : i32 to index
      %get3A_705 = arith.index_cast %squeeze3A_687 : i32 to index
      %get3A_706 = arith.constant 16 : index
      %get3A_707 = tpu.vector_load %arg8[%get3A_704, %get3A_705, %get3A_706] {strides = array<i32>} : memref<16x8x64xf32, #tpu.memory_space<vmem>>, vector<1x1x16xf32>,
      %get3A_708 = vector.shape_cast %get3A_707 : vector<1x1x16xf32> to vector<16xf32>
      %mul3A_709 = arith.constant 16 : i32
      %mul3A_710 = arith.muli %scan3A_42, %mul3A_709 : i32
      %add3A_711 = arith.constant 1 : i32
      %add3A_712 = arith.addi %mul3A_710, %add3A_711 : i32
      %swap3A_713 = arith.index_cast %add3A_712 : i32 to index
      %swap3A_714 = arith.constant 16 : index
      %swap3A_715 = tpu.vector_load %arg9[%swap3A_713, %swap3A_714] {strides = array<i32>} : memref<384x64xf32, #tpu.memory_space<vmem>>, vector<1x16xf32>,
      %swap3A_716 = vector.shape_cast %swap3A_715 : vector<1x16xf32> to vector<16xf32>
      %swap3A_717 = vector.shape_cast %get3A_708 : vector<16xf32> to vector<1x16xf32>
      tpu.vector_store %arg9[%swap3A_713, %swap3A_714], %swap3A_717 {strides = array<i32>} : memref<384x64xf32, #tpu.memory_space<vmem>>, vector<1x16xf32>,
      %get3A_718 = arith.constant 1 : i32
      %get3A_719 = arith.index_cast %get3A_718 : i32 to index
      %get3A_720 = arith.index_cast %squeeze3A_687 : i32 to index
      %get3A_721 = arith.constant 32 : index
      %get3A_722 = tpu.vector_load %arg8[%get3A_719, %get3A_720, %get3A_721] {strides = array<i32>} : memref<16x8x64xf32, #tpu.memory_space<vmem>>, vector<1x1x16xf32>,
      %get3A_723 = vector.shape_cast %get3A_722 : vector<1x1x16xf32> to vector<16xf32>
      %mul3A_724 = arith.constant 16 : i32
      %mul3A_725 = arith.muli %scan3A_42, %mul3A_724 : i32
      %add3A_726 = arith.constant 1 : i32
      %add3A_727 = arith.addi %mul3A_725, %add3A_726 : i32
      %swap3A_728 = arith.index_cast %add3A_727 : i32 to index
      %swap3A_729 = arith.constant 32 : index
      %swap3A_730 = tpu.vector_load %arg9[%swap3A_728, %swap3A_729] {strides = array<i32>} : memref<384x64xf32, #tpu.memory_space<vmem>>, vector<1x16xf32>,
      %swap3A_731 = vector.shape_cast %swap3A_730 : vector<1x16xf32> to vector<16xf32>
      %swap3A_732 = vector.shape_cast %get3A_723 : vector<16xf32> to vector<1x16xf32>
      tpu.vector_store %arg9[%swap3A_728, %swap3A_729], %swap3A_732 {strides = array<i32>} : memref<384x64xf32, #tpu.memory_space<vmem>>, vector<1x16xf32>,
      %get3A_733 = arith.constant 1 : i32
      %get3A_734 = arith.index_cast %get3A_733 : i32 to index
      %get3A_735 = arith.index_cast %squeeze3A_687 : i32 to index
      %get3A_736 = arith.constant 48 : index
      %get3A_737 = tpu.vector_load %arg8[%get3A_734, %get3A_735, %get3A_736] {strides = array<i32>} : memref<16x8x64xf32, #tpu.memory_space<vmem>>, vector<1x1x16xf32>,
      %get3A_738 = vector.shape_cast %get3A_737 : vector<1x1x16xf32> to vector<16xf32>
      %mul3A_739 = arith.constant 16 : i32
      %mul3A_740 = arith.muli %scan3A_42, %mul3A_739 : i32
      %add3A_741 = arith.constant 1 : i32
      %add3A_742 = arith.addi %mul3A_740, %add3A_741 : i32
      %swap3A_743 = arith.index_cast %add3A_742 : i32 to index
      %swap3A_744 = arith.constant 48 : index
      %swap3A_745 = tpu.vector_load %arg9[%swap3A_743, %swap3A_744] {strides = array<i32>} : memref<384x64xf32, #tpu.memory_space<vmem>>, vector<1x16xf32>,
      %swap3A_746 = vector.shape_cast %swap3A_745 : vector<1x16xf32> to vector<16xf32>
      %swap3A_747 = vector.shape_cast %get3A_738 : vector<16xf32> to vector<1x16xf32>
      tpu.vector_store %arg9[%swap3A_743, %swap3A_744], %swap3A_747 {strides = array<i32>} : memref<384x64xf32, #tpu.memory_space<vmem>>, vector<1x16xf32>,
      %slice3A_748 = vector.extract_strided_slice %and3A_50 {offsets = [2], sizes = [1], strides = [1]} : vector<16xi32> to vector<1xi32>
      %squeeze3A_749 = vector.extract %slice3A_748[0] : i32 from vector<1xi32>
      %get3A_750 = arith.constant 2 : i32
      %get3A_751 = arith.index_cast %get3A_750 : i32 to index
      %get3A_752 = arith.index_cast %squeeze3A_749 : i32 to index
      %get3A_753 = arith.constant 0 : index
      %get3A_754 = tpu.vector_load %arg8[%get3A_751, %get3A_752, %get3A_753] {strides = array<i32>} : memref<16x8x64xf32, #tpu.memory_space<vmem>>, vector<1x1x16xf32>,
      %get3A_755 = vector.shape_cast %get3A_754 : vector<1x1x16xf32> to vector<16xf32>
      %mul3A_756 = arith.constant 16 : i32
      %mul3A_757 = arith.muli %scan3A_42, %mul3A_756 : i32
      %add3A_758 = arith.constant 2 : i32
      %add3A_759 = arith.addi %mul3A_757, %add3A_758 : i32
      %swap3A_760 = arith.index_cast %add3A_759 : i32 to index
      %swap3A_761 = arith.constant 0 : index
      %swap3A_762 = tpu.vector_load %arg9[%swap3A_760, %swap3A_761] {strides = array<i32>} : memref<384x64xf32, #tpu.memory_space<vmem>>, vector<1x16xf32>,
      %swap3A_763 = vector.shape_cast %swap3A_762 : vector<1x16xf32> to vector<16xf32>
      %swap3A_764 = vector.shape_cast %get3A_755 : vector<16xf32> to vector<1x16xf32>
      tpu.vector_store %arg9[%swap3A_760, %swap3A_761], %swap3A_764 {strides = array<i32>} : memref<384x64xf32, #tpu.memory_space<vmem>>, vector<1x16xf32>,
      %get3A_765 = arith.constant 2 : i32
      %get3A_766 = arith.index_cast %get3A_765 : i32 to index
      %get3A_767 = arith.index_cast %squeeze3A_749 : i32 to index
      %get3A_768 = arith.constant 16 : index
      %get3A_769 = tpu.vector_load %arg8[%get3A_766, %get3A_767, %get3A_768] {strides = array<i32>} : memref<16x8x64xf32, #tpu.memory_space<vmem>>, vector<1x1x16xf32>,
      %get3A_770 = vector.shape_cast %get3A_769 : vector<1x1x16xf32> to vector<16xf32>
      %mul3A_771 = arith.constant 16 : i32
      %mul3A_772 = arith.muli %scan3A_42, %mul3A_771 : i32
      %add3A_773 = arith.constant 2 : i32
      %add3A_774 = arith.addi %mul3A_772, %add3A_773 : i32
      %swap3A_775 = arith.index_cast %add3A_774 : i32 to index
      %swap3A_776 = arith.constant 16 : index
      %swap3A_777 = tpu.vector_load %arg9[%swap3A_775, %swap3A_776] {strides = array<i32>} : memref<384x64xf32, #tpu.memory_space<vmem>>, vector<1x16xf32>,
      %swap3A_778 = vector.shape_cast %swap3A_777 : vector<1x16xf32> to vector<16xf32>
      %swap3A_779 = vector.shape_cast %get3A_770 : vector<16xf32> to vector<1x16xf32>
      tpu.vector_store %arg9[%swap3A_775, %swap3A_776], %swap3A_779 {strides = array<i32>} : memref<384x64xf32, #tpu.memory_space<vmem>>, vector<1x16xf32>,
      %get3A_780 = arith.constant 2 : i32
      %get3A_781 = arith.index_cast %get3A_780 : i32 to index
      %get3A_782 = arith.index_cast %squeeze3A_749 : i32 to index
      %get3A_783 = arith.constant 32 : index
      %get3A_784 = tpu.vector_load %arg8[%get3A_781, %get3A_782, %get3A_783] {strides = array<i32>} : memref<16x8x64xf32, #tpu.memory_space<vmem>>, vector<1x1x16xf32>,
      %get3A_785 = vector.shape_cast %get3A_784 : vector<1x1x16xf32> to vector<16xf32>
      %mul3A_786 = arith.constant 16 : i32
      %mul3A_787 = arith.muli %scan3A_42, %mul3A_786 : i32
      %add3A_788 = arith.constant 2 : i32
      %add3A_789 = arith.addi %mul3A_787, %add3A_788 : i32
      %swap3A_790 = arith.index_cast %add3A_789 : i32 to index
      %swap3A_791 = arith.constant 32 : index
      %swap3A_792 = tpu.vector_load %arg9[%swap3A_790, %swap3A_791] {strides = array<i32>} : memref<384x64xf32, #tpu.memory_space<vmem>>, vector<1x16xf32>,
      %swap3A_793 = vector.shape_cast %swap3A_792 : vector<1x16xf32> to vector<16xf32>
      %swap3A_794 = vector.shape_cast %get3A_785 : vector<16xf32> to vector<1x16xf32>
      tpu.vector_store %arg9[%swap3A_790, %swap3A_791], %swap3A_794 {strides = array<i32>} : memref<384x64xf32, #tpu.memory_space<vmem>>, vector<1x16xf32>,
      %get3A_795 = arith.constant 2 : i32
      %get3A_796 = arith.index_cast %get3A_795 : i32 to index
      %get3A_797 = arith.index_cast %squeeze3A_749 : i32 to index
      %get3A_798 = arith.constant 48 : index
      %get3A_799 = tpu.vector_load %arg8[%get3A_796, %get3A_797, %get3A_798] {strides = array<i32>} : memref<16x8x64xf32, #tpu.memory_space<vmem>>, vector<1x1x16xf32>,
      %get3A_800 = vector.shape_cast %get3A_799 : vector<1x1x16xf32> to vector<16xf32>
      %mul3A_801 = arith.constant 16 : i32
      %mul3A_802 = arith.muli %scan3A_42, %mul3A_801 : i32
      %add3A_803 = arith.constant 2 : i32
      %add3A_804 = arith.addi %mul3A_802, %add3A_803 : i32
      %swap3A_805 = arith.index_cast %add3A_804 : i32 to index
      %swap3A_806 = arith.constant 48 : index
      %swap3A_807 = tpu.vector_load %arg9[%swap3A_805, %swap3A_806] {strides = array<i32>} : memref<384x64xf32, #tpu.memory_space<vmem>>, vector<1x16xf32>,
      %swap3A_808 = vector.shape_cast %swap3A_807 : vector<1x16xf32> to vector<16xf32>
      %swap3A_809 = vector.shape_cast %get3A_800 : vector<16xf32> to vector<1x16xf32>
      tpu.vector_store %arg9[%swap3A_805, %swap3A_806], %swap3A_809 {strides = array<i32>} : memref<384x64xf32, #tpu.memory_space<vmem>>, vector<1x16xf32>,
      %slice3A_810 = vector.extract_strided_slice %and3A_50 {offsets = [3], sizes = [1], strides = [1]} : vector<16xi32> to vector<1xi32>
      %squeeze3A_811 = vector.extract %slice3A_810[0] : i32 from vector<1xi32>
      %get3A_812 = arith.constant 3 : i32
      %get3A_813 = arith.index_cast %get3A_812 : i32 to index
      %get3A_814 = arith.index_cast %squeeze3A_811 : i32 to index
      %get3A_815 = arith.constant 0 : index
      %get3A_816 = tpu.vector_load %arg8[%get3A_813, %get3A_814, %get3A_815] {strides = array<i32>} : memref<16x8x64xf32, #tpu.memory_space<vmem>>, vector<1x1x16xf32>,
      %get3A_817 = vector.shape_cast %get3A_816 : vector<1x1x16xf32> to vector<16xf32>
      %mul3A_818 = arith.constant 16 : i32
      %mul3A_819 = arith.muli %scan3A_42, %mul3A_818 : i32
      %add3A_820 = arith.constant 3 : i32
      %add3A_821 = arith.addi %mul3A_819, %add3A_820 : i32
      %swap3A_822 = arith.index_cast %add3A_821 : i32 to index
      %swap3A_823 = arith.constant 0 : index
      %swap3A_824 = tpu.vector_load %arg9[%swap3A_822, %swap3A_823] {strides = array<i32>} : memref<384x64xf32, #tpu.memory_space<vmem>>, vector<1x16xf32>,
      %swap3A_825 = vector.shape_cast %swap3A_824 : vector<1x16xf32> to vector<16xf32>
      %swap3A_826 = vector.shape_cast %get3A_817 : vector<16xf32> to vector<1x16xf32>
      tpu.vector_store %arg9[%swap3A_822, %swap3A_823], %swap3A_826 {strides = array<i32>} : memref<384x64xf32, #tpu.memory_space<vmem>>, vector<1x16xf32>,
      %get3A_827 = arith.constant 3 : i32
      %get3A_828 = arith.index_cast %get3A_827 : i32 to index
      %get3A_829 = arith.index_cast %squeeze3A_811 : i32 to index
      %get3A_830 = arith.constant 16 : index
      %get3A_831 = tpu.vector_load %arg8[%get3A_828, %get3A_829, %get3A_830] {strides = array<i32>} : memref<16x8x64xf32, #tpu.memory_space<vmem>>, vector<1x1x16xf32>,
      %get3A_832 = vector.shape_cast %get3A_831 : vector<1x1x16xf32> to vector<16xf32>
      %mul3A_833 = arith.constant 16 : i32
      %mul3A_834 = arith.muli %scan3A_42, %mul3A_833 : i32
      %add3A_835 = arith.constant 3 : i32
      %add3A_836 = arith.addi %mul3A_834, %add3A_835 : i32
      %swap3A_837 = arith.index_cast %add3A_836 : i32 to index
      %swap3A_838 = arith.constant 16 : index
      %swap3A_839 = tpu.vector_load %arg9[%swap3A_837, %swap3A_838] {strides = array<i32>} : memref<384x64xf32, #tpu.memory_space<vmem>>, vector<1x16xf32>,
      %swap3A_840 = vector.shape_cast %swap3A_839 : vector<1x16xf32> to vector<16xf32>
      %swap3A_841 = vector.shape_cast %get3A_832 : vector<16xf32> to vector<1x16xf32>
      tpu.vector_store %arg9[%swap3A_837, %swap3A_838], %swap3A_841 {strides = array<i32>} : memref<384x64xf32, #tpu.memory_space<vmem>>, vector<1x16xf32>,
      %get3A_842 = arith.constant 3 : i32
      %get3A_843 = arith.index_cast %get3A_842 : i32 to index
      %get3A_844 = arith.index_cast %squeeze3A_811 : i32 to index
      %get3A_845 = arith.constant 32 : index
      %get3A_846 = tpu.vector_load %arg8[%get3A_843, %get3A_844, %get3A_845] {strides = array<i32>} : memref<16x8x64xf32, #tpu.memory_space<vmem>>, vector<1x1x16xf32>,
      %get3A_847 = vector.shape_cast %get3A_846 : vector<1x1x16xf32> to vector<16xf32>
      %mul3A_848 = arith.constant 16 : i32
      %mul3A_849 = arith.muli %scan3A_42, %mul3A_848 : i32
      %add3A_850 = arith.constant 3 : i32
      %add3A_851 = arith.addi %mul3A_849, %add3A_850 : i32
      %swap3A_852 = arith.index_cast %add3A_851 : i32 to index
      %swap3A_853 = arith.constant 32 : index
      %swap3A_854 = tpu.vector_load %arg9[%swap3A_852, %swap3A_853] {strides = array<i32>} : memref<384x64xf32, #tpu.memory_space<vmem>>, vector<1x16xf32>,
      %swap3A_855 = vector.shape_cast %swap3A_854 : vector<1x16xf32> to vector<16xf32>
      %swap3A_856 = vector.shape_cast %get3A_847 : vector<16xf32> to vector<1x16xf32>
      tpu.vector_store %arg9[%swap3A_852, %swap3A_853], %swap3A_856 {strides = array<i32>} : memref<384x64xf32, #tpu.memory_space<vmem>>, vector<1x16xf32>,
      %get3A_857 = arith.constant 3 : i32
      %get3A_858 = arith.index_cast %get3A_857 : i32 to index
      %get3A_859 = arith.index_cast %squeeze3A_811 : i32 to index
      %get3A_860 = arith.constant 48 : index
      %get3A_861 = tpu.vector_load %arg8[%get3A_858, %get3A_859, %get3A_860] {strides = array<i32>} : memref<16x8x64xf32, #tpu.memory_space<vmem>>, vector<1x1x16xf32>,
      %get3A_862 = vector.shape_cast %get3A_861 : vector<1x1x16xf32> to vector<16xf32>
      %mul3A_863 = arith.constant 16 : i32
      %mul3A_864 = arith.muli %scan3A_42, %mul3A_863 : i32
      %add3A_865 = arith.constant 3 : i32
      %add3A_866 = arith.addi %mul3A_864, %add3A_865 : i32
      %swap3A_867 = arith.index_cast %add3A_866 : i32 to index
      %swap3A_868 = arith.constant 48 : index
      %swap3A_869 = tpu.vector_load %arg9[%swap3A_867, %swap3A_868] {strides = array<i32>} : memref<384x64xf32, #tpu.memory_space<vmem>>, vector<1x16xf32>,
      %swap3A_870 = vector.shape_cast %swap3A_869 : vector<1x16xf32> to vector<16xf32>
      %swap3A_871 = vector.shape_cast %get3A_862 : vector<16xf32> to vector<1x16xf32>
      tpu.vector_store %arg9[%swap3A_867, %swap3A_868], %swap3A_871 {strides = array<i32>} : memref<384x64xf32, #tpu.memory_space<vmem>>, vector<1x16xf32>,
      %slice3A_872 = vector.extract_strided_slice %and3A_50 {offsets = [4], sizes = [1], strides = [1]} : vector<16xi32> to vector<1xi32>
      %squeeze3A_873 = vector.extract %slice3A_872[0] : i32 from vector<1xi32>
      %get3A_874 = arith.constant 4 : i32
      %get3A_875 = arith.index_cast %get3A_874 : i32 to index
      %get3A_876 = arith.index_cast %squeeze3A_873 : i32 to index
      %get3A_877 = arith.constant 0 : index
      %get3A_878 = tpu.vector_load %arg8[%get3A_875, %get3A_876, %get3A_877] {strides = array<i32>} : memref<16x8x64xf32, #tpu.memory_space<vmem>>, vector<1x1x16xf32>,
      %get3A_879 = vector.shape_cast %get3A_878 : vector<1x1x16xf32> to vector<16xf32>
      %mul3A_880 = arith.constant 16 : i32
      %mul3A_881 = arith.muli %scan3A_42, %mul3A_880 : i32
      %add3A_882 = arith.constant 4 : i32
      %add3A_883 = arith.addi %mul3A_881, %add3A_882 : i32
      %swap3A_884 = arith.index_cast %add3A_883 : i32 to index
      %swap3A_885 = arith.constant 0 : index
      %swap3A_886 = tpu.vector_load %arg9[%swap3A_884, %swap3A_885] {strides = array<i32>} : memref<384x64xf32, #tpu.memory_space<vmem>>, vector<1x16xf32>,
      %swap3A_887 = vector.shape_cast %swap3A_886 : vector<1x16xf32> to vector<16xf32>
      %swap3A_888 = vector.shape_cast %get3A_879 : vector<16xf32> to vector<1x16xf32>
      tpu.vector_store %arg9[%swap3A_884, %swap3A_885], %swap3A_888 {strides = array<i32>} : memref<384x64xf32, #tpu.memory_space<vmem>>, vector<1x16xf32>,
      %get3A_889 = arith.constant 4 : i32
      %get3A_890 = arith.index_cast %get3A_889 : i32 to index
      %get3A_891 = arith.index_cast %squeeze3A_873 : i32 to index
      %get3A_892 = arith.constant 16 : index
      %get3A_893 = tpu.vector_load %arg8[%get3A_890, %get3A_891, %get3A_892] {strides = array<i32>} : memref<16x8x64xf32, #tpu.memory_space<vmem>>, vector<1x1x16xf32>,
      %get3A_894 = vector.shape_cast %get3A_893 : vector<1x1x16xf32> to vector<16xf32>
      %mul3A_895 = arith.constant 16 : i32
      %mul3A_896 = arith.muli %scan3A_42, %mul3A_895 : i32
      %add3A_897 = arith.constant 4 : i32
      %add3A_898 = arith.addi %mul3A_896, %add3A_897 : i32
      %swap3A_899 = arith.index_cast %add3A_898 : i32 to index
      %swap3A_900 = arith.constant 16 : index
      %swap3A_901 = tpu.vector_load %arg9[%swap3A_899, %swap3A_900] {strides = array<i32>} : memref<384x64xf32, #tpu.memory_space<vmem>>, vector<1x16xf32>,
      %swap3A_902 = vector.shape_cast %swap3A_901 : vector<1x16xf32> to vector<16xf32>
      %swap3A_903 = vector.shape_cast %get3A_894 : vector<16xf32> to vector<1x16xf32>
      tpu.vector_store %arg9[%swap3A_899, %swap3A_900], %swap3A_903 {strides = array<i32>} : memref<384x64xf32, #tpu.memory_space<vmem>>, vector<1x16xf32>,
      %get3A_904 = arith.constant 4 : i32
      %get3A_905 = arith.index_cast %get3A_904 : i32 to index
      %get3A_906 = arith.index_cast %squeeze3A_873 : i32 to index
      %get3A_907 = arith.constant 32 : index
      %get3A_908 = tpu.vector_load %arg8[%get3A_905, %get3A_906, %get3A_907] {strides = array<i32>} : memref<16x8x64xf32, #tpu.memory_space<vmem>>, vector<1x1x16xf32>,
      %get3A_909 = vector.shape_cast %get3A_908 : vector<1x1x16xf32> to vector<16xf32>
      %mul3A_910 = arith.constant 16 : i32
      %mul3A_911 = arith.muli %scan3A_42, %mul3A_910 : i32
      %add3A_912 = arith.constant 4 : i32
      %add3A_913 = arith.addi %mul3A_911, %add3A_912 : i32
      %swap3A_914 = arith.index_cast %add3A_913 : i32 to index
      %swap3A_915 = arith.constant 32 : index
      %swap3A_916 = tpu.vector_load %arg9[%swap3A_914, %swap3A_915] {strides = array<i32>} : memref<384x64xf32, #tpu.memory_space<vmem>>, vector<1x16xf32>,
      %swap3A_917 = vector.shape_cast %swap3A_916 : vector<1x16xf32> to vector<16xf32>
      %swap3A_918 = vector.shape_cast %get3A_909 : vector<16xf32> to vector<1x16xf32>
      tpu.vector_store %arg9[%swap3A_914, %swap3A_915], %swap3A_918 {strides = array<i32>} : memref<384x64xf32, #tpu.memory_space<vmem>>, vector<1x16xf32>,
      %get3A_919 = arith.constant 4 : i32
      %get3A_920 = arith.index_cast %get3A_919 : i32 to index
      %get3A_921 = arith.index_cast %squeeze3A_873 : i32 to index
      %get3A_922 = arith.constant 48 : index
      %get3A_923 = tpu.vector_load %arg8[%get3A_920, %get3A_921, %get3A_922] {strides = array<i32>} : memref<16x8x64xf32, #tpu.memory_space<vmem>>, vector<1x1x16xf32>,
      %get3A_924 = vector.shape_cast %get3A_923 : vector<1x1x16xf32> to vector<16xf32>
      %mul3A_925 = arith.constant 16 : i32
      %mul3A_926 = arith.muli %scan3A_42, %mul3A_925 : i32
      %add3A_927 = arith.constant 4 : i32
      %add3A_928 = arith.addi %mul3A_926, %add3A_927 : i32
      %swap3A_929 = arith.index_cast %add3A_928 : i32 to index
      %swap3A_930 = arith.constant 48 : index
      %swap3A_931 = tpu.vector_load %arg9[%swap3A_929, %swap3A_930] {strides = array<i32>} : memref<384x64xf32, #tpu.memory_space<vmem>>, vector<1x16xf32>,
      %swap3A_932 = vector.shape_cast %swap3A_931 : vector<1x16xf32> to vector<16xf32>
      %swap3A_933 = vector.shape_cast %get3A_924 : vector<16xf32> to vector<1x16xf32>
      tpu.vector_store %arg9[%swap3A_929, %swap3A_930], %swap3A_933 {strides = array<i32>} : memref<384x64xf32, #tpu.memory_space<vmem>>, vector<1x16xf32>,
      %slice3A_934 = vector.extract_strided_slice %and3A_50 {offsets = [5], sizes = [1], strides = [1]} : vector<16xi32> to vector<1xi32>
      %squeeze3A_935 = vector.extract %slice3A_934[0] : i32 from vector<1xi32>
      %get3A_936 = arith.constant 5 : i32
      %get3A_937 = arith.index_cast %get3A_936 : i32 to index
      %get3A_938 = arith.index_cast %squeeze3A_935 : i32 to index
      %get3A_939 = arith.constant 0 : index
      %get3A_940 = tpu.vector_load %arg8[%get3A_937, %get3A_938, %get3A_939] {strides = array<i32>} : memref<16x8x64xf32, #tpu.memory_space<vmem>>, vector<1x1x16xf32>,
      %get3A_941 = vector.shape_cast %get3A_940 : vector<1x1x16xf32> to vector<16xf32>
      %mul3A_942 = arith.constant 16 : i32
      %mul3A_943 = arith.muli %scan3A_42, %mul3A_942 : i32
      %add3A_944 = arith.constant 5 : i32
      %add3A_945 = arith.addi %mul3A_943, %add3A_944 : i32
      %swap3A_946 = arith.index_cast %add3A_945 : i32 to index
      %swap3A_947 = arith.constant 0 : index
      %swap3A_948 = tpu.vector_load %arg9[%swap3A_946, %swap3A_947] {strides = array<i32>} : memref<384x64xf32, #tpu.memory_space<vmem>>, vector<1x16xf32>,
      %swap3A_949 = vector.shape_cast %swap3A_948 : vector<1x16xf32> to vector<16xf32>
      %swap3A_950 = vector.shape_cast %get3A_941 : vector<16xf32> to vector<1x16xf32>
      tpu.vector_store %arg9[%swap3A_946, %swap3A_947], %swap3A_950 {strides = array<i32>} : memref<384x64xf32, #tpu.memory_space<vmem>>, vector<1x16xf32>,
      %get3A_951 = arith.constant 5 : i32
      %get3A_952 = arith.index_cast %get3A_951 : i32 to index
      %get3A_953 = arith.index_cast %squeeze3A_935 : i32 to index
      %get3A_954 = arith.constant 16 : index
      %get3A_955 = tpu.vector_load %arg8[%get3A_952, %get3A_953, %get3A_954] {strides = array<i32>} : memref<16x8x64xf32, #tpu.memory_space<vmem>>, vector<1x1x16xf32>,
      %get3A_956 = vector.shape_cast %get3A_955 : vector<1x1x16xf32> to vector<16xf32>
      %mul3A_957 = arith.constant 16 : i32
      %mul3A_958 = arith.muli %scan3A_42, %mul3A_957 : i32
      %add3A_959 = arith.constant 5 : i32
      %add3A_960 = arith.addi %mul3A_958, %add3A_959 : i32
      %swap3A_961 = arith.index_cast %add3A_960 : i32 to index
      %swap3A_962 = arith.constant 16 : index
      %swap3A_963 = tpu.vector_load %arg9[%swap3A_961, %swap3A_962] {strides = array<i32>} : memref<384x64xf32, #tpu.memory_space<vmem>>, vector<1x16xf32>,
      %swap3A_964 = vector.shape_cast %swap3A_963 : vector<1x16xf32> to vector<16xf32>
      %swap3A_965 = vector.shape_cast %get3A_956 : vector<16xf32> to vector<1x16xf32>
      tpu.vector_store %arg9[%swap3A_961, %swap3A_962], %swap3A_965 {strides = array<i32>} : memref<384x64xf32, #tpu.memory_space<vmem>>, vector<1x16xf32>,
      %get3A_966 = arith.constant 5 : i32
      %get3A_967 = arith.index_cast %get3A_966 : i32 to index
      %get3A_968 = arith.index_cast %squeeze3A_935 : i32 to index
      %get3A_969 = arith.constant 32 : index
      %get3A_970 = tpu.vector_load %arg8[%get3A_967, %get3A_968, %get3A_969] {strides = array<i32>} : memref<16x8x64xf32, #tpu.memory_space<vmem>>, vector<1x1x16xf32>,
      %get3A_971 = vector.shape_cast %get3A_970 : vector<1x1x16xf32> to vector<16xf32>
      %mul3A_972 = arith.constant 16 : i32
      %mul3A_973 = arith.muli %scan3A_42, %mul3A_972 : i32
      %add3A_974 = arith.constant 5 : i32
      %add3A_975 = arith.addi %mul3A_973, %add3A_974 : i32
      %swap3A_976 = arith.index_cast %add3A_975 : i32 to index
      %swap3A_977 = arith.constant 32 : index
      %swap3A_978 = tpu.vector_load %arg9[%swap3A_976, %swap3A_977] {strides = array<i32>} : memref<384x64xf32, #tpu.memory_space<vmem>>, vector<1x16xf32>,
      %swap3A_979 = vector.shape_cast %swap3A_978 : vector<1x16xf32> to vector<16xf32>
      %swap3A_980 = vector.shape_cast %get3A_971 : vector<16xf32> to vector<1x16xf32>
      tpu.vector_store %arg9[%swap3A_976, %swap3A_977], %swap3A_980 {strides = array<i32>} : memref<384x64xf32, #tpu.memory_space<vmem>>, vector<1x16xf32>,
      %get3A_981 = arith.constant 5 : i32
      %get3A_982 = arith.index_cast %get3A_981 : i32 to index
      %get3A_983 = arith.index_cast %squeeze3A_935 : i32 to index
      %get3A_984 = arith.constant 48 : index
      %get3A_985 = tpu.vector_load %arg8[%get3A_982, %get3A_983, %get3A_984] {strides = array<i32>} : memref<16x8x64xf32, #tpu.memory_space<vmem>>, vector<1x1x16xf32>,
      %get3A_986 = vector.shape_cast %get3A_985 : vector<1x1x16xf32> to vector<16xf32>
      %mul3A_987 = arith.constant 16 : i32
      %mul3A_988 = arith.muli %scan3A_42, %mul3A_987 : i32
      %add3A_989 = arith.constant 5 : i32
      %add3A_990 = arith.addi %mul3A_988, %add3A_989 : i32
      %swap3A_991 = arith.index_cast %add3A_990 : i32 to index
      %swap3A_992 = arith.constant 48 : index
      %swap3A_993 = tpu.vector_load %arg9[%swap3A_991, %swap3A_992] {strides = array<i32>} : memref<384x64xf32, #tpu.memory_space<vmem>>, vector<1x16xf32>,
      %swap3A_994 = vector.shape_cast %swap3A_993 : vector<1x16xf32> to vector<16xf32>
      %swap3A_995 = vector.shape_cast %get3A_986 : vector<16xf32> to vector<1x16xf32>
      tpu.vector_store %arg9[%swap3A_991, %swap3A_992], %swap3A_995 {strides = array<i32>} : memref<384x64xf32, #tpu.memory_space<vmem>>, vector<1x16xf32>,
      %slice3A_996 = vector.extract_strided_slice %and3A_50 {offsets = [6], sizes = [1], strides = [1]} : vector<16xi32> to vector<1xi32>
      %squeeze3A_997 = vector.extract %slice3A_996[0] : i32 from vector<1xi32>
      %get3A_998 = arith.constant 6 : i32
      %get3A_999 = arith.index_cast %get3A_998 : i32 to index
      %get3A_1000 = arith.index_cast %squeeze3A_997 : i32 to index
      %get3A_1001 = arith.constant 0 : index
      %get3A_1002 = tpu.vector_load %arg8[%get3A_999, %get3A_1000, %get3A_1001] {strides = array<i32>} : memref<16x8x64xf32, #tpu.memory_space<vmem>>, vector<1x1x16xf32>,
      %get3A_1003 = vector.shape_cast %get3A_1002 : vector<1x1x16xf32> to vector<16xf32>
      %mul3A_1004 = arith.constant 16 : i32
      %mul3A_1005 = arith.muli %scan3A_42, %mul3A_1004 : i32
      %add3A_1006 = arith.constant 6 : i32
      %add3A_1007 = arith.addi %mul3A_1005, %add3A_1006 : i32
      %swap3A_1008 = arith.index_cast %add3A_1007 : i32 to index
      %swap3A_1009 = arith.constant 0 : index
      %swap3A_1010 = tpu.vector_load %arg9[%swap3A_1008, %swap3A_1009] {strides = array<i32>} : memref<384x64xf32, #tpu.memory_space<vmem>>, vector<1x16xf32>,
      %swap3A_1011 = vector.shape_cast %swap3A_1010 : vector<1x16xf32> to vector<16xf32>
      %swap3A_1012 = vector.shape_cast %get3A_1003 : vector<16xf32> to vector<1x16xf32>
      tpu.vector_store %arg9[%swap3A_1008, %swap3A_1009], %swap3A_1012 {strides = array<i32>} : memref<384x64xf32, #tpu.memory_space<vmem>>, vector<1x16xf32>,
      %get3A_1013 = arith.constant 6 : i32
      %get3A_1014 = arith.index_cast %get3A_1013 : i32 to index
      %get3A_1015 = arith.index_cast %squeeze3A_997 : i32 to index
      %get3A_1016 = arith.constant 16 : index
      %get3A_1017 = tpu.vector_load %arg8[%get3A_1014, %get3A_1015, %get3A_1016] {strides = array<i32>} : memref<16x8x64xf32, #tpu.memory_space<vmem>>, vector<1x1x16xf32>,
      %get3A_1018 = vector.shape_cast %get3A_1017 : vector<1x1x16xf32> to vector<16xf32>
      %mul3A_1019 = arith.constant 16 : i32
      %mul3A_1020 = arith.muli %scan3A_42, %mul3A_1019 : i32
      %add3A_1021 = arith.constant 6 : i32
      %add3A_1022 = arith.addi %mul3A_1020, %add3A_1021 : i32
      %swap3A_1023 = arith.index_cast %add3A_1022 : i32 to index
      %swap3A_1024 = arith.constant 16 : index
      %swap3A_1025 = tpu.vector_load %arg9[%swap3A_1023, %swap3A_1024] {strides = array<i32>} : memref<384x64xf32, #tpu.memory_space<vmem>>, vector<1x16xf32>,
      %swap3A_1026 = vector.shape_cast %swap3A_1025 : vector<1x16xf32> to vector<16xf32>
      %swap3A_1027 = vector.shape_cast %get3A_1018 : vector<16xf32> to vector<1x16xf32>
      tpu.vector_store %arg9[%swap3A_1023, %swap3A_1024], %swap3A_1027 {strides = array<i32>} : memref<384x64xf32, #tpu.memory_space<vmem>>, vector<1x16xf32>,
      %get3A_1028 = arith.constant 6 : i32
      %get3A_1029 = arith.index_cast %get3A_1028 : i32 to index
      %get3A_1030 = arith.index_cast %squeeze3A_997 : i32 to index
      %get3A_1031 = arith.constant 32 : index
      %get3A_1032 = tpu.vector_load %arg8[%get3A_1029, %get3A_1030, %get3A_1031] {strides = array<i32>} : memref<16x8x64xf32, #tpu.memory_space<vmem>>, vector<1x1x16xf32>,
      %get3A_1033 = vector.shape_cast %get3A_1032 : vector<1x1x16xf32> to vector<16xf32>
      %mul3A_1034 = arith.constant 16 : i32
      %mul3A_1035 = arith.muli %scan3A_42, %mul3A_1034 : i32
      %add3A_1036 = arith.constant 6 : i32
      %add3A_1037 = arith.addi %mul3A_1035, %add3A_1036 : i32
      %swap3A_1038 = arith.index_cast %add3A_1037 : i32 to index
      %swap3A_1039 = arith.constant 32 : index
      %swap3A_1040 = tpu.vector_load %arg9[%swap3A_1038, %swap3A_1039] {strides = array<i32>} : memref<384x64xf32, #tpu.memory_space<vmem>>, vector<1x16xf32>,
      %swap3A_1041 = vector.shape_cast %swap3A_1040 : vector<1x16xf32> to vector<16xf32>
      %swap3A_1042 = vector.shape_cast %get3A_1033 : vector<16xf32> to vector<1x16xf32>
      tpu.vector_store %arg9[%swap3A_1038, %swap3A_1039], %swap3A_1042 {strides = array<i32>} : memref<384x64xf32, #tpu.memory_space<vmem>>, vector<1x16xf32>,
      %get3A_1043 = arith.constant 6 : i32
      %get3A_1044 = arith.index_cast %get3A_1043 : i32 to index
      %get3A_1045 = arith.index_cast %squeeze3A_997 : i32 to index
      %get3A_1046 = arith.constant 48 : index
      %get3A_1047 = tpu.vector_load %arg8[%get3A_1044, %get3A_1045, %get3A_1046] {strides = array<i32>} : memref<16x8x64xf32, #tpu.memory_space<vmem>>, vector<1x1x16xf32>,
      %get3A_1048 = vector.shape_cast %get3A_1047 : vector<1x1x16xf32> to vector<16xf32>
      %mul3A_1049 = arith.constant 16 : i32
      %mul3A_1050 = arith.muli %scan3A_42, %mul3A_1049 : i32
      %add3A_1051 = arith.constant 6 : i32
      %add3A_1052 = arith.addi %mul3A_1050, %add3A_1051 : i32
      %swap3A_1053 = arith.index_cast %add3A_1052 : i32 to index
      %swap3A_1054 = arith.constant 48 : index
      %swap3A_1055 = tpu.vector_load %arg9[%swap3A_1053, %swap3A_1054] {strides = array<i32>} : memref<384x64xf32, #tpu.memory_space<vmem>>, vector<1x16xf32>,
      %swap3A_1056 = vector.shape_cast %swap3A_1055 : vector<1x16xf32> to vector<16xf32>
      %swap3A_1057 = vector.shape_cast %get3A_1048 : vector<16xf32> to vector<1x16xf32>
      tpu.vector_store %arg9[%swap3A_1053, %swap3A_1054], %swap3A_1057 {strides = array<i32>} : memref<384x64xf32, #tpu.memory_space<vmem>>, vector<1x16xf32>,
      %slice3A_1058 = vector.extract_strided_slice %and3A_50 {offsets = [7], sizes = [1], strides = [1]} : vector<16xi32> to vector<1xi32>
      %squeeze3A_1059 = vector.extract %slice3A_1058[0] : i32 from vector<1xi32>
      %get3A_1060 = arith.constant 7 : i32
      %get3A_1061 = arith.index_cast %get3A_1060 : i32 to index
      %get3A_1062 = arith.index_cast %squeeze3A_1059 : i32 to index
      %get3A_1063 = arith.constant 0 : index
      %get3A_1064 = tpu.vector_load %arg8[%get3A_1061, %get3A_1062, %get3A_1063] {strides = array<i32>} : memref<16x8x64xf32, #tpu.memory_space<vmem>>, vector<1x1x16xf32>,
      %get3A_1065 = vector.shape_cast %get3A_1064 : vector<1x1x16xf32> to vector<16xf32>
      %mul3A_1066 = arith.constant 16 : i32
      %mul3A_1067 = arith.muli %scan3A_42, %mul3A_1066 : i32
      %add3A_1068 = arith.constant 7 : i32
      %add3A_1069 = arith.addi %mul3A_1067, %add3A_1068 : i32
      %swap3A_1070 = arith.index_cast %add3A_1069 : i32 to index
      %swap3A_1071 = arith.constant 0 : index
      %swap3A_1072 = tpu.vector_load %arg9[%swap3A_1070, %swap3A_1071] {strides = array<i32>} : memref<384x64xf32, #tpu.memory_space<vmem>>, vector<1x16xf32>,
      %swap3A_1073 = vector.shape_cast %swap3A_1072 : vector<1x16xf32> to vector<16xf32>
      %swap3A_1074 = vector.shape_cast %get3A_1065 : vector<16xf32> to vector<1x16xf32>
      tpu.vector_store %arg9[%swap3A_1070, %swap3A_1071], %swap3A_1074 {strides = array<i32>} : memref<384x64xf32, #tpu.memory_space<vmem>>, vector<1x16xf32>,
      %get3A_1075 = arith.constant 7 : i32
      %get3A_1076 = arith.index_cast %get3A_1075 : i32 to index
      %get3A_1077 = arith.index_cast %squeeze3A_1059 : i32 to index
      %get3A_1078 = arith.constant 16 : index
      %get3A_1079 = tpu.vector_load %arg8[%get3A_1076, %get3A_1077, %get3A_1078] {strides = array<i32>} : memref<16x8x64xf32, #tpu.memory_space<vmem>>, vector<1x1x16xf32>,
      %get3A_1080 = vector.shape_cast %get3A_1079 : vector<1x1x16xf32> to vector<16xf32>
      %mul3A_1081 = arith.constant 16 : i32
      %mul3A_1082 = arith.muli %scan3A_42, %mul3A_1081 : i32
      %add3A_1083 = arith.constant 7 : i32
      %add3A_1084 = arith.addi %mul3A_1082, %add3A_1083 : i32
      %swap3A_1085 = arith.index_cast %add3A_1084 : i32 to index
      %swap3A_1086 = arith.constant 16 : index
      %swap3A_1087 = tpu.vector_load %arg9[%swap3A_1085, %swap3A_1086] {strides = array<i32>} : memref<384x64xf32, #tpu.memory_space<vmem>>, vector<1x16xf32>,
      %swap3A_1088 = vector.shape_cast %swap3A_1087 : vector<1x16xf32> to vector<16xf32>
      %swap3A_1089 = vector.shape_cast %get3A_1080 : vector<16xf32> to vector<1x16xf32>
      tpu.vector_store %arg9[%swap3A_1085, %swap3A_1086], %swap3A_1089 {strides = array<i32>} : memref<384x64xf32, #tpu.memory_space<vmem>>, vector<1x16xf32>,
      %get3A_1090 = arith.constant 7 : i32
      %get3A_1091 = arith.index_cast %get3A_1090 : i32 to index
      %get3A_1092 = arith.index_cast %squeeze3A_1059 : i32 to index
      %get3A_1093 = arith.constant 32 : index
      %get3A_1094 = tpu.vector_load %arg8[%get3A_1091, %get3A_1092, %get3A_1093] {strides = array<i32>} : memref<16x8x64xf32, #tpu.memory_space<vmem>>, vector<1x1x16xf32>,
      %get3A_1095 = vector.shape_cast %get3A_1094 : vector<1x1x16xf32> to vector<16xf32>
      %mul3A_1096 = arith.constant 16 : i32
      %mul3A_1097 = arith.muli %scan3A_42, %mul3A_1096 : i32
      %add3A_1098 = arith.constant 7 : i32
      %add3A_1099 = arith.addi %mul3A_1097, %add3A_1098 : i32
      %swap3A_1100 = arith.index_cast %add3A_1099 : i32 to index
      %swap3A_1101 = arith.constant 32 : index
      %swap3A_1102 = tpu.vector_load %arg9[%swap3A_1100, %swap3A_1101] {strides = array<i32>} : memref<384x64xf32, #tpu.memory_space<vmem>>, vector<1x16xf32>,
      %swap3A_1103 = vector.shape_cast %swap3A_1102 : vector<1x16xf32> to vector<16xf32>
      %swap3A_1104 = vector.shape_cast %get3A_1095 : vector<16xf32> to vector<1x16xf32>
      tpu.vector_store %arg9[%swap3A_1100, %swap3A_1101], %swap3A_1104 {strides = array<i32>} : memref<384x64xf32, #tpu.memory_space<vmem>>, vector<1x16xf32>,
      %get3A_1105 = arith.constant 7 : i32
      %get3A_1106 = arith.index_cast %get3A_1105 : i32 to index
      %get3A_1107 = arith.index_cast %squeeze3A_1059 : i32 to index
      %get3A_1108 = arith.constant 48 : index
      %get3A_1109 = tpu.vector_load %arg8[%get3A_1106, %get3A_1107, %get3A_1108] {strides = array<i32>} : memref<16x8x64xf32, #tpu.memory_space<vmem>>, vector<1x1x16xf32>,
      %get3A_1110 = vector.shape_cast %get3A_1109 : vector<1x1x16xf32> to vector<16xf32>
      %mul3A_1111 = arith.constant 16 : i32
      %mul3A_1112 = arith.muli %scan3A_42, %mul3A_1111 : i32
      %add3A_1113 = arith.constant 7 : i32
      %add3A_1114 = arith.addi %mul3A_1112, %add3A_1113 : i32
      %swap3A_1115 = arith.index_cast %add3A_1114 : i32 to index
      %swap3A_1116 = arith.constant 48 : index
      %swap3A_1117 = tpu.vector_load %arg9[%swap3A_1115, %swap3A_1116] {strides = array<i32>} : memref<384x64xf32, #tpu.memory_space<vmem>>, vector<1x16xf32>,
      %swap3A_1118 = vector.shape_cast %swap3A_1117 : vector<1x16xf32> to vector<16xf32>
      %swap3A_1119 = vector.shape_cast %get3A_1110 : vector<16xf32> to vector<1x16xf32>
      tpu.vector_store %arg9[%swap3A_1115, %swap3A_1116], %swap3A_1119 {strides = array<i32>} : memref<384x64xf32, #tpu.memory_space<vmem>>, vector<1x16xf32>,
      %slice3A_1120 = vector.extract_strided_slice %and3A_50 {offsets = [8], sizes = [1], strides = [1]} : vector<16xi32> to vector<1xi32>
      %squeeze3A_1121 = vector.extract %slice3A_1120[0] : i32 from vector<1xi32>
      %get3A_1122 = arith.constant 8 : i32
      %get3A_1123 = arith.index_cast %get3A_1122 : i32 to index
      %get3A_1124 = arith.index_cast %squeeze3A_1121 : i32 to index
      %get3A_1125 = arith.constant 0 : index
      %get3A_1126 = tpu.vector_load %arg8[%get3A_1123, %get3A_1124, %get3A_1125] {strides = array<i32>} : memref<16x8x64xf32, #tpu.memory_space<vmem>>, vector<1x1x16xf32>,
      %get3A_1127 = vector.shape_cast %get3A_1126 : vector<1x1x16xf32> to vector<16xf32>
      %mul3A_1128 = arith.constant 16 : i32
      %mul3A_1129 = arith.muli %scan3A_42, %mul3A_1128 : i32
      %add3A_1130 = arith.constant 8 : i32
      %add3A_1131 = arith.addi %mul3A_1129, %add3A_1130 : i32
      %swap3A_1132 = arith.index_cast %add3A_1131 : i32 to index
      %swap3A_1133 = arith.constant 0 : index
      %swap3A_1134 = tpu.vector_load %arg9[%swap3A_1132, %swap3A_1133] {strides = array<i32>} : memref<384x64xf32, #tpu.memory_space<vmem>>, vector<1x16xf32>,
      %swap3A_1135 = vector.shape_cast %swap3A_1134 : vector<1x16xf32> to vector<16xf32>
      %swap3A_1136 = vector.shape_cast %get3A_1127 : vector<16xf32> to vector<1x16xf32>
      tpu.vector_store %arg9[%swap3A_1132, %swap3A_1133], %swap3A_1136 {strides = array<i32>} : memref<384x64xf32, #tpu.memory_space<vmem>>, vector<1x16xf32>,
      %get3A_1137 = arith.constant 8 : i32
      %get3A_1138 = arith.index_cast %get3A_1137 : i32 to index
      %get3A_1139 = arith.index_cast %squeeze3A_1121 : i32 to index
      %get3A_1140 = arith.constant 16 : index
      %get3A_1141 = tpu.vector_load %arg8[%get3A_1138, %get3A_1139, %get3A_1140] {strides = array<i32>} : memref<16x8x64xf32, #tpu.memory_space<vmem>>, vector<1x1x16xf32>,
      %get3A_1142 = vector.shape_cast %get3A_1141 : vector<1x1x16xf32> to vector<16xf32>
      %mul3A_1143 = arith.constant 16 : i32
      %mul3A_1144 = arith.muli %scan3A_42, %mul3A_1143 : i32
      %add3A_1145 = arith.constant 8 : i32
      %add3A_1146 = arith.addi %mul3A_1144, %add3A_1145 : i32
      %swap3A_1147 = arith.index_cast %add3A_1146 : i32 to index
      %swap3A_1148 = arith.constant 16 : index
      %swap3A_1149 = tpu.vector_load %arg9[%swap3A_1147, %swap3A_1148] {strides = array<i32>} : memref<384x64xf32, #tpu.memory_space<vmem>>, vector<1x16xf32>,
      %swap3A_1150 = vector.shape_cast %swap3A_1149 : vector<1x16xf32> to vector<16xf32>
      %swap3A_1151 = vector.shape_cast %get3A_1142 : vector<16xf32> to vector<1x16xf32>
      tpu.vector_store %arg9[%swap3A_1147, %swap3A_1148], %swap3A_1151 {strides = array<i32>} : memref<384x64xf32, #tpu.memory_space<vmem>>, vector<1x16xf32>,
      %get3A_1152 = arith.constant 8 : i32
      %get3A_1153 = arith.index_cast %get3A_1152 : i32 to index
      %get3A_1154 = arith.index_cast %squeeze3A_1121 : i32 to index
      %get3A_1155 = arith.constant 32 : index
      %get3A_1156 = tpu.vector_load %arg8[%get3A_1153, %get3A_1154, %get3A_1155] {strides = array<i32>} : memref<16x8x64xf32, #tpu.memory_space<vmem>>, vector<1x1x16xf32>,
      %get3A_1157 = vector.shape_cast %get3A_1156 : vector<1x1x16xf32> to vector<16xf32>
      %mul3A_1158 = arith.constant 16 : i32
      %mul3A_1159 = arith.muli %scan3A_42, %mul3A_1158 : i32
      %add3A_1160 = arith.constant 8 : i32
      %add3A_1161 = arith.addi %mul3A_1159, %add3A_1160 : i32
      %swap3A_1162 = arith.index_cast %add3A_1161 : i32 to index
      %swap3A_1163 = arith.constant 32 : index
      %swap3A_1164 = tpu.vector_load %arg9[%swap3A_1162, %swap3A_1163] {strides = array<i32>} : memref<384x64xf32, #tpu.memory_space<vmem>>, vector<1x16xf32>,
      %swap3A_1165 = vector.shape_cast %swap3A_1164 : vector<1x16xf32> to vector<16xf32>
      %swap3A_1166 = vector.shape_cast %get3A_1157 : vector<16xf32> to vector<1x16xf32>
      tpu.vector_store %arg9[%swap3A_1162, %swap3A_1163], %swap3A_1166 {strides = array<i32>} : memref<384x64xf32, #tpu.memory_space<vmem>>, vector<1x16xf32>,
      %get3A_1167 = arith.constant 8 : i32
      %get3A_1168 = arith.index_cast %get3A_1167 : i32 to index
      %get3A_1169 = arith.index_cast %squeeze3A_1121 : i32 to index
      %get3A_1170 = arith.constant 48 : index
      %get3A_1171 = tpu.vector_load %arg8[%get3A_1168, %get3A_1169, %get3A_1170] {strides = array<i32>} : memref<16x8x64xf32, #tpu.memory_space<vmem>>, vector<1x1x16xf32>,
      %get3A_1172 = vector.shape_cast %get3A_1171 : vector<1x1x16xf32> to vector<16xf32>
      %mul3A_1173 = arith.constant 16 : i32
      %mul3A_1174 = arith.muli %scan3A_42, %mul3A_1173 : i32
      %add3A_1175 = arith.constant 8 : i32
      %add3A_1176 = arith.addi %mul3A_1174, %add3A_1175 : i32
      %swap3A_1177 = arith.index_cast %add3A_1176 : i32 to index
      %swap3A_1178 = arith.constant 48 : index
      %swap3A_1179 = tpu.vector_load %arg9[%swap3A_1177, %swap3A_1178] {strides = array<i32>} : memref<384x64xf32, #tpu.memory_space<vmem>>, vector<1x16xf32>,
      %swap3A_1180 = vector.shape_cast %swap3A_1179 : vector<1x16xf32> to vector<16xf32>
      %swap3A_1181 = vector.shape_cast %get3A_1172 : vector<16xf32> to vector<1x16xf32>
      tpu.vector_store %arg9[%swap3A_1177, %swap3A_1178], %swap3A_1181 {strides = array<i32>} : memref<384x64xf32, #tpu.memory_space<vmem>>, vector<1x16xf32>,
      %slice3A_1182 = vector.extract_strided_slice %and3A_50 {offsets = [9], sizes = [1], strides = [1]} : vector<16xi32> to vector<1xi32>
      %squeeze3A_1183 = vector.extract %slice3A_1182[0] : i32 from vector<1xi32>
      %get3A_1184 = arith.constant 9 : i32
      %get3A_1185 = arith.index_cast %get3A_1184 : i32 to index
      %get3A_1186 = arith.index_cast %squeeze3A_1183 : i32 to index
      %get3A_1187 = arith.constant 0 : index
      %get3A_1188 = tpu.vector_load %arg8[%get3A_1185, %get3A_1186, %get3A_1187] {strides = array<i32>} : memref<16x8x64xf32, #tpu.memory_space<vmem>>, vector<1x1x16xf32>,
      %get3A_1189 = vector.shape_cast %get3A_1188 : vector<1x1x16xf32> to vector<16xf32>
      %mul3A_1190 = arith.constant 16 : i32
      %mul3A_1191 = arith.muli %scan3A_42, %mul3A_1190 : i32
      %add3A_1192 = arith.constant 9 : i32
      %add3A_1193 = arith.addi %mul3A_1191, %add3A_1192 : i32
      %swap3A_1194 = arith.index_cast %add3A_1193 : i32 to index
      %swap3A_1195 = arith.constant 0 : index
      %swap3A_1196 = tpu.vector_load %arg9[%swap3A_1194, %swap3A_1195] {strides = array<i32>} : memref<384x64xf32, #tpu.memory_space<vmem>>, vector<1x16xf32>,
      %swap3A_1197 = vector.shape_cast %swap3A_1196 : vector<1x16xf32> to vector<16xf32>
      %swap3A_1198 = vector.shape_cast %get3A_1189 : vector<16xf32> to vector<1x16xf32>
      tpu.vector_store %arg9[%swap3A_1194, %swap3A_1195], %swap3A_1198 {strides = array<i32>} : memref<384x64xf32, #tpu.memory_space<vmem>>, vector<1x16xf32>,
      %get3A_1199 = arith.constant 9 : i32
      %get3A_1200 = arith.index_cast %get3A_1199 : i32 to index
      %get3A_1201 = arith.index_cast %squeeze3A_1183 : i32 to index
      %get3A_1202 = arith.constant 16 : index
      %get3A_1203 = tpu.vector_load %arg8[%get3A_1200, %get3A_1201, %get3A_1202] {strides = array<i32>} : memref<16x8x64xf32, #tpu.memory_space<vmem>>, vector<1x1x16xf32>,
      %get3A_1204 = vector.shape_cast %get3A_1203 : vector<1x1x16xf32> to vector<16xf32>
      %mul3A_1205 = arith.constant 16 : i32
      %mul3A_1206 = arith.muli %scan3A_42, %mul3A_1205 : i32
      %add3A_1207 = arith.constant 9 : i32
      %add3A_1208 = arith.addi %mul3A_1206, %add3A_1207 : i32
      %swap3A_1209 = arith.index_cast %add3A_1208 : i32 to index
      %swap3A_1210 = arith.constant 16 : index
      %swap3A_1211 = tpu.vector_load %arg9[%swap3A_1209, %swap3A_1210] {strides = array<i32>} : memref<384x64xf32, #tpu.memory_space<vmem>>, vector<1x16xf32>,
      %swap3A_1212 = vector.shape_cast %swap3A_1211 : vector<1x16xf32> to vector<16xf32>
      %swap3A_1213 = vector.shape_cast %get3A_1204 : vector<16xf32> to vector<1x16xf32>
      tpu.vector_store %arg9[%swap3A_1209, %swap3A_1210], %swap3A_1213 {strides = array<i32>} : memref<384x64xf32, #tpu.memory_space<vmem>>, vector<1x16xf32>,
      %get3A_1214 = arith.constant 9 : i32
      %get3A_1215 = arith.index_cast %get3A_1214 : i32 to index
      %get3A_1216 = arith.index_cast %squeeze3A_1183 : i32 to index
      %get3A_1217 = arith.constant 32 : index
      %get3A_1218 = tpu.vector_load %arg8[%get3A_1215, %get3A_1216, %get3A_1217] {strides = array<i32>} : memref<16x8x64xf32, #tpu.memory_space<vmem>>, vector<1x1x16xf32>,
      %get3A_1219 = vector.shape_cast %get3A_1218 : vector<1x1x16xf32> to vector<16xf32>
      %mul3A_1220 = arith.constant 16 : i32
      %mul3A_1221 = arith.muli %scan3A_42, %mul3A_1220 : i32
      %add3A_1222 = arith.constant 9 : i32
      %add3A_1223 = arith.addi %mul3A_1221, %add3A_1222 : i32
      %swap3A_1224 = arith.index_cast %add3A_1223 : i32 to index
      %swap3A_1225 = arith.constant 32 : index
      %swap3A_1226 = tpu.vector_load %arg9[%swap3A_1224, %swap3A_1225] {strides = array<i32>} : memref<384x64xf32, #tpu.memory_space<vmem>>, vector<1x16xf32>,
      %swap3A_1227 = vector.shape_cast %swap3A_1226 : vector<1x16xf32> to vector<16xf32>
      %swap3A_1228 = vector.shape_cast %get3A_1219 : vector<16xf32> to vector<1x16xf32>
      tpu.vector_store %arg9[%swap3A_1224, %swap3A_1225], %swap3A_1228 {strides = array<i32>} : memref<384x64xf32, #tpu.memory_space<vmem>>, vector<1x16xf32>,
      %get3A_1229 = arith.constant 9 : i32
      %get3A_1230 = arith.index_cast %get3A_1229 : i32 to index
      %get3A_1231 = arith.index_cast %squeeze3A_1183 : i32 to index
      %get3A_1232 = arith.constant 48 : index
      %get3A_1233 = tpu.vector_load %arg8[%get3A_1230, %get3A_1231, %get3A_1232] {strides = array<i32>} : memref<16x8x64xf32, #tpu.memory_space<vmem>>, vector<1x1x16xf32>,
      %get3A_1234 = vector.shape_cast %get3A_1233 : vector<1x1x16xf32> to vector<16xf32>
      %mul3A_1235 = arith.constant 16 : i32
      %mul3A_1236 = arith.muli %scan3A_42, %mul3A_1235 : i32
      %add3A_1237 = arith.constant 9 : i32
      %add3A_1238 = arith.addi %mul3A_1236, %add3A_1237 : i32
      %swap3A_1239 = arith.index_cast %add3A_1238 : i32 to index
      %swap3A_1240 = arith.constant 48 : index
      %swap3A_1241 = tpu.vector_load %arg9[%swap3A_1239, %swap3A_1240] {strides = array<i32>} : memref<384x64xf32, #tpu.memory_space<vmem>>, vector<1x16xf32>,
      %swap3A_1242 = vector.shape_cast %swap3A_1241 : vector<1x16xf32> to vector<16xf32>
      %swap3A_1243 = vector.shape_cast %get3A_1234 : vector<16xf32> to vector<1x16xf32>
      tpu.vector_store %arg9[%swap3A_1239, %swap3A_1240], %swap3A_1243 {strides = array<i32>} : memref<384x64xf32, #tpu.memory_space<vmem>>, vector<1x16xf32>,
      %slice3A_1244 = vector.extract_strided_slice %and3A_50 {offsets = [10], sizes = [1], strides = [1]} : vector<16xi32> to vector<1xi32>
      %squeeze3A_1245 = vector.extract %slice3A_1244[0] : i32 from vector<1xi32>
      %get3A_1246 = arith.constant 10 : i32
      %get3A_1247 = arith.index_cast %get3A_1246 : i32 to index
      %get3A_1248 = arith.index_cast %squeeze3A_1245 : i32 to index
      %get3A_1249 = arith.constant 0 : index
      %get3A_1250 = tpu.vector_load %arg8[%get3A_1247, %get3A_1248, %get3A_1249] {strides = array<i32>} : memref<16x8x64xf32, #tpu.memory_space<vmem>>, vector<1x1x16xf32>,
      %get3A_1251 = vector.shape_cast %get3A_1250 : vector<1x1x16xf32> to vector<16xf32>
      %mul3A_1252 = arith.constant 16 : i32
      %mul3A_1253 = arith.muli %scan3A_42, %mul3A_1252 : i32
      %add3A_1254 = arith.constant 10 : i32
      %add3A_1255 = arith.addi %mul3A_1253, %add3A_1254 : i32
      %swap3A_1256 = arith.index_cast %add3A_1255 : i32 to index
      %swap3A_1257 = arith.constant 0 : index
      %swap3A_1258 = tpu.vector_load %arg9[%swap3A_1256, %swap3A_1257] {strides = array<i32>} : memref<384x64xf32, #tpu.memory_space<vmem>>, vector<1x16xf32>,
      %swap3A_1259 = vector.shape_cast %swap3A_1258 : vector<1x16xf32> to vector<16xf32>
      %swap3A_1260 = vector.shape_cast %get3A_1251 : vector<16xf32> to vector<1x16xf32>
      tpu.vector_store %arg9[%swap3A_1256, %swap3A_1257], %swap3A_1260 {strides = array<i32>} : memref<384x64xf32, #tpu.memory_space<vmem>>, vector<1x16xf32>,
      %get3A_1261 = arith.constant 10 : i32
      %get3A_1262 = arith.index_cast %get3A_1261 : i32 to index
      %get3A_1263 = arith.index_cast %squeeze3A_1245 : i32 to index
      %get3A_1264 = arith.constant 16 : index
      %get3A_1265 = tpu.vector_load %arg8[%get3A_1262, %get3A_1263, %get3A_1264] {strides = array<i32>} : memref<16x8x64xf32, #tpu.memory_space<vmem>>, vector<1x1x16xf32>,
      %get3A_1266 = vector.shape_cast %get3A_1265 : vector<1x1x16xf32> to vector<16xf32>
      %mul3A_1267 = arith.constant 16 : i32
      %mul3A_1268 = arith.muli %scan3A_42, %mul3A_1267 : i32
      %add3A_1269 = arith.constant 10 : i32
      %add3A_1270 = arith.addi %mul3A_1268, %add3A_1269 : i32
      %swap3A_1271 = arith.index_cast %add3A_1270 : i32 to index
      %swap3A_1272 = arith.constant 16 : index
      %swap3A_1273 = tpu.vector_load %arg9[%swap3A_1271, %swap3A_1272] {strides = array<i32>} : memref<384x64xf32, #tpu.memory_space<vmem>>, vector<1x16xf32>,
      %swap3A_1274 = vector.shape_cast %swap3A_1273 : vector<1x16xf32> to vector<16xf32>
      %swap3A_1275 = vector.shape_cast %get3A_1266 : vector<16xf32> to vector<1x16xf32>
      tpu.vector_store %arg9[%swap3A_1271, %swap3A_1272], %swap3A_1275 {strides = array<i32>} : memref<384x64xf32, #tpu.memory_space<vmem>>, vector<1x16xf32>,
      %get3A_1276 = arith.constant 10 : i32
      %get3A_1277 = arith.index_cast %get3A_1276 : i32 to index
      %get3A_1278 = arith.index_cast %squeeze3A_1245 : i32 to index
      %get3A_1279 = arith.constant 32 : index
      %get3A_1280 = tpu.vector_load %arg8[%get3A_1277, %get3A_1278, %get3A_1279] {strides = array<i32>} : memref<16x8x64xf32, #tpu.memory_space<vmem>>, vector<1x1x16xf32>,
      %get3A_1281 = vector.shape_cast %get3A_1280 : vector<1x1x16xf32> to vector<16xf32>
      %mul3A_1282 = arith.constant 16 : i32
      %mul3A_1283 = arith.muli %scan3A_42, %mul3A_1282 : i32
      %add3A_1284 = arith.constant 10 : i32
      %add3A_1285 = arith.addi %mul3A_1283, %add3A_1284 : i32
      %swap3A_1286 = arith.index_cast %add3A_1285 : i32 to index
      %swap3A_1287 = arith.constant 32 : index
      %swap3A_1288 = tpu.vector_load %arg9[%swap3A_1286, %swap3A_1287] {strides = array<i32>} : memref<384x64xf32, #tpu.memory_space<vmem>>, vector<1x16xf32>,
      %swap3A_1289 = vector.shape_cast %swap3A_1288 : vector<1x16xf32> to vector<16xf32>
      %swap3A_1290 = vector.shape_cast %get3A_1281 : vector<16xf32> to vector<1x16xf32>
      tpu.vector_store %arg9[%swap3A_1286, %swap3A_1287], %swap3A_1290 {strides = array<i32>} : memref<384x64xf32, #tpu.memory_space<vmem>>, vector<1x16xf32>,
      %get3A_1291 = arith.constant 10 : i32
      %get3A_1292 = arith.index_cast %get3A_1291 : i32 to index
      %get3A_1293 = arith.index_cast %squeeze3A_1245 : i32 to index
      %get3A_1294 = arith.constant 48 : index
      %get3A_1295 = tpu.vector_load %arg8[%get3A_1292, %get3A_1293, %get3A_1294] {strides = array<i32>} : memref<16x8x64xf32, #tpu.memory_space<vmem>>, vector<1x1x16xf32>,
      %get3A_1296 = vector.shape_cast %get3A_1295 : vector<1x1x16xf32> to vector<16xf32>
      %mul3A_1297 = arith.constant 16 : i32
      %mul3A_1298 = arith.muli %scan3A_42, %mul3A_1297 : i32
      %add3A_1299 = arith.constant 10 : i32
      %add3A_1300 = arith.addi %mul3A_1298, %add3A_1299 : i32
      %swap3A_1301 = arith.index_cast %add3A_1300 : i32 to index
      %swap3A_1302 = arith.constant 48 : index
      %swap3A_1303 = tpu.vector_load %arg9[%swap3A_1301, %swap3A_1302] {strides = array<i32>} : memref<384x64xf32, #tpu.memory_space<vmem>>, vector<1x16xf32>,
      %swap3A_1304 = vector.shape_cast %swap3A_1303 : vector<1x16xf32> to vector<16xf32>
      %swap3A_1305 = vector.shape_cast %get3A_1296 : vector<16xf32> to vector<1x16xf32>
      tpu.vector_store %arg9[%swap3A_1301, %swap3A_1302], %swap3A_1305 {strides = array<i32>} : memref<384x64xf32, #tpu.memory_space<vmem>>, vector<1x16xf32>,
      %slice3A_1306 = vector.extract_strided_slice %and3A_50 {offsets = [11], sizes = [1], strides = [1]} : vector<16xi32> to vector<1xi32>
      %squeeze3A_1307 = vector.extract %slice3A_1306[0] : i32 from vector<1xi32>
      %get3A_1308 = arith.constant 11 : i32
      %get3A_1309 = arith.index_cast %get3A_1308 : i32 to index
      %get3A_1310 = arith.index_cast %squeeze3A_1307 : i32 to index
      %get3A_1311 = arith.constant 0 : index
      %get3A_1312 = tpu.vector_load %arg8[%get3A_1309, %get3A_1310, %get3A_1311] {strides = array<i32>} : memref<16x8x64xf32, #tpu.memory_space<vmem>>, vector<1x1x16xf32>,
      %get3A_1313 = vector.shape_cast %get3A_1312 : vector<1x1x16xf32> to vector<16xf32>
      %mul3A_1314 = arith.constant 16 : i32
      %mul3A_1315 = arith.muli %scan3A_42, %mul3A_1314 : i32
      %add3A_1316 = arith.constant 11 : i32
      %add3A_1317 = arith.addi %mul3A_1315, %add3A_1316 : i32
      %swap3A_1318 = arith.index_cast %add3A_1317 : i32 to index
      %swap3A_1319 = arith.constant 0 : index
      %swap3A_1320 = tpu.vector_load %arg9[%swap3A_1318, %swap3A_1319] {strides = array<i32>} : memref<384x64xf32, #tpu.memory_space<vmem>>, vector<1x16xf32>,
      %swap3A_1321 = vector.shape_cast %swap3A_1320 : vector<1x16xf32> to vector<16xf32>
      %swap3A_1322 = vector.shape_cast %get3A_1313 : vector<16xf32> to vector<1x16xf32>
      tpu.vector_store %arg9[%swap3A_1318, %swap3A_1319], %swap3A_1322 {strides = array<i32>} : memref<384x64xf32, #tpu.memory_space<vmem>>, vector<1x16xf32>,
      %get3A_1323 = arith.constant 11 : i32
      %get3A_1324 = arith.index_cast %get3A_1323 : i32 to index
      %get3A_1325 = arith.index_cast %squeeze3A_1307 : i32 to index
      %get3A_1326 = arith.constant 16 : index
      %get3A_1327 = tpu.vector_load %arg8[%get3A_1324, %get3A_1325, %get3A_1326] {strides = array<i32>} : memref<16x8x64xf32, #tpu.memory_space<vmem>>, vector<1x1x16xf32>,
      %get3A_1328 = vector.shape_cast %get3A_1327 : vector<1x1x16xf32> to vector<16xf32>
      %mul3A_1329 = arith.constant 16 : i32
      %mul3A_1330 = arith.muli %scan3A_42, %mul3A_1329 : i32
      %add3A_1331 = arith.constant 11 : i32
      %add3A_1332 = arith.addi %mul3A_1330, %add3A_1331 : i32
      %swap3A_1333 = arith.index_cast %add3A_1332 : i32 to index
      %swap3A_1334 = arith.constant 16 : index
      %swap3A_1335 = tpu.vector_load %arg9[%swap3A_1333, %swap3A_1334] {strides = array<i32>} : memref<384x64xf32, #tpu.memory_space<vmem>>, vector<1x16xf32>,
      %swap3A_1336 = vector.shape_cast %swap3A_1335 : vector<1x16xf32> to vector<16xf32>
      %swap3A_1337 = vector.shape_cast %get3A_1328 : vector<16xf32> to vector<1x16xf32>
      tpu.vector_store %arg9[%swap3A_1333, %swap3A_1334], %swap3A_1337 {strides = array<i32>} : memref<384x64xf32, #tpu.memory_space<vmem>>, vector<1x16xf32>,
      %get3A_1338 = arith.constant 11 : i32
      %get3A_1339 = arith.index_cast %get3A_1338 : i32 to index
      %get3A_1340 = arith.index_cast %squeeze3A_1307 : i32 to index
      %get3A_1341 = arith.constant 32 : index
      %get3A_1342 = tpu.vector_load %arg8[%get3A_1339, %get3A_1340, %get3A_1341] {strides = array<i32>} : memref<16x8x64xf32, #tpu.memory_space<vmem>>, vector<1x1x16xf32>,
      %get3A_1343 = vector.shape_cast %get3A_1342 : vector<1x1x16xf32> to vector<16xf32>
      %mul3A_1344 = arith.constant 16 : i32
      %mul3A_1345 = arith.muli %scan3A_42, %mul3A_1344 : i32
      %add3A_1346 = arith.constant 11 : i32
      %add3A_1347 = arith.addi %mul3A_1345, %add3A_1346 : i32
      %swap3A_1348 = arith.index_cast %add3A_1347 : i32 to index
      %swap3A_1349 = arith.constant 32 : index
      %swap3A_1350 = tpu.vector_load %arg9[%swap3A_1348, %swap3A_1349] {strides = array<i32>} : memref<384x64xf32, #tpu.memory_space<vmem>>, vector<1x16xf32>,
      %swap3A_1351 = vector.shape_cast %swap3A_1350 : vector<1x16xf32> to vector<16xf32>
      %swap3A_1352 = vector.shape_cast %get3A_1343 : vector<16xf32> to vector<1x16xf32>
      tpu.vector_store %arg9[%swap3A_1348, %swap3A_1349], %swap3A_1352 {strides = array<i32>} : memref<384x64xf32, #tpu.memory_space<vmem>>, vector<1x16xf32>,
      %get3A_1353 = arith.constant 11 : i32
      %get3A_1354 = arith.index_cast %get3A_1353 : i32 to index
      %get3A_1355 = arith.index_cast %squeeze3A_1307 : i32 to index
      %get3A_1356 = arith.constant 48 : index
      %get3A_1357 = tpu.vector_load %arg8[%get3A_1354, %get3A_1355, %get3A_1356] {strides = array<i32>} : memref<16x8x64xf32, #tpu.memory_space<vmem>>, vector<1x1x16xf32>,
      %get3A_1358 = vector.shape_cast %get3A_1357 : vector<1x1x16xf32> to vector<16xf32>
      %mul3A_1359 = arith.constant 16 : i32
      %mul3A_1360 = arith.muli %scan3A_42, %mul3A_1359 : i32
      %add3A_1361 = arith.constant 11 : i32
      %add3A_1362 = arith.addi %mul3A_1360, %add3A_1361 : i32
      %swap3A_1363 = arith.index_cast %add3A_1362 : i32 to index
      %swap3A_1364 = arith.constant 48 : index
      %swap3A_1365 = tpu.vector_load %arg9[%swap3A_1363, %swap3A_1364] {strides = array<i32>} : memref<384x64xf32, #tpu.memory_space<vmem>>, vector<1x16xf32>,
      %swap3A_1366 = vector.shape_cast %swap3A_1365 : vector<1x16xf32> to vector<16xf32>
      %swap3A_1367 = vector.shape_cast %get3A_1358 : vector<16xf32> to vector<1x16xf32>
      tpu.vector_store %arg9[%swap3A_1363, %swap3A_1364], %swap3A_1367 {strides = array<i32>} : memref<384x64xf32, #tpu.memory_space<vmem>>, vector<1x16xf32>,
      %slice3A_1368 = vector.extract_strided_slice %and3A_50 {offsets = [12], sizes = [1], strides = [1]} : vector<16xi32> to vector<1xi32>
      %squeeze3A_1369 = vector.extract %slice3A_1368[0] : i32 from vector<1xi32>
      %get3A_1370 = arith.constant 12 : i32
      %get3A_1371 = arith.index_cast %get3A_1370 : i32 to index
      %get3A_1372 = arith.index_cast %squeeze3A_1369 : i32 to index
      %get3A_1373 = arith.constant 0 : index
      %get3A_1374 = tpu.vector_load %arg8[%get3A_1371, %get3A_1372, %get3A_1373] {strides = array<i32>} : memref<16x8x64xf32, #tpu.memory_space<vmem>>, vector<1x1x16xf32>,
      %get3A_1375 = vector.shape_cast %get3A_1374 : vector<1x1x16xf32> to vector<16xf32>
      %mul3A_1376 = arith.constant 16 : i32
      %mul3A_1377 = arith.muli %scan3A_42, %mul3A_1376 : i32
      %add3A_1378 = arith.constant 12 : i32
      %add3A_1379 = arith.addi %mul3A_1377, %add3A_1378 : i32
      %swap3A_1380 = arith.index_cast %add3A_1379 : i32 to index
      %swap3A_1381 = arith.constant 0 : index
      %swap3A_1382 = tpu.vector_load %arg9[%swap3A_1380, %swap3A_1381] {strides = array<i32>} : memref<384x64xf32, #tpu.memory_space<vmem>>, vector<1x16xf32>,
      %swap3A_1383 = vector.shape_cast %swap3A_1382 : vector<1x16xf32> to vector<16xf32>
      %swap3A_1384 = vector.shape_cast %get3A_1375 : vector<16xf32> to vector<1x16xf32>
      tpu.vector_store %arg9[%swap3A_1380, %swap3A_1381], %swap3A_1384 {strides = array<i32>} : memref<384x64xf32, #tpu.memory_space<vmem>>, vector<1x16xf32>,
      %get3A_1385 = arith.constant 12 : i32
      %get3A_1386 = arith.index_cast %get3A_1385 : i32 to index
      %get3A_1387 = arith.index_cast %squeeze3A_1369 : i32 to index
      %get3A_1388 = arith.constant 16 : index
      %get3A_1389 = tpu.vector_load %arg8[%get3A_1386, %get3A_1387, %get3A_1388] {strides = array<i32>} : memref<16x8x64xf32, #tpu.memory_space<vmem>>, vector<1x1x16xf32>,
      %get3A_1390 = vector.shape_cast %get3A_1389 : vector<1x1x16xf32> to vector<16xf32>
      %mul3A_1391 = arith.constant 16 : i32
      %mul3A_1392 = arith.muli %scan3A_42, %mul3A_1391 : i32
      %add3A_1393 = arith.constant 12 : i32
      %add3A_1394 = arith.addi %mul3A_1392, %add3A_1393 : i32
      %swap3A_1395 = arith.index_cast %add3A_1394 : i32 to index
      %swap3A_1396 = arith.constant 16 : index
      %swap3A_1397 = tpu.vector_load %arg9[%swap3A_1395, %swap3A_1396] {strides = array<i32>} : memref<384x64xf32, #tpu.memory_space<vmem>>, vector<1x16xf32>,
      %swap3A_1398 = vector.shape_cast %swap3A_1397 : vector<1x16xf32> to vector<16xf32>
      %swap3A_1399 = vector.shape_cast %get3A_1390 : vector<16xf32> to vector<1x16xf32>
      tpu.vector_store %arg9[%swap3A_1395, %swap3A_1396], %swap3A_1399 {strides = array<i32>} : memref<384x64xf32, #tpu.memory_space<vmem>>, vector<1x16xf32>,
      %get3A_1400 = arith.constant 12 : i32
      %get3A_1401 = arith.index_cast %get3A_1400 : i32 to index
      %get3A_1402 = arith.index_cast %squeeze3A_1369 : i32 to index
      %get3A_1403 = arith.constant 32 : index
      %get3A_1404 = tpu.vector_load %arg8[%get3A_1401, %get3A_1402, %get3A_1403] {strides = array<i32>} : memref<16x8x64xf32, #tpu.memory_space<vmem>>, vector<1x1x16xf32>,
      %get3A_1405 = vector.shape_cast %get3A_1404 : vector<1x1x16xf32> to vector<16xf32>
      %mul3A_1406 = arith.constant 16 : i32
      %mul3A_1407 = arith.muli %scan3A_42, %mul3A_1406 : i32
      %add3A_1408 = arith.constant 12 : i32
      %add3A_1409 = arith.addi %mul3A_1407, %add3A_1408 : i32
      %swap3A_1410 = arith.index_cast %add3A_1409 : i32 to index
      %swap3A_1411 = arith.constant 32 : index
      %swap3A_1412 = tpu.vector_load %arg9[%swap3A_1410, %swap3A_1411] {strides = array<i32>} : memref<384x64xf32, #tpu.memory_space<vmem>>, vector<1x16xf32>,
      %swap3A_1413 = vector.shape_cast %swap3A_1412 : vector<1x16xf32> to vector<16xf32>
      %swap3A_1414 = vector.shape_cast %get3A_1405 : vector<16xf32> to vector<1x16xf32>
      tpu.vector_store %arg9[%swap3A_1410, %swap3A_1411], %swap3A_1414 {strides = array<i32>} : memref<384x64xf32, #tpu.memory_space<vmem>>, vector<1x16xf32>,
      %get3A_1415 = arith.constant 12 : i32
      %get3A_1416 = arith.index_cast %get3A_1415 : i32 to index
      %get3A_1417 = arith.index_cast %squeeze3A_1369 : i32 to index
      %get3A_1418 = arith.constant 48 : index
      %get3A_1419 = tpu.vector_load %arg8[%get3A_1416, %get3A_1417, %get3A_1418] {strides = array<i32>} : memref<16x8x64xf32, #tpu.memory_space<vmem>>, vector<1x1x16xf32>,
      %get3A_1420 = vector.shape_cast %get3A_1419 : vector<1x1x16xf32> to vector<16xf32>
      %mul3A_1421 = arith.constant 16 : i32
      %mul3A_1422 = arith.muli %scan3A_42, %mul3A_1421 : i32
      %add3A_1423 = arith.constant 12 : i32
      %add3A_1424 = arith.addi %mul3A_1422, %add3A_1423 : i32
      %swap3A_1425 = arith.index_cast %add3A_1424 : i32 to index
      %swap3A_1426 = arith.constant 48 : index
      %swap3A_1427 = tpu.vector_load %arg9[%swap3A_1425, %swap3A_1426] {strides = array<i32>} : memref<384x64xf32, #tpu.memory_space<vmem>>, vector<1x16xf32>,
      %swap3A_1428 = vector.shape_cast %swap3A_1427 : vector<1x16xf32> to vector<16xf32>
      %swap3A_1429 = vector.shape_cast %get3A_1420 : vector<16xf32> to vector<1x16xf32>
      tpu.vector_store %arg9[%swap3A_1425, %swap3A_1426], %swap3A_1429 {strides = array<i32>} : memref<384x64xf32, #tpu.memory_space<vmem>>, vector<1x16xf32>,
      %slice3A_1430 = vector.extract_strided_slice %and3A_50 {offsets = [13], sizes = [1], strides = [1]} : vector<16xi32> to vector<1xi32>
      %squeeze3A_1431 = vector.extract %slice3A_1430[0] : i32 from vector<1xi32>
      %get3A_1432 = arith.constant 13 : i32
      %get3A_1433 = arith.index_cast %get3A_1432 : i32 to index
      %get3A_1434 = arith.index_cast %squeeze3A_1431 : i32 to index
      %get3A_1435 = arith.constant 0 : index
      %get3A_1436 = tpu.vector_load %arg8[%get3A_1433, %get3A_1434, %get3A_1435] {strides = array<i32>} : memref<16x8x64xf32, #tpu.memory_space<vmem>>, vector<1x1x16xf32>,
      %get3A_1437 = vector.shape_cast %get3A_1436 : vector<1x1x16xf32> to vector<16xf32>
      %mul3A_1438 = arith.constant 16 : i32
      %mul3A_1439 = arith.muli %scan3A_42, %mul3A_1438 : i32
      %add3A_1440 = arith.constant 13 : i32
      %add3A_1441 = arith.addi %mul3A_1439, %add3A_1440 : i32
      %swap3A_1442 = arith.index_cast %add3A_1441 : i32 to index
      %swap3A_1443 = arith.constant 0 : index
      %swap3A_1444 = tpu.vector_load %arg9[%swap3A_1442, %swap3A_1443] {strides = array<i32>} : memref<384x64xf32, #tpu.memory_space<vmem>>, vector<1x16xf32>,
      %swap3A_1445 = vector.shape_cast %swap3A_1444 : vector<1x16xf32> to vector<16xf32>
      %swap3A_1446 = vector.shape_cast %get3A_1437 : vector<16xf32> to vector<1x16xf32>
      tpu.vector_store %arg9[%swap3A_1442, %swap3A_1443], %swap3A_1446 {strides = array<i32>} : memref<384x64xf32, #tpu.memory_space<vmem>>, vector<1x16xf32>,
      %get3A_1447 = arith.constant 13 : i32
      %get3A_1448 = arith.index_cast %get3A_1447 : i32 to index
      %get3A_1449 = arith.index_cast %squeeze3A_1431 : i32 to index
      %get3A_1450 = arith.constant 16 : index
      %get3A_1451 = tpu.vector_load %arg8[%get3A_1448, %get3A_1449, %get3A_1450] {strides = array<i32>} : memref<16x8x64xf32, #tpu.memory_space<vmem>>, vector<1x1x16xf32>,
      %get3A_1452 = vector.shape_cast %get3A_1451 : vector<1x1x16xf32> to vector<16xf32>
      %mul3A_1453 = arith.constant 16 : i32
      %mul3A_1454 = arith.muli %scan3A_42, %mul3A_1453 : i32
      %add3A_1455 = arith.constant 13 : i32
      %add3A_1456 = arith.addi %mul3A_1454, %add3A_1455 : i32
      %swap3A_1457 = arith.index_cast %add3A_1456 : i32 to index
      %swap3A_1458 = arith.constant 16 : index
      %swap3A_1459 = tpu.vector_load %arg9[%swap3A_1457, %swap3A_1458] {strides = array<i32>} : memref<384x64xf32, #tpu.memory_space<vmem>>, vector<1x16xf32>,
      %swap3A_1460 = vector.shape_cast %swap3A_1459 : vector<1x16xf32> to vector<16xf32>
      %swap3A_1461 = vector.shape_cast %get3A_1452 : vector<16xf32> to vector<1x16xf32>
      tpu.vector_store %arg9[%swap3A_1457, %swap3A_1458], %swap3A_1461 {strides = array<i32>} : memref<384x64xf32, #tpu.memory_space<vmem>>, vector<1x16xf32>,
      %get3A_1462 = arith.constant 13 : i32
      %get3A_1463 = arith.index_cast %get3A_1462 : i32 to index
      %get3A_1464 = arith.index_cast %squeeze3A_1431 : i32 to index
      %get3A_1465 = arith.constant 32 : index
      %get3A_1466 = tpu.vector_load %arg8[%get3A_1463, %get3A_1464, %get3A_1465] {strides = array<i32>} : memref<16x8x64xf32, #tpu.memory_space<vmem>>, vector<1x1x16xf32>,
      %get3A_1467 = vector.shape_cast %get3A_1466 : vector<1x1x16xf32> to vector<16xf32>
      %mul3A_1468 = arith.constant 16 : i32
      %mul3A_1469 = arith.muli %scan3A_42, %mul3A_1468 : i32
      %add3A_1470 = arith.constant 13 : i32
      %add3A_1471 = arith.addi %mul3A_1469, %add3A_1470 : i32
      %swap3A_1472 = arith.index_cast %add3A_1471 : i32 to index
      %swap3A_1473 = arith.constant 32 : index
      %swap3A_1474 = tpu.vector_load %arg9[%swap3A_1472, %swap3A_1473] {strides = array<i32>} : memref<384x64xf32, #tpu.memory_space<vmem>>, vector<1x16xf32>,
      %swap3A_1475 = vector.shape_cast %swap3A_1474 : vector<1x16xf32> to vector<16xf32>
      %swap3A_1476 = vector.shape_cast %get3A_1467 : vector<16xf32> to vector<1x16xf32>
      tpu.vector_store %arg9[%swap3A_1472, %swap3A_1473], %swap3A_1476 {strides = array<i32>} : memref<384x64xf32, #tpu.memory_space<vmem>>, vector<1x16xf32>,
      %get3A_1477 = arith.constant 13 : i32
      %get3A_1478 = arith.index_cast %get3A_1477 : i32 to index
      %get3A_1479 = arith.index_cast %squeeze3A_1431 : i32 to index
      %get3A_1480 = arith.constant 48 : index
      %get3A_1481 = tpu.vector_load %arg8[%get3A_1478, %get3A_1479, %get3A_1480] {strides = array<i32>} : memref<16x8x64xf32, #tpu.memory_space<vmem>>, vector<1x1x16xf32>,
      %get3A_1482 = vector.shape_cast %get3A_1481 : vector<1x1x16xf32> to vector<16xf32>
      %mul3A_1483 = arith.constant 16 : i32
      %mul3A_1484 = arith.muli %scan3A_42, %mul3A_1483 : i32
      %add3A_1485 = arith.constant 13 : i32
      %add3A_1486 = arith.addi %mul3A_1484, %add3A_1485 : i32
      %swap3A_1487 = arith.index_cast %add3A_1486 : i32 to index
      %swap3A_1488 = arith.constant 48 : index
      %swap3A_1489 = tpu.vector_load %arg9[%swap3A_1487, %swap3A_1488] {strides = array<i32>} : memref<384x64xf32, #tpu.memory_space<vmem>>, vector<1x16xf32>,
      %swap3A_1490 = vector.shape_cast %swap3A_1489 : vector<1x16xf32> to vector<16xf32>
      %swap3A_1491 = vector.shape_cast %get3A_1482 : vector<16xf32> to vector<1x16xf32>
      tpu.vector_store %arg9[%swap3A_1487, %swap3A_1488], %swap3A_1491 {strides = array<i32>} : memref<384x64xf32, #tpu.memory_space<vmem>>, vector<1x16xf32>,
      %slice3A_1492 = vector.extract_strided_slice %and3A_50 {offsets = [14], sizes = [1], strides = [1]} : vector<16xi32> to vector<1xi32>
      %squeeze3A_1493 = vector.extract %slice3A_1492[0] : i32 from vector<1xi32>
      %get3A_1494 = arith.constant 14 : i32
      %get3A_1495 = arith.index_cast %get3A_1494 : i32 to index
      %get3A_1496 = arith.index_cast %squeeze3A_1493 : i32 to index
      %get3A_1497 = arith.constant 0 : index
      %get3A_1498 = tpu.vector_load %arg8[%get3A_1495, %get3A_1496, %get3A_1497] {strides = array<i32>} : memref<16x8x64xf32, #tpu.memory_space<vmem>>, vector<1x1x16xf32>,
      %get3A_1499 = vector.shape_cast %get3A_1498 : vector<1x1x16xf32> to vector<16xf32>
      %mul3A_1500 = arith.constant 16 : i32
      %mul3A_1501 = arith.muli %scan3A_42, %mul3A_1500 : i32
      %add3A_1502 = arith.constant 14 : i32
      %add3A_1503 = arith.addi %mul3A_1501, %add3A_1502 : i32
      %swap3A_1504 = arith.index_cast %add3A_1503 : i32 to index
      %swap3A_1505 = arith.constant 0 : index
      %swap3A_1506 = tpu.vector_load %arg9[%swap3A_1504, %swap3A_1505] {strides = array<i32>} : memref<384x64xf32, #tpu.memory_space<vmem>>, vector<1x16xf32>,
      %swap3A_1507 = vector.shape_cast %swap3A_1506 : vector<1x16xf32> to vector<16xf32>
      %swap3A_1508 = vector.shape_cast %get3A_1499 : vector<16xf32> to vector<1x16xf32>
      tpu.vector_store %arg9[%swap3A_1504, %swap3A_1505], %swap3A_1508 {strides = array<i32>} : memref<384x64xf32, #tpu.memory_space<vmem>>, vector<1x16xf32>,
      %get3A_1509 = arith.constant 14 : i32
      %get3A_1510 = arith.index_cast %get3A_1509 : i32 to index
      %get3A_1511 = arith.index_cast %squeeze3A_1493 : i32 to index
      %get3A_1512 = arith.constant 16 : index
      %get3A_1513 = tpu.vector_load %arg8[%get3A_1510, %get3A_1511, %get3A_1512] {strides = array<i32>} : memref<16x8x64xf32, #tpu.memory_space<vmem>>, vector<1x1x16xf32>,
      %get3A_1514 = vector.shape_cast %get3A_1513 : vector<1x1x16xf32> to vector<16xf32>
      %mul3A_1515 = arith.constant 16 : i32
      %mul3A_1516 = arith.muli %scan3A_42, %mul3A_1515 : i32
      %add3A_1517 = arith.constant 14 : i32
      %add3A_1518 = arith.addi %mul3A_1516, %add3A_1517 : i32
      %swap3A_1519 = arith.index_cast %add3A_1518 : i32 to index
      %swap3A_1520 = arith.constant 16 : index
      %swap3A_1521 = tpu.vector_load %arg9[%swap3A_1519, %swap3A_1520] {strides = array<i32>} : memref<384x64xf32, #tpu.memory_space<vmem>>, vector<1x16xf32>,
      %swap3A_1522 = vector.shape_cast %swap3A_1521 : vector<1x16xf32> to vector<16xf32>
      %swap3A_1523 = vector.shape_cast %get3A_1514 : vector<16xf32> to vector<1x16xf32>
      tpu.vector_store %arg9[%swap3A_1519, %swap3A_1520], %swap3A_1523 {strides = array<i32>} : memref<384x64xf32, #tpu.memory_space<vmem>>, vector<1x16xf32>,
      %get3A_1524 = arith.constant 14 : i32
      %get3A_1525 = arith.index_cast %get3A_1524 : i32 to index
      %get3A_1526 = arith.index_cast %squeeze3A_1493 : i32 to index
      %get3A_1527 = arith.constant 32 : index
      %get3A_1528 = tpu.vector_load %arg8[%get3A_1525, %get3A_1526, %get3A_1527] {strides = array<i32>} : memref<16x8x64xf32, #tpu.memory_space<vmem>>, vector<1x1x16xf32>,
      %get3A_1529 = vector.shape_cast %get3A_1528 : vector<1x1x16xf32> to vector<16xf32>
      %mul3A_1530 = arith.constant 16 : i32
      %mul3A_1531 = arith.muli %scan3A_42, %mul3A_1530 : i32
      %add3A_1532 = arith.constant 14 : i32
      %add3A_1533 = arith.addi %mul3A_1531, %add3A_1532 : i32
      %swap3A_1534 = arith.index_cast %add3A_1533 : i32 to index
      %swap3A_1535 = arith.constant 32 : index
      %swap3A_1536 = tpu.vector_load %arg9[%swap3A_1534, %swap3A_1535] {strides = array<i32>} : memref<384x64xf32, #tpu.memory_space<vmem>>, vector<1x16xf32>,
      %swap3A_1537 = vector.shape_cast %swap3A_1536 : vector<1x16xf32> to vector<16xf32>
      %swap3A_1538 = vector.shape_cast %get3A_1529 : vector<16xf32> to vector<1x16xf32>
      tpu.vector_store %arg9[%swap3A_1534, %swap3A_1535], %swap3A_1538 {strides = array<i32>} : memref<384x64xf32, #tpu.memory_space<vmem>>, vector<1x16xf32>,
      %get3A_1539 = arith.constant 14 : i32
      %get3A_1540 = arith.index_cast %get3A_1539 : i32 to index
      %get3A_1541 = arith.index_cast %squeeze3A_1493 : i32 to index
      %get3A_1542 = arith.constant 48 : index
      %get3A_1543 = tpu.vector_load %arg8[%get3A_1540, %get3A_1541, %get3A_1542] {strides = array<i32>} : memref<16x8x64xf32, #tpu.memory_space<vmem>>, vector<1x1x16xf32>,
      %get3A_1544 = vector.shape_cast %get3A_1543 : vector<1x1x16xf32> to vector<16xf32>
      %mul3A_1545 = arith.constant 16 : i32
      %mul3A_1546 = arith.muli %scan3A_42, %mul3A_1545 : i32
      %add3A_1547 = arith.constant 14 : i32
      %add3A_1548 = arith.addi %mul3A_1546, %add3A_1547 : i32
      %swap3A_1549 = arith.index_cast %add3A_1548 : i32 to index
      %swap3A_1550 = arith.constant 48 : index
      %swap3A_1551 = tpu.vector_load %arg9[%swap3A_1549, %swap3A_1550] {strides = array<i32>} : memref<384x64xf32, #tpu.memory_space<vmem>>, vector<1x16xf32>,
      %swap3A_1552 = vector.shape_cast %swap3A_1551 : vector<1x16xf32> to vector<16xf32>
      %swap3A_1553 = vector.shape_cast %get3A_1544 : vector<16xf32> to vector<1x16xf32>
      tpu.vector_store %arg9[%swap3A_1549, %swap3A_1550], %swap3A_1553 {strides = array<i32>} : memref<384x64xf32, #tpu.memory_space<vmem>>, vector<1x16xf32>,
      %slice3A_1554 = vector.extract_strided_slice %and3A_50 {offsets = [15], sizes = [1], strides = [1]} : vector<16xi32> to vector<1xi32>
      %squeeze3A_1555 = vector.extract %slice3A_1554[0] : i32 from vector<1xi32>
      %get3A_1556 = arith.constant 15 : i32
      %get3A_1557 = arith.index_cast %get3A_1556 : i32 to index
      %get3A_1558 = arith.index_cast %squeeze3A_1555 : i32 to index
      %get3A_1559 = arith.constant 0 : index
      %get3A_1560 = tpu.vector_load %arg8[%get3A_1557, %get3A_1558, %get3A_1559] {strides = array<i32>} : memref<16x8x64xf32, #tpu.memory_space<vmem>>, vector<1x1x16xf32>,
      %get3A_1561 = vector.shape_cast %get3A_1560 : vector<1x1x16xf32> to vector<16xf32>
      %mul3A_1562 = arith.constant 16 : i32
      %mul3A_1563 = arith.muli %scan3A_42, %mul3A_1562 : i32
      %add3A_1564 = arith.constant 15 : i32
      %add3A_1565 = arith.addi %mul3A_1563, %add3A_1564 : i32
      %swap3A_1566 = arith.index_cast %add3A_1565 : i32 to index
      %swap3A_1567 = arith.constant 0 : index
      %swap3A_1568 = tpu.vector_load %arg9[%swap3A_1566, %swap3A_1567] {strides = array<i32>} : memref<384x64xf32, #tpu.memory_space<vmem>>, vector<1x16xf32>,
      %swap3A_1569 = vector.shape_cast %swap3A_1568 : vector<1x16xf32> to vector<16xf32>
      %swap3A_1570 = vector.shape_cast %get3A_1561 : vector<16xf32> to vector<1x16xf32>
      tpu.vector_store %arg9[%swap3A_1566, %swap3A_1567], %swap3A_1570 {strides = array<i32>} : memref<384x64xf32, #tpu.memory_space<vmem>>, vector<1x16xf32>,
      %get3A_1571 = arith.constant 15 : i32
      %get3A_1572 = arith.index_cast %get3A_1571 : i32 to index
      %get3A_1573 = arith.index_cast %squeeze3A_1555 : i32 to index
      %get3A_1574 = arith.constant 16 : index
      %get3A_1575 = tpu.vector_load %arg8[%get3A_1572, %get3A_1573, %get3A_1574] {strides = array<i32>} : memref<16x8x64xf32, #tpu.memory_space<vmem>>, vector<1x1x16xf32>,
      %get3A_1576 = vector.shape_cast %get3A_1575 : vector<1x1x16xf32> to vector<16xf32>
      %mul3A_1577 = arith.constant 16 : i32
      %mul3A_1578 = arith.muli %scan3A_42, %mul3A_1577 : i32
      %add3A_1579 = arith.constant 15 : i32
      %add3A_1580 = arith.addi %mul3A_1578, %add3A_1579 : i32
      %swap3A_1581 = arith.index_cast %add3A_1580 : i32 to index
      %swap3A_1582 = arith.constant 16 : index
      %swap3A_1583 = tpu.vector_load %arg9[%swap3A_1581, %swap3A_1582] {strides = array<i32>} : memref<384x64xf32, #tpu.memory_space<vmem>>, vector<1x16xf32>,
      %swap3A_1584 = vector.shape_cast %swap3A_1583 : vector<1x16xf32> to vector<16xf32>
      %swap3A_1585 = vector.shape_cast %get3A_1576 : vector<16xf32> to vector<1x16xf32>
      tpu.vector_store %arg9[%swap3A_1581, %swap3A_1582], %swap3A_1585 {strides = array<i32>} : memref<384x64xf32, #tpu.memory_space<vmem>>, vector<1x16xf32>,
      %get3A_1586 = arith.constant 15 : i32
      %get3A_1587 = arith.index_cast %get3A_1586 : i32 to index
      %get3A_1588 = arith.index_cast %squeeze3A_1555 : i32 to index
      %get3A_1589 = arith.constant 32 : index
      %get3A_1590 = tpu.vector_load %arg8[%get3A_1587, %get3A_1588, %get3A_1589] {strides = array<i32>} : memref<16x8x64xf32, #tpu.memory_space<vmem>>, vector<1x1x16xf32>,
      %get3A_1591 = vector.shape_cast %get3A_1590 : vector<1x1x16xf32> to vector<16xf32>
      %mul3A_1592 = arith.constant 16 : i32
      %mul3A_1593 = arith.muli %scan3A_42, %mul3A_1592 : i32
      %add3A_1594 = arith.constant 15 : i32
      %add3A_1595 = arith.addi %mul3A_1593, %add3A_1594 : i32
      %swap3A_1596 = arith.index_cast %add3A_1595 : i32 to index
      %swap3A_1597 = arith.constant 32 : index
      %swap3A_1598 = tpu.vector_load %arg9[%swap3A_1596, %swap3A_1597] {strides = array<i32>} : memref<384x64xf32, #tpu.memory_space<vmem>>, vector<1x16xf32>,
      %swap3A_1599 = vector.shape_cast %swap3A_1598 : vector<1x16xf32> to vector<16xf32>
      %swap3A_1600 = vector.shape_cast %get3A_1591 : vector<16xf32> to vector<1x16xf32>
      tpu.vector_store %arg9[%swap3A_1596, %swap3A_1597], %swap3A_1600 {strides = array<i32>} : memref<384x64xf32, #tpu.memory_space<vmem>>, vector<1x16xf32>,
      %get3A_1601 = arith.constant 15 : i32
      %get3A_1602 = arith.index_cast %get3A_1601 : i32 to index
      %get3A_1603 = arith.index_cast %squeeze3A_1555 : i32 to index
      %get3A_1604 = arith.constant 48 : index
      %get3A_1605 = tpu.vector_load %arg8[%get3A_1602, %get3A_1603, %get3A_1604] {strides = array<i32>} : memref<16x8x64xf32, #tpu.memory_space<vmem>>, vector<1x1x16xf32>,
      %get3A_1606 = vector.shape_cast %get3A_1605 : vector<1x1x16xf32> to vector<16xf32>
      %mul3A_1607 = arith.constant 16 : i32
      %mul3A_1608 = arith.muli %scan3A_42, %mul3A_1607 : i32
      %add3A_1609 = arith.constant 15 : i32
      %add3A_1610 = arith.addi %mul3A_1608, %add3A_1609 : i32
      %swap3A_1611 = arith.index_cast %add3A_1610 : i32 to index
      %swap3A_1612 = arith.constant 48 : index
      %swap3A_1613 = tpu.vector_load %arg9[%swap3A_1611, %swap3A_1612] {strides = array<i32>} : memref<384x64xf32, #tpu.memory_space<vmem>>, vector<1x16xf32>,
      %swap3A_1614 = vector.shape_cast %swap3A_1613 : vector<1x16xf32> to vector<16xf32>
      %swap3A_1615 = vector.shape_cast %get3A_1606 : vector<16xf32> to vector<1x16xf32>
      tpu.vector_store %arg9[%swap3A_1611, %swap3A_1612], %swap3A_1615 {strides = array<i32>} : memref<384x64xf32, #tpu.memory_space<vmem>>, vector<1x16xf32>,
    }
    %scan3A_24 = arith.constant 24 : i32
    %dma_wait3A = arith.constant 0 : i32
    %dma_wait3A_25 = tpu.memref_slice %arg10[%dma_wait3A] : memref<384xf32, #tpu.memory_space<vmem>> -> memref<128xf32, #tpu.memory_space<vmem>>
    %dma_wait3A_26 = arith.constant 0 : i32
    %dma_wait3A_27 = tpu.memref_slice %arg7[%dma_wait3A_26] : memref<384xi32, #tpu.memory_space<vmem>> -> memref<128xi32, #tpu.memory_space<vmem>>
    %dma_wait3A_28 = arith.constant 0 : i32
    %dma_wait3A_29 = tpu.memref_slice %arg3[%dma_wait3A_28] : memref<1000000xf32, #tpu.memory_space<hbm>> -> memref<1000000xf32, #tpu.memory_space<hbm>>
    tpu.wait_indirect_dma semaphore(%arg12 : memref<!tpu.dma_semaphore, #tpu.memory_space<semaphore_mem>>) src(%dma_wait3A_29 : memref<1000000xf32, #tpu.memory_space<hbm>>) dst(%dma_wait3A_25 : memref<128xf32, #tpu.memory_space<vmem>>)
    %dma_wait3A_30 = arith.constant 128 : i32
    %dma_wait3A_31 = tpu.memref_slice %arg10[%dma_wait3A_30] : memref<384xf32, #tpu.memory_space<vmem>> -> memref<128xf32, #tpu.memory_space<vmem>>
    %dma_wait3A_32 = arith.constant 128 : i32
    %dma_wait3A_33 = tpu.memref_slice %arg7[%dma_wait3A_32] : memref<384xi32, #tpu.memory_space<vmem>> -> memref<128xi32, #tpu.memory_space<vmem>>
    %dma_wait3A_34 = arith.constant 0 : i32
    %dma_wait3A_35 = tpu.memref_slice %arg3[%dma_wait3A_34] : memref<1000000xf32, #tpu.memory_space<hbm>> -> memref<1000000xf32, #tpu.memory_space<hbm>>
    tpu.wait_indirect_dma semaphore(%arg12 : memref<!tpu.dma_semaphore, #tpu.memory_space<semaphore_mem>>) src(%dma_wait3A_35 : memref<1000000xf32, #tpu.memory_space<hbm>>) dst(%dma_wait3A_31 : memref<128xf32, #tpu.memory_space<vmem>>)
    %dma_wait3A_36 = arith.constant 256 : i32
    %dma_wait3A_37 = tpu.memref_slice %arg10[%dma_wait3A_36] : memref<384xf32, #tpu.memory_space<vmem>> -> memref<128xf32, #tpu.memory_space<vmem>>
    %dma_wait3A_38 = arith.constant 256 : i32
    %dma_wait3A_39 = tpu.memref_slice %arg7[%dma_wait3A_38] : memref<384xi32, #tpu.memory_space<vmem>> -> memref<128xi32, #tpu.memory_space<vmem>>
    %dma_wait3A_40 = arith.constant 0 : i32
    %dma_wait3A_41 = tpu.memref_slice %arg3[%dma_wait3A_40] : memref<1000000xf32, #tpu.memory_space<hbm>> -> memref<1000000xf32, #tpu.memory_space<hbm>>
    tpu.wait_indirect_dma semaphore(%arg12 : memref<!tpu.dma_semaphore, #tpu.memory_space<semaphore_mem>>) src(%dma_wait3A_41 : memref<1000000xf32, #tpu.memory_space<hbm>>) dst(%dma_wait3A_37 : memref<128xf32, #tpu.memory_space<vmem>>)
    "tpu.region"() ({
      %run_scoped3A = tpu.sem_alloc : memref<!tpu.dma_semaphore, #tpu.memory_space<semaphore_mem>>
      %dma_start3A_42 = arith.constant 0 : i32
      %dma_start3A_43 = tpu.memref_slice %arg5[%mul3A_2, %dma_start3A_42] : memref<12288x64xf32, #tpu.memory_space<hbm>> -> memref<384x64xf32, #tpu.memory_space<hbm>>
      %dma_start3A_44 = arith.constant 0 : i32
      %dma_start3A_45 = tpu.memref_slice %arg5[%mul3A_2, %dma_start3A_44] : memref<12288x64xf32, #tpu.memory_space<hbm>> -> memref<384x64xf32, #tpu.memory_space<hbm>>
      tpu.enqueue_dma source(%arg9 : memref<384x64xf32, #tpu.memory_space<vmem>>) target(%dma_start3A_45 : memref<384x64xf32, #tpu.memory_space<hbm>>) target_semaphore(%run_scoped3A : memref<!tpu.dma_semaphore, #tpu.memory_space<semaphore_mem>>)
      %dma_wait3A_46 = arith.constant 0 : i32
      %dma_wait3A_47 = tpu.memref_slice %arg5[%mul3A_2, %dma_wait3A_46] : memref<12288x64xf32, #tpu.memory_space<hbm>> -> memref<384x64xf32, #tpu.memory_space<hbm>>
      %dma_wait3A_48 = arith.constant 0 : i32
      %dma_wait3A_49 = tpu.memref_slice %arg5[%mul3A_2, %dma_wait3A_48] : memref<12288x64xf32, #tpu.memory_space<hbm>> -> memref<384x64xf32, #tpu.memory_space<hbm>>
      tpu.wait_dma2 semaphore(%run_scoped3A : memref<!tpu.dma_semaphore, #tpu.memory_space<semaphore_mem>>) src(%arg9 : memref<384x64xf32, #tpu.memory_space<vmem>>) dst(%dma_wait3A_49 : memref<384x64xf32, #tpu.memory_space<hbm>>)
      tpu.yield
    }) : () -> ()
    "tpu.region"() ({
      %run_scoped3A = tpu.sem_alloc : memref<!tpu.dma_semaphore, #tpu.memory_space<semaphore_mem>>
      %dma_start3A_42 = tpu.memref_slice %arg6[%mul3A_2] : memref<12288xf32, #tpu.memory_space<hbm>> -> memref<384xf32, #tpu.memory_space<hbm>>
      %dma_start3A_43 = tpu.memref_slice %arg6[%mul3A_2] : memref<12288xf32, #tpu.memory_space<hbm>> -> memref<384xf32, #tpu.memory_space<hbm>>
      tpu.enqueue_dma source(%arg10 : memref<384xf32, #tpu.memory_space<vmem>>) target(%dma_start3A_43 : memref<384xf32, #tpu.memory_space<hbm>>) target_semaphore(%run_scoped3A : memref<!tpu.dma_semaphore, #tpu.memory_space<semaphore_mem>>)
      %dma_wait3A_44 = tpu.memref_slice %arg6[%mul3A_2] : memref<12288xf32, #tpu.memory_space<hbm>> -> memref<384xf32, #tpu.memory_space<hbm>>
      %dma_wait3A_45 = tpu.memref_slice %arg6[%mul3A_2] : memref<12288xf32, #tpu.memory_space<hbm>> -> memref<384xf32, #tpu.memory_space<hbm>>
      tpu.wait_dma2 semaphore(%run_scoped3A : memref<!tpu.dma_semaphore, #tpu.memory_space<semaphore_mem>>) src(%arg10 : memref<384xf32, #tpu.memory_space<vmem>>) dst(%dma_wait3A_45 : memref<384xf32, #tpu.memory_space<hbm>>)
      tpu.yield
    }) : () -> ()
    return
  }
}

module attributes {stable_mosaic.version = 14 : i64} {
  func.func @_tc_loss_body(%arg0: i32, %arg1: memref<1x1xf32, #tpu.memory_space<smem>>, %arg2: memref<256x64xf32, #tpu.memory_space<vmem>>, %arg3: memref<256x64xf32, #tpu.memory_space<vmem>>, %arg4: memref<256x1xf32, #tpu.memory_space<vmem>>, %arg5: memref<256x1xi32, #tpu.memory_space<vmem>>, %arg6: memref<8192x64xf32, #tpu.memory_space<vmem>>, %arg7: memref<1x8192xf32, #tpu.memory_space<vmem>>, %arg8: memref<1x8192xi32, #tpu.memory_space<vmem>>, %arg9: memref<1x1xf32, #tpu.memory_space<smem>>) attributes {dimension_semantics = [#tpu.dimension_semantics<arbitrary>], iteration_bounds = array<i64: 16>, scalar_prefetch = 0 : i64, scratch_operands = 0 : i64, tpu.core_type = #tpu.core_type<tc>, window_params = [{transform_indices = @transform_0, window_bounds = array<i64: 1, 1>}, {transform_indices = @transform_1, window_bounds = array<i64: 256, 64>}, {transform_indices = @transform_2, window_bounds = array<i64: 256, 64>}, {transform_indices = @transform_3, window_bounds = array<i64: 256, 1>}, {transform_indices = @transform_4, window_bounds = array<i64: 256, 1>}, {pipeline_mode = #tpu.pipeline_mode<synchronous>, transform_indices = @transform_5, window_bounds = array<i64: 8192, 64>}, {pipeline_mode = #tpu.pipeline_mode<synchronous>, transform_indices = @transform_6, window_bounds = array<i64: 1, 8192>}, {pipeline_mode = #tpu.pipeline_mode<synchronous>, transform_indices = @transform_7, window_bounds = array<i64: 1, 8192>}, {transform_indices = @transform_8, window_bounds = array<i64: 1, 1>}]} {
    %get3A = arith.constant 0 : index
    %get3A_0 = arith.constant 0 : index
    %get3A_1 = memref.load %arg1[%get3A, %get3A_0] : memref<1x1xf32, #tpu.memory_space<smem>>
    %get3A_2 = arith.constant 0 : index
    %get3A_3 = arith.constant 0 : index
    %get3A_4 = vector.load %arg2[%get3A_2, %get3A_3] : memref<256x64xf32, #tpu.memory_space<vmem>>, vector<256x64xf32>
    %get3A_5 = arith.constant 0 : index
    %get3A_6 = arith.constant 0 : index
    %get3A_7 = vector.load %arg3[%get3A_5, %get3A_6] : memref<256x64xf32, #tpu.memory_space<vmem>>, vector<256x64xf32>
    %get3A_8 = arith.constant 0 : index
    %get3A_9 = arith.constant 0 : index
    %get3A_10 = vector.load %arg4[%get3A_8, %get3A_9] : memref<256x1xf32, #tpu.memory_space<vmem>>, vector<256x1xf32>
    %get3A_11 = arith.constant 0 : index
    %get3A_12 = arith.constant 0 : index
    %get3A_13 = vector.load %arg5[%get3A_11, %get3A_12] : memref<256x1xi32, #tpu.memory_space<vmem>>, vector<256x1xi32>
    %get3A_14 = arith.constant 0 : index
    %get3A_15 = arith.constant 0 : index
    %get3A_16 = vector.load %arg6[%get3A_14, %get3A_15] : memref<8192x64xf32, #tpu.memory_space<vmem>>, vector<8192x64xf32>
    %get3A_17 = arith.constant 0 : index
    %get3A_18 = arith.constant 0 : index
    %get3A_19 = vector.load %arg7[%get3A_17, %get3A_18] : memref<1x8192xf32, #tpu.memory_space<vmem>>, vector<1x8192xf32>
    %get3A_20 = arith.constant 0 : index
    %get3A_21 = arith.constant 0 : index
    %get3A_22 = vector.load %arg8[%get3A_20, %get3A_21] : memref<1x8192xi32, #tpu.memory_space<vmem>>, vector<1x8192xi32>
    %convert_element_type3A = arith.sitofp %get3A_13 : vector<256x1xi32> to vector<256x1xf32>
    %add3A = arith.constant 2.000000e+00 : f32
    %add3A_23 = vector.broadcast %add3A : f32 to vector<256x1xf32>
    %add3A_24 = arith.addf %convert_element_type3A, %add3A_23 : vector<256x1xf32>
    %add3A_25 = arith.constant 1.000000e+00 : f32
    %add3A_26 = vector.broadcast %add3A_25 : f32 to vector<256x1xf32>
    %add3A_27 = arith.addf %convert_element_type3A, %add3A_26 : vector<256x1xf32>
    %div3A = arith.divf %add3A_24, %add3A_27 : vector<256x1xf32>
    %log3A = math.log %div3A : vector<256x1xf32>
    %div3A_28 = arith.constant 13.8155117 : f32
    %div3A_29 = vector.broadcast %div3A_28 : f32 to vector<256x1xf32>
    %div3A_30 = arith.divf %log3A, %div3A_29 : vector<256x1xf32>
    %neg3A = arith.constant 0.000000e+00 : f32
    %neg3A_31 = vector.broadcast %neg3A : f32 to vector<256x1xf32>
    %neg3A_32 = arith.subf %neg3A_31, %div3A_30 : vector<256x1xf32>
    %log1p3A = math.log1p %neg3A_32 : vector<256x1xf32>
    %mul3A = vector.broadcast %get3A_1 : f32 to vector<256x1xf32>
    %mul3A_33 = arith.mulf %mul3A, %log1p3A : vector<256x1xf32>
    %exp3A = math.exp %mul3A_33 : vector<256x1xf32>
    %sub3A = arith.constant 1.000000e+00 : f32
    %sub3A_34 = vector.broadcast %sub3A : f32 to vector<256x1xf32>
    %sub3A_35 = arith.subf %exp3A, %sub3A_34 : vector<256x1xf32>
    %mul3A_36 = arith.constant -1.000000e+00 : f32
    %mul3A_37 = vector.broadcast %mul3A_36 : f32 to vector<256x1xf32>
    %mul3A_38 = arith.mulf %mul3A_37, %sub3A_35 : vector<256x1xf32>
    %mul3A_39 = arith.mulf %get3A_7, %get3A_4 : vector<256x64xf32>
    %reduce_sum3A = arith.constant dense<0.000000e+00> : vector<256xf32>
    %reduce_sum3A_40 = vector.multi_reduction <add>, %mul3A_39, %reduce_sum3A [1] : vector<256x64xf32> to vector<256xf32>
    %broadcast_in_dim3A = vector.shape_cast %reduce_sum3A_40 : vector<256xf32> to vector<256x1xf32>
    %add3A_41 = arith.addf %broadcast_in_dim3A, %get3A_10 : vector<256x1xf32>
    %add3A_42 = arith.constant 1.000000e-07 : f32
    %add3A_43 = vector.broadcast %add3A_42 : f32 to vector<256x1xf32>
    %add3A_44 = arith.addf %mul3A_38, %add3A_43 : vector<256x1xf32>
    %log3A_45 = math.log %add3A_44 : vector<256x1xf32>
    %sub3A_46 = arith.subf %add3A_41, %log3A_45 : vector<256x1xf32>
    %convert_element_type3A_47 = arith.sitofp %get3A_22 : vector<1x8192xi32> to vector<1x8192xf32>
    %add3A_48 = arith.constant 2.000000e+00 : f32
    %add3A_49 = vector.broadcast %add3A_48 : f32 to vector<1x8192xf32>
    %add3A_50 = arith.addf %convert_element_type3A_47, %add3A_49 : vector<1x8192xf32>
    %add3A_51 = arith.constant 1.000000e+00 : f32
    %add3A_52 = vector.broadcast %add3A_51 : f32 to vector<1x8192xf32>
    %add3A_53 = arith.addf %convert_element_type3A_47, %add3A_52 : vector<1x8192xf32>
    %div3A_54 = arith.divf %add3A_50, %add3A_53 : vector<1x8192xf32>
    %log3A_55 = math.log %div3A_54 : vector<1x8192xf32>
    %div3A_56 = arith.constant 13.8155117 : f32
    %div3A_57 = vector.broadcast %div3A_56 : f32 to vector<1x8192xf32>
    %div3A_58 = arith.divf %log3A_55, %div3A_57 : vector<1x8192xf32>
    %neg3A_59 = arith.constant 0.000000e+00 : f32
    %neg3A_60 = vector.broadcast %neg3A_59 : f32 to vector<1x8192xf32>
    %neg3A_61 = arith.subf %neg3A_60, %div3A_58 : vector<1x8192xf32>
    %log1p3A_62 = math.log1p %neg3A_61 : vector<1x8192xf32>
    %mul3A_63 = vector.broadcast %get3A_1 : f32 to vector<1x8192xf32>
    %mul3A_64 = arith.mulf %mul3A_63, %log1p3A_62 : vector<1x8192xf32>
    %exp3A_65 = math.exp %mul3A_64 : vector<1x8192xf32>
    %sub3A_66 = arith.constant 1.000000e+00 : f32
    %sub3A_67 = vector.broadcast %sub3A_66 : f32 to vector<1x8192xf32>
    %sub3A_68 = arith.subf %exp3A_65, %sub3A_67 : vector<1x8192xf32>
    %mul3A_69 = arith.constant -1.000000e+00 : f32
    %mul3A_70 = vector.broadcast %mul3A_69 : f32 to vector<1x8192xf32>
    %mul3A_71 = arith.mulf %mul3A_70, %sub3A_68 : vector<1x8192xf32>
    %add3A_72 = arith.constant 1.000000e-07 : f32
    %add3A_73 = vector.broadcast %add3A_72 : f32 to vector<1x8192xf32>
    %add3A_74 = arith.addf %mul3A_71, %add3A_73 : vector<1x8192xf32>
    %log3A_75 = math.log %add3A_74 : vector<1x8192xf32>
    %sub3A_76 = arith.subf %get3A_19, %log3A_75 : vector<1x8192xf32>
    %dot_general3A = arith.constant dense<0.000000e+00> : vector<256x8192xf32>
    %dot_general3A_77 = tpu.matmul %get3A_4, %get3A_16, %dot_general3A {dimension_numbers = #tpu.dot_dimension_numbers<[1], [1], [0], [0], [0, 0, 1, 0], [], []>, transpose_lhs_hint = false} : vector<256x64xf32>, vector<8192x64xf32>, vector<256x8192xf32> -> vector<256x8192xf32>
    %add3A_78 = vector.broadcast %sub3A_76 : vector<1x8192xf32> to vector<256x8192xf32>
    %add3A_79 = arith.addf %dot_general3A_77, %add3A_78 : vector<256x8192xf32>
    %eq3A = vector.broadcast %get3A_22 : vector<1x8192xi32> to vector<256x8192xi32>
    %eq3A_80 = vector.broadcast %get3A_13 : vector<256x1xi32> to vector<256x8192xi32>
    %eq3A_81 = arith.cmpi eq, %eq3A, %eq3A_80 : vector<256x8192xi32>
    %jit3A = arith.constant -1.000000e+04 : f32
    %broadcast_in_dim3A_82 = vector.broadcast %jit3A : f32 to vector<256x8192xf32>
    %select_n3A = arith.select %eq3A_81, %broadcast_in_dim3A_82, %add3A_79 : vector<256x8192xi1>, vector<256x8192xf32>
    %reduce_max3A = arith.constant dense<0xFF800000> : vector<256xf32>
    %reduce_max3A_83 = vector.multi_reduction <maximumf>, %select_n3A, %reduce_max3A [1] : vector<256x8192xf32> to vector<256xf32>
    %broadcast_in_dim3A_84 = vector.shape_cast %reduce_max3A_83 : vector<256xf32> to vector<256x1xf32>
    %max3A = arith.maximumf %broadcast_in_dim3A_84, %sub3A_46 : vector<256x1xf32>
    %sub3A_85 = vector.broadcast %max3A : vector<256x1xf32> to vector<256x8192xf32>
    %sub3A_86 = arith.subf %select_n3A, %sub3A_85 : vector<256x8192xf32>
    %exp3A_87 = math.exp %sub3A_86 : vector<256x8192xf32>
    %reduce_sum3A_88 = arith.constant dense<0.000000e+00> : vector<256xf32>
    %reduce_sum3A_89 = vector.multi_reduction <add>, %exp3A_87, %reduce_sum3A_88 [1] : vector<256x8192xf32> to vector<256xf32>
    %broadcast_in_dim3A_90 = vector.shape_cast %reduce_sum3A_89 : vector<256xf32> to vector<256x1xf32>
    %sub3A_91 = arith.subf %sub3A_46, %max3A : vector<256x1xf32>
    %exp3A_92 = math.exp %sub3A_91 : vector<256x1xf32>
    %add3A_93 = arith.addf %broadcast_in_dim3A_90, %exp3A_92 : vector<256x1xf32>
    %log3A_94 = math.log %add3A_93 : vector<256x1xf32>
    %add3A_95 = arith.addf %max3A, %log3A_94 : vector<256x1xf32>
    %sub3A_96 = arith.subf %add3A_95, %sub3A_46 : vector<256x1xf32>
    %reduce_sum3A_97 = vector.shape_cast %sub3A_96 : vector<256x1xf32> to vector<1x256x1xf32>
    %reduce_sum3A_98 = arith.constant dense<0.000000e+00> : vector<1xf32>
    %reduce_sum3A_99 = vector.multi_reduction <add>, %reduce_sum3A_97, %reduce_sum3A_98 [1, 2] : vector<1x256x1xf32> to vector<1xf32>
    %reduce_sum3A_100 = vector.shape_cast %reduce_sum3A_99 : vector<1xf32> to vector<1x1x1xf32>
    %reduce_sum3A_101 = vector.extract %reduce_sum3A_100[0, 0, 0] : f32 from vector<1x1x1xf32>
    %eq3A_102 = arith.constant 0 : i32
    %eq3A_103 = arith.cmpi eq, %arg0, %eq3A_102 : i32
    %convert_element_type3A_104 = arith.extui %eq3A_103 : i1 to i32
    %cond3A = arith.constant 0 : i32
    %cond3A_105 = arith.cmpi ne, %convert_element_type3A_104, %cond3A : i32
    scf.if %cond3A_105 {
      %swap3A = arith.constant 0 : index
      %swap3A_110 = arith.constant 0 : index
      %swap3A_111 = memref.load %arg9[%swap3A, %swap3A_110] : memref<1x1xf32, #tpu.memory_space<smem>>
      memref.store %reduce_sum3A_101, %arg9[%swap3A, %swap3A_110] : memref<1x1xf32, #tpu.memory_space<smem>>
    } else {
    }
    %ne3A = arith.constant 0 : i32
    %ne3A_106 = arith.cmpi ne, %arg0, %ne3A : i32
    %convert_element_type3A_107 = arith.extui %ne3A_106 : i1 to i32
    %cond3A_108 = arith.constant 0 : i32
    %cond3A_109 = arith.cmpi ne, %convert_element_type3A_107, %cond3A_108 : i32
    scf.if %cond3A_109 {
      %get3A_110 = arith.constant 0 : index
      %get3A_111 = arith.constant 0 : index
      %get3A_112 = memref.load %arg9[%get3A_110, %get3A_111] : memref<1x1xf32, #tpu.memory_space<smem>>
      %add3A_113 = arith.addf %get3A_112, %reduce_sum3A_101 : f32
      %swap3A = arith.constant 0 : index
      %swap3A_114 = arith.constant 0 : index
      %swap3A_115 = memref.load %arg9[%swap3A, %swap3A_114] : memref<1x1xf32, #tpu.memory_space<smem>>
      memref.store %add3A_113, %arg9[%swap3A, %swap3A_114] : memref<1x1xf32, #tpu.memory_space<smem>>
    } else {
    }
    return
  }
  func.func @transform_0(%arg0: i32) -> (i32, i32) {
    %c0_i32 = arith.constant 0 : i32
    %c0_i32_0 = arith.constant 0 : i32
    %c0_i32_1 = arith.constant 0 : i32
    return %c0_i32, %c0_i32_0 : i32, i32
  }
  func.func @transform_1(%arg0: i32) -> (i32, i32) {
    %c0_i32 = arith.constant 0 : i32
    %c0_i32_0 = arith.constant 0 : i32
    return %arg0, %c0_i32 : i32, i32
  }
  func.func @transform_2(%arg0: i32) -> (i32, i32) {
    %c0_i32 = arith.constant 0 : i32
    %c0_i32_0 = arith.constant 0 : i32
    return %arg0, %c0_i32 : i32, i32
  }
  func.func @transform_3(%arg0: i32) -> (i32, i32) {
    %c0_i32 = arith.constant 0 : i32
    %c0_i32_0 = arith.constant 0 : i32
    return %arg0, %c0_i32 : i32, i32
  }
  func.func @transform_4(%arg0: i32) -> (i32, i32) {
    %c0_i32 = arith.constant 0 : i32
    %c0_i32_0 = arith.constant 0 : i32
    return %arg0, %c0_i32 : i32, i32
  }
  func.func @transform_5(%arg0: i32) -> (i32, i32) {
    %c0_i32 = arith.constant 0 : i32
    %c0_i32_0 = arith.constant 0 : i32
    %c0_i32_1 = arith.constant 0 : i32
    return %c0_i32, %c0_i32_0 : i32, i32
  }
  func.func @transform_6(%arg0: i32) -> (i32, i32) {
    %c0_i32 = arith.constant 0 : i32
    %c0_i32_0 = arith.constant 0 : i32
    %c0_i32_1 = arith.constant 0 : i32
    return %c0_i32, %c0_i32_0 : i32, i32
  }
  func.func @transform_7(%arg0: i32) -> (i32, i32) {
    %c0_i32 = arith.constant 0 : i32
    %c0_i32_0 = arith.constant 0 : i32
    %c0_i32_1 = arith.constant 0 : i32
    return %c0_i32, %c0_i32_0 : i32, i32
  }
  func.func @transform_8(%arg0: i32) -> (i32, i32) {
    %c0_i32 = arith.constant 0 : i32
    %c0_i32_0 = arith.constant 0 : i32
    %c0_i32_1 = arith.constant 0 : i32
    return %c0_i32, %c0_i32_0 : i32, i32
  }
}

</mosaic_0001>

<sc_bundles>
// kernel: kernel.4.cloned.1.call-start
scs
__scs_entry_jumppad:
0x0: {  	(pc) =	sbr.rel $0x88, $3  }
0x1: {  	(tag) =	ssettag $0x0;
	lr =	simm.s32 $0x1  }
0x2: {  	[smem:$0x3F9B] =	sst lr;
	_ =	strace $0xD0000000  }
0x3: {  	_ = 	snop  }
0x4: {  	_ = 	snop  }
0x5: {  	_ = 	snop  }
0x6: {  	_ = 	snop  }
0x7: {  	_ = 	snop  }
__scs_overlays_trampoline_lowered:
0x8: {  	[smem:$0x3FAA] =	sst s0  }
0x9: {  	[smem:$0x3FAB] =	sst s1  }
0xa: {  	[smem:$0x3FAC] =	sst s2  }
0xb: {  	[smem:$0x3FAD] =	sst s3  }
0xc: {  	[smem:$0x3FAE] =	sst s4  }
0xd: {  	[smem:$0x3FAF] =	sst s5  }
0xe: {  	[smem:$0x3FB0] =	sst s6  }
0xf: {  	[smem:$0x3FB1] =	sst s7  }
0x10: {  	[smem:$0x3FB2] =	sst s8  }
0x11: {  	[smem:$0x3FB3] =	sst s9;
	s0 =	simm.s32 @!p0 $0x0  }
0x12: {  	s1 =	sld [smem:$0x3F99];
	s0 =	simm.s32 @p0 $0x1  }
0x13: {  	[smem:$0x3FB4] =	sst s0;
	s0 =	simm.s32 @!p1 $0x0  }
0x14: {  	s2 =	sld [smem:$0x3F98];
	s0 =	simm.s32 @p1 $0x1  }
0x15: {  	[smem:$0x3FB5] =	sst s0;
	s0 =	simm.s32 @!p2 $0x0  }
0x16: {  	s3 =	sld [smem:$0x3FDB];
	s0 =	simm.s32 @p2 $0x1  }
0x17: {  	s4 =	simm.s32 $0x1BF5;
	[smem:$0x3FB7] =	sst s0  }
0x18: {  	s0 =	sld [smem:$0x3F9A];
	_ =	swait.ge [sflag:s4], $0x0  }
0x19: {  	s7 =	sld [smem:$0x3F9B]  }
0x1a: {  	s8 =	sadd.s32 $0xFFFFE003, lr  }
0x1b: {  	s9 =	sadd.s32 $0xFFFFFEF7, lr;
	s5 =	simm.s32 $0xFFFFFFFF;
	p2 =	slt.u32 s8, $0xFFFFF086  }
0x1c: {  	p1 =	slt.u32 s9, $0xF7A;
	s5 =	simm.s32 @!p2 $0x0  }
0x1d: {  	s5 =	simm.s32 @p1 $0x1;
	p0 =	seq.s32 s7, s2  }
0x1e: {  	s7 =	smul.u32 @!p0 $0xF7A, s2;
	p2 =	seq.s32 @!p0 s5, $0x0  }
0x1f: {  	s9 =	smul.u32 $0xF7A, s1;
	s8 =	simm.s32 @!p0 $0x1BF5;
	p2 =	por !p2, p0  }
0x20: {  	[sflag:s8] =	ssyncset.s32 @!p0 $0xFFFFF086;
	s6 =	sadd.s32 @!p0 s3, s7;
	s7 =	simm.s32 @!p0 $0x108  }
0x21: {  	s3 =	sadd.s32 s3, s9;
	s6 =	sadd.s32 @!p0 $0x88, s6;
	s7 =	simm.s32 @p2 $0x1082  }
0x22: {  	[simem:s7], [sflag:s8] =	dma.local @!p0 [hbm:s6], $0xF7A  }
0x23: {  	s9 =	sor.u32 $0xD0000000, s2;
	s6 =	simm.s32 $0x108;
	_ =	swait.ge @!p0 [sflag:s8], $0x0  }
0x24: {  	s3 =	sadd.s32 $0x88, s3;
	s6 =	simm.s32 @!p1 $0x1082;
	[sflag:s4] =	ssyncset.s32 $0xFFFFF086  }
0x25: {  	[simem:s6], [sflag:s4] =	dma.local [hbm:s3], $0xF7A  }
0x26: {  	[smem:$0x3F9B] =	sst s1;
	(tag) =	ssettag s2;
	_ =	strace s9  }
0x27: {  	s1 =	sld [smem:$0x3FAB]  }
0x28: {  	s2 =	sld [smem:$0x3FAC]  }
0x29: {  	s4 =	sld [smem:$0x3FAE]  }
0x2a: {  	p0 =	seq.s32 s5, $0x0;
	s5 =	sld [smem:$0x3FAF]  }
0x2b: {  	s6 =	sld [smem:$0x3FB0]  }
0x2c: {  	s7 =	sld [smem:$0x3FB1]  }
0x2d: {  	s3 =	simm.s32 $0x108;
	s8 =	sld [smem:$0x3FB2]  }
0x2e: {  	s3 =	simm.s32 @!p0 $0x1082;
	s9 =	sld [smem:$0x3FB3]  }
0x2f: {  	lr =	sadd.s32 s0, s3;
	s0 =	sld [smem:$0x3FAA]  }
0x30: {  	s3 =	sld [smem:$0x3FAD]  }
0x31: {  	[smem:$0x3FB6] =	sst s10  }
0x32: {  	s10 =	sld [smem:$0x3FB4];
	_ =	sdelay $0x3  }
0x33: {  	p0 =	seq.s32 s10, $0x1;
	s10 =	sld [smem:$0x3FB6];
	_ =	sdelay $0x3  }
0x34: {  	[smem:$0x3FB6] =	sst s10  }
0x35: {  	s10 =	sld [smem:$0x3FB5];
	_ =	sdelay $0x3  }
0x36: {  	p1 =	seq.s32 s10, $0x1;
	s10 =	sld [smem:$0x3FB6];
	_ =	sdelay $0x3  }
0x37: {  	[smem:$0x3FB6] =	sst s10  }
0x38: {  	s10 =	sld [smem:$0x3FB7]  }
0x39: {  	_ = 	snop;
	(pc) =	sbr.ind lr, $3  }
0x3a: {  	_ = 	snop  }
0x3b: {  	_ = 	snop  }
0x3c: {  	p2 =	seq.s32 s10, $0x1;
	s10 =	sld [smem:$0x3FB6]  }
0x3d: {  	_ =	shalt  }
0x3e: {  	_ =	shalt  }
0x3f: {  	_ =	shalt  }
0x40: {  	_ =	shalt  }
0x41: {  	_ =	shalt  }
0x42: {  	_ =	shalt  }
0x43: {  	_ =	shalt  }
0x44: {  	_ =	shalt  }
0x45: {  	_ =	shalt  }
0x46: {  	_ =	shalt  }
0x47: {  	_ =	shalt  }
0x48: {  	_ =	shalt  }
0x49: {  	_ =	shalt  }
0x4a: {  	_ =	shalt  }
0x4b: {  	_ =	shalt  }
0x4c: {  	_ =	shalt  }
0x4d: {  	_ =	shalt  }
0x4e: {  	_ =	shalt  }
0x4f: {  	_ =	shalt  }
0x50: {  	_ =	shalt  }
0x51: {  	_ =	shalt  }
0x52: {  	_ =	shalt  }
0x53: {  	_ =	shalt  }
0x54: {  	_ =	shalt  }
0x55: {  	_ =	shalt  }
0x56: {  	_ =	shalt  }
0x57: {  	_ =	shalt  }
0x58: {  	_ =	shalt  }
0x59: {  	_ =	shalt  }
0x5a: {  	_ =	shalt  }
0x5b: {  	_ =	shalt  }
0x5c: {  	_ =	shalt  }
0x5d: {  	_ =	shalt  }
0x5e: {  	_ =	shalt  }
0x5f: {  	_ =	shalt  }
0x60: {  	_ =	shalt  }
0x61: {  	_ =	shalt  }
0x62: {  	_ =	shalt  }
0x63: {  	_ =	shalt  }
0x64: {  	_ =	shalt  }
0x65: {  	_ =	shalt  }
0x66: {  	_ =	shalt  }
0x67: {  	_ =	shalt  }
0x68: {  	_ =	shalt  }
0x69: {  	_ =	shalt  }
0x6a: {  	_ =	shalt  }
0x6b: {  	_ =	shalt  }
0x6c: {  	_ =	shalt  }
0x6d: {  	_ =	shalt  }
0x6e: {  	_ =	shalt  }
0x6f: {  	_ =	shalt  }
0x70: {  	_ =	shalt  }
0x71: {  	_ =	shalt  }
0x72: {  	_ =	shalt  }
0x73: {  	_ =	shalt  }
0x74: {  	_ =	shalt  }
0x75: {  	_ =	shalt  }
0x76: {  	_ =	shalt  }
0x77: {  	_ =	shalt  }
0x78: {  	_ =	shalt  }
0x79: {  	_ =	shalt  }
0x7a: {  	_ =	shalt  }
0x7b: {  	_ =	shalt  }
0x7c: {  	_ =	shalt  }
0x7d: {  	_ =	shalt  }
0x7e: {  	_ =	shalt  }
0x7f: {  	_ =	shalt  }
0x80: {  	_ =	shalt  }
0x81: {  	_ =	shalt  }
0x82: {  	_ =	shalt  }
0x83: {  	_ =	shalt  }
0x84: {  	_ =	shalt  }
0x85: {  	_ =	shalt  }
0x86: {  	_ =	shalt  }
0x87: {  	_ =	shalt  }
.Lfunc_end0:
.L_simem_size_0:
called_computation_lowered:
.L_overlay_start_0:
0x88: {  	s2 =	sld [smem:$0x3FD9]  }
0x89: {  	s3 =	sld [smem:$0x3FFE];
	_ =	sdelay $0x1  }
0x8a: {  	s1 =	srdreg.scid  }
0x8b: {  	s0 =	sand.u32 $0x1, s1  }
0x8c: {  	s17 =	sshll.u32 s0, $0xA;
	s2 =	sadd.s32 s3, s2  }
0x8d: {  	s2 =	sadd.s32 s2, s17  }
0x8e: {  	[smem:$0x3FC2] =	sst s2  }
0x8f: {  	_ = 	snop  }
0x90: {  	s2 =	sld [smem:$0x3FC6];
	(tm) =	ssettm $0x1  }
0x91: {  	s18 =	sld [smem:$0x3FFB];
	_ =	sdelay $0x3  }
0x92: {  	_ =	strace s18  }
0x93: {  	s3 =	sld [smem:$0x3FFC];
	_ =	sdelay $0x3  }
0x94: {  	_ =	strace s3  }
0x95: {  	s3 =	sld [smem:$0x3FFD];
	_ =	sdelay $0x3  }
0x96: {  	_ =	strace s3  }
0x97: {  	_ =	strace $0x8FFFFFFF  }
0x98: {  	s19 =	sld [smem:$0x3FDB];
	_ =	sdelay $0x1  }
0x99: {  	s4 =	simm.s32 $_scs_section_size  }
0x9a: {  	s5 =	simm.s32 $_size__tile_overlayer_lowered;
	s6 =	simm.s32 $_tile_overlayer_lowered  }
0x9b: {  	s22 =	simm.s32 $0x1BFF;
	s21 =	sshll.u32 s6, $0x1;
	s3 =	sadd.s32 s4, s19  }
0x9c: {  	s7 =	simm.s32 $0x0;
	s20 =	sshll.u32 s5, $0x1;
	s5 =	sadd.s32 s21, s3  }
0x9d: {  	[timem:s7], [sflag:s22] =	dma.local [hbm:s5], s20  }
0x9e: {  	_ =	swait.ge [sflag:s22], s20  }
0x9f: {  	s4 =	ssub.s32 $0x0, s20;
	[sflag:s22] =	ssyncset.done $0x0  }
0xa0: {  	[sflag:s22] =	ssyncadd.s32 s4;
	_ =	sdelay $0x1  }
0xa1: {  	s23 =	simm.s32 $0x1B8B  }
0xa2: {  	_ =	swait.ge [sflag:s23], $0x1  }
0xa3: {  	[sflag:s23] =	ssyncset.done $0x0  }
0xa4: {  	s25 =	simm.s32 $0x1B8E;
	s24 =	sld [smem:$0x3FFE];
	[sflag:s23] =	ssyncadd.s32 $0xFFFFFFFF  }
0xa5: {  	s26 =	simm.s32 $execute0_lowered;
	[smem:$0x3FD2] =	sst s25  }
0xa6: {  	s5 =	sshll.u32 s26, $0x1;
	_ =	strace $0x80000046;
	[dreg:$0x1] =	wrdreg $0xFFFFFFFF  }
0xa7: {  	s28 =	simm.s32 $_size_execute0_lowered;
	s3 =	sadd.s32 s3, s5;
	[dreg:$0x0] =	wrdreg $0x0  }
0xa8: {  	s5 =	sshll.u32 s28, $0x1;
	[dreg:$0x2] =	wrdreg s3  }
0xa9: {  	[dreg:$0x3] =	wrdreg s5  }
0xaa: {  	[dreg:$0x4] =	wrdreg $0xC0  }
0xab: {  	_ =	task [dreg:s7], $0x5FFFF  }
0xac: {  	[dreg:$0x1] =	wrdreg $0xFFFFFFFF  }
0xad: {  	[dreg:$0x0] =	wrdreg $0x60  }
0xae: {  	[dreg:$0x2] =	wrdreg s24  }
0xaf: {  	[dreg:$0x3] =	wrdreg s2  }
0xb0: {  	[dreg:$0x4] =	wrdreg $0x9  }
0xb1: {  	_ =	task.clear_ibuf [dreg:s7], $0x5FFFF;
	_ =	strace $0x90000046  }
0xb2: {  	s29 =	simm.s32 $0x9;
	_ =	strace $0x80000048  }
0xb3: {  	_ =	swait.ge [sflag:s29], $0x1  }
0xb4: {  	[sflag:s29] =	ssyncadd.s32 $0xFFFFFFFF  }
0xb5: {  	_ =	strace $0x90000048  }
0xb6: {  	_ =	sfence  }
0xb7: {  	s30 =	sld [smem:$0x0];
	_ =	sdelay $0x2  }
0xb8: {  	s31 =	sshll.u32 s1, $0xD;
	s1 =	sshrl.u32 s1, $0x2  }
0xb9: {  	s3 =	sand.u32 $0x4000, s31;
	s1 =	sadd.s32 s1, s30  }
0xba: {  	s0 =	sor.u32 s3, s0;
	s1 =	sshll.u32 s1, $0x11  }
0xbb: {  	s0 =	sor.u32 s1, s0  }
0xbc: {  	s0 =	sadd.s32 $0x8F2B, s0  }
0xbd: {  	[sflag:s0] =	ssyncadd.remote.s32 $0x1  }
0xbe: {  	_ =	sfence.sel $0xFFFF  }
0xbf: {  	[dreg:$0x0] =	wrdreg $0xFFFFFFFF;
	(pc) =	sbr.abs _section_cstart, $3  }
0xc0: {  	[dreg:$0x1] =	wrdreg $0xFFFFFFFF  }
0xc1: {  	_ =	task.clear_ibuf [dreg:s7], $0x2FFFF;
	_ =	strace $0x9FFFFFFF  }
0xc2: {  	(tm) =	ssettm $0x7FFFFFFF  }
0xc3: {  	_ =	shalt  }
tec
execute0_lowered:
.L_overlay_start_1:
0x0: {  	(tag) =	ssettag $0x1  }
0x1: {  	s5 =	rddreg [dreg:$0x0]  }
0x2: {  	s2 =	rddreg [dreg:$0x1]  }
0x3: {  	s0 =	rddreg [dreg:$0x2];
	s3 =	simm.s32 $0x0;
	s4 =	srdreg.scid  }
0x4: {  	s1 =	stileid.u32;
	s9 =	simm.s32 $0x180;
	[smem:$0x7FF] =	sst s3  }
0x5: {  	s21 =	simm.s32 $0x580;
	_ =	strace $0x80000047;
	[dreg:$0x3] =	wrdreg s9  }
0x6: {  	s22 =	simm.s32 $0x980;
	s23 =	simm.s32 $0xD80;
	[dreg:$0x4] =	wrdreg s21  }
0x7: {  	s24 =	simm.s32 $0x1180;
	s26 =	simm.s32 $0x1580;
	[dreg:$0x5] =	wrdreg s22  }
0x8: {  	s28 =	simm.s32 $0x1980;
	s10 =	simm.s32 $0x1D80;
	[dreg:$0x6] =	wrdreg s23  }
0x9: {  	s29 =	simm.s32 $0x2180;
	s30 =	simm.s32 $0x2580;
	[dreg:$0x7] =	wrdreg s24  }
0xa: {  	s31 =	simm.s32 $0x2980;
	s11 =	simm.s32 $0x2D80;
	[dreg:$0x8] =	wrdreg s26  }
0xb: {  	s12 =	simm.s32 $0x3180;
	s13 =	simm.s32 $0x3580;
	[dreg:$0x9] =	wrdreg s28  }
0xc: {  	s14 =	simm.s32 $0x3980;
	s15 =	simm.s32 $0x3D80;
	[dreg:$0xa] =	wrdreg s10  }
0xd: {  	s16 =	simm.s32 $0x2;
	s17 =	simm.s32 $0x4180;
	[dreg:$0xb] =	wrdreg s29  }
0xe: {  	s18 =	simm.s32 $0x0;
	s6 =	sand.u32 $0x1, s4;
	[dreg:$0xc] =	wrdreg s30  }
0xf: {  	s20 =	sshll.u32 s1, $0x1;
	s4 =	sadd.s32 $0x1400, s5;
	[dreg:$0xd] =	wrdreg s31  }
0x10: {  	s7 =	sor.u32 s6, s20;
	s6 =	ssub.s32 $0x2, s6;
	[dreg:$0xe] =	wrdreg s11  }
0x11: {  	s10 =	simm.s32 $0x80;
	s11 =	simm.s32 $0x10180;
	[dreg:$0xf] =	wrdreg s12  }
0x12: {  	s12 =	simm.s32 $0x10200;
	[dreg:$0x10] =	wrdreg s13;
	s8 =	smul.u32 $0x1800, s7  }
0x13: {  	s13 =	simm.s32 $0x100;
	[dreg:$0x11] =	wrdreg s14;
	s7 =	smul.u32 $0x30, s7  }
0x14: {  	s14 =	simm.s32 $0x10280;
	[dreg:$0x12] =	wrdreg s15;
	s15 =	simm.s32 $0x1  }
0x15: {  	s25 =	sshrl.u32 s6, $0x1;
	s8 =	sadd.s32 s8, s5;
	s7 =	sadd.s32 s7, s5  }
0x16: {  	s9 =	ssub.s32 s6, s25;
	s5 =	sadd.s32 $0xF43800, s7;
	s6 =	sadd.s32 $0xF43E00, s8  }
0x17: {  	s7 =	sadd.s32 $0xF73E00, s7;
	s8 =	smax.u32 s9, $0x1;
	s9 =	simm.s32 $0x3  }
.LBB2_1:
0x18: {  	[tilespmem:s3], [sflag:$0x3] =	stream.linear.gather [hbm4b:s5+s3], $0x180, $0x38;
	[tilespmem:$0x10300] =	vst v63  }
0x19: {  	_ =	swait.ge [sflag:s9], $0x180  }
0x1a: {  	[sflag:s9] =	ssyncset.done $0x0  }
0x1b: {  	[sflag:s9] =	ssyncadd.s32 $0xFFFFFE80  }
0x1c: {  	[tilespmem:s11], [sflag:$0x2] =	stream.indirect.gather [hbm4b:s2+s10], $0x1, s3, s10, $0xb8;
	[tilespmem:$0x10300] =	vst v63  }
0x1d: {  	_ = 	snop  }
0x1e: {  	[tilespmem:s12], [sflag:$0x2] =	stream.indirect.gather [hbm4b:s2+s10], $0x1, s10, s10, $0xb8;
	[tilespmem:$0x10300] =	vst v63  }
0x1f: {  	s19 =	simm.s32 $0x4580;
	s20 =	simm.s32 $0x0  }
0x20: {  	[tilespmem:s14], [sflag:$0x2] =	stream.indirect.gather [hbm4b:s2+s10], $0x1, s13, s10, $0xb8;
	[tilespmem:$0x10300] =	vst v63  }
.LBB2_2:
0x21: {  	s21 =	sshra.s32 s20, $0x2  }
0x22: {  	v0 =	vld [tilespmem:s21+$0x0];
	_ =	sdelay $0x4  }
0x23: {  	v1 =	vshrl.u32 v0, $0x3  }
0x24: {  	v1 =	vshll.u32 v1, $0x7  }
0x25: {  	(v2sf) =	vpush v1, $0x0;
	_ =	sdelay $0x1  }
0x26: {  	(v2sf) =	vpush v1, $0x1;
	_ =	sdelay $0x1  }
0x27: {  	(v2sf) =	vpush v1, $0x2;
	_ =	sdelay $0x2  }
0x28: {  	(v2sf) =	vpush v1, $0x3;
	_ =	sdelay $0x7  }
0x29: {  	s24 =	spop (v2sf);
	(v2sf) =	vpush v1, $0x4;
	_ =	sdelay $0x1  }
0x2a: {  	s25 =	spop (v2sf);
	(v2sf) =	vpush v1, $0x5;
	_ =	sdelay $0x1  }
0x2b: {  	s28 =	spop (v2sf);
	(v2sf) =	vpush v1, $0x6;
	_ =	sdelay $0x1  }
0x2c: {  	s21 =	sand.u32 $0x1FFFFF80, s24  }
0x2d: {  	s22 =	rddreg [dreg:$0x3];
	s21 =	sadd.s32 s4, s21;
	s30 =	spop (v2sf);
	(v2sf) =	vpush v1, $0x7  }
0x2e: {  	[tilespmem:s22], [sflag:$0x1] =	stream.linear.gather [hbm4b:s21+s3], $0x400, $0x38;
	[tilespmem:$0x10300] =	vst v63  }
0x2f: {  	s21 =	sand.u32 $0x1FFFFF80, s25  }
0x30: {  	s26 =	rddreg [dreg:$0x4];
	s21 =	sadd.s32 s4, s21  }
0x31: {  	[tilespmem:s26], [sflag:$0x1] =	stream.linear.gather [hbm4b:s21+s3], $0x400, $0x38;
	[tilespmem:$0x10300] =	vst v63  }
0x32: {  	s21 =	sand.u32 $0x1FFFFF80, s28  }
0x33: {  	s29 =	rddreg [dreg:$0x5];
	s21 =	sadd.s32 s4, s21  }
0x34: {  	[tilespmem:s29], [sflag:$0x1] =	stream.linear.gather [hbm4b:s21+s3], $0x400, $0x38;
	[tilespmem:$0x10300] =	vst v63  }
0x35: {  	s23 =	spop (v2sf);
	(v2sf) =	vpush v1, $0x8  }
0x36: {  	s21 =	sand.u32 $0x1FFFFF80, s30  }
0x37: {  	s31 =	rddreg [dreg:$0x6];
	s21 =	sadd.s32 s4, s21;
	s25 =	spop (v2sf);
	(v2sf) =	vpush v1, $0x9  }
0x38: {  	[tilespmem:s31], [sflag:$0x1] =	stream.linear.gather [hbm4b:s21+s3], $0x400, $0x38;
	[tilespmem:$0x10300] =	vst v63  }
0x39: {  	s21 =	sand.u32 $0x1FFFFF80, s23;
	s28 =	spop (v2sf);
	(v2sf) =	vpush v1, $0xA  }
0x3a: {  	s24 =	rddreg [dreg:$0x7];
	s21 =	sadd.s32 s4, s21  }
0x3b: {  	[tilespmem:s24], [sflag:$0x1] =	stream.linear.gather [hbm4b:s21+s3], $0x400, $0x38;
	[tilespmem:$0x10300] =	vst v63  }
0x3c: {  	s30 =	spop (v2sf);
	(v2sf) =	vpush v1, $0xB  }
0x3d: {  	s21 =	sand.u32 $0x1FFFFF80, s25  }
0x3e: {  	s26 =	rddreg [dreg:$0x8];
	s21 =	sadd.s32 s4, s21  }
0x3f: {  	[tilespmem:s26], [sflag:$0x1] =	stream.linear.gather [hbm4b:s21+s3], $0x400, $0x38;
	[tilespmem:$0x10300] =	vst v63  }
0x40: {  	s21 =	sand.u32 $0x1FFFFF80, s28  }
0x41: {  	s29 =	rddreg [dreg:$0x9];
	s21 =	sadd.s32 s4, s21  }
0x42: {  	[tilespmem:s29], [sflag:$0x1] =	stream.linear.gather [hbm4b:s21+s3], $0x400, $0x38;
	[tilespmem:$0x10300] =	vst v63  }
0x43: {  	s21 =	sand.u32 $0x1FFFFF80, s30  }
0x44: {  	s31 =	rddreg [dreg:$0xa];
	s21 =	sadd.s32 s4, s21;
	s23 =	spop (v2sf);
	(v2sf) =	vpush v1, $0xC  }
0x45: {  	[tilespmem:s31], [sflag:$0x1] =	stream.linear.gather [hbm4b:s21+s3], $0x400, $0x38;
	[tilespmem:$0x10300] =	vst v63  }
0x46: {  	s25 =	spop (v2sf);
	(v2sf) =	vpush v1, $0xD  }
0x47: {  	s21 =	sand.u32 $0x1FFFFF80, s23  }
0x48: {  	s24 =	rddreg [dreg:$0xb];
	s21 =	sadd.s32 s4, s21;
	s28 =	spop (v2sf)  }
0x49: {  	(v2sf) =	vpush v1, $0xE;
	[tilespmem:s24], [sflag:$0x1] =	stream.linear.gather [hbm4b:s21+s3], $0x400, $0x38;
	[tilespmem:$0x10300] =	vst v63  }
0x4a: {  	s21 =	sand.u32 $0x1FFFFF80, s25  }
0x4b: {  	s26 =	rddreg [dreg:$0xc];
	s30 =	spop (v2sf);
	s21 =	sadd.s32 s4, s21  }
0x4c: {  	(v2sf) =	vpush v1, $0xF;
	[tilespmem:s26], [sflag:$0x1] =	stream.linear.gather [hbm4b:s21+s3], $0x400, $0x38;
	[tilespmem:$0x10300] =	vst v63  }
0x4d: {  	s21 =	sand.u32 $0x1FFFFF80, s28  }
0x4e: {  	s29 =	rddreg [dreg:$0xd];
	s21 =	sadd.s32 s4, s21  }
0x4f: {  	[tilespmem:s29], [sflag:$0x1] =	stream.linear.gather [hbm4b:s21+s3], $0x400, $0x38;
	[tilespmem:$0x10300] =	vst v63  }
0x50: {  	s21 =	sand.u32 $0x1FFFFF80, s30  }
0x51: {  	s31 =	rddreg [dreg:$0xe];
	s21 =	sadd.s32 s4, s21  }
0x52: {  	[tilespmem:s31], [sflag:$0x1] =	stream.linear.gather [hbm4b:s21+s3], $0x400, $0x38;
	[tilespmem:$0x10300] =	vst v63  }
0x53: {  	s23 =	spop (v2sf)  }
0x54: {  	s21 =	sand.u32 $0x1FFFFF80, s23  }
0x55: {  	s24 =	rddreg [dreg:$0xf];
	s25 =	spop (v2sf);
	s21 =	sadd.s32 s4, s21  }
0x56: {  	[tilespmem:s24], [sflag:$0x1] =	stream.linear.gather [hbm4b:s21+s3], $0x400, $0x38;
	[tilespmem:$0x10300] =	vst v63  }
0x57: {  	s21 =	sand.u32 $0x1FFFFF80, s25  }
0x58: {  	s26 =	rddreg [dreg:$0x10];
	s28 =	spop (v2sf);
	s21 =	sadd.s32 s4, s21  }
0x59: {  	[tilespmem:s26], [sflag:$0x1] =	stream.linear.gather [hbm4b:s21+s3], $0x400, $0x38;
	[tilespmem:$0x10300] =	vst v63  }
0x5a: {  	s21 =	sand.u32 $0x1FFFFF80, s28  }
0x5b: {  	s29 =	rddreg [dreg:$0x11];
	s30 =	spop (v2sf);
	s21 =	sadd.s32 s4, s21  }
0x5c: {  	[tilespmem:s29], [sflag:$0x1] =	stream.linear.gather [hbm4b:s21+s3], $0x400, $0x38;
	[tilespmem:$0x10300] =	vst v63  }
0x5d: {  	s21 =	sand.u32 $0x1FFFFF80, s30  }
0x5e: {  	s31 =	rddreg [dreg:$0x12];
	s21 =	sadd.s32 s4, s21  }
0x5f: {  	[tilespmem:s31], [sflag:$0x1] =	stream.linear.gather [hbm4b:s21+s3], $0x400, $0x38;
	[tilespmem:$0x10300] =	vst v63  }
0x60: {  	_ =	swait.ge [sflag:s15], $0x400  }
0x61: {  	[sflag:s15] =	ssyncset.done $0x0  }
0x62: {  	[sflag:s15] =	ssyncadd.s32 $0xFFFFFC00  }
0x63: {  	_ =	swait.ge [sflag:s15], $0x400  }
0x64: {  	[sflag:s15] =	ssyncset.done $0x0  }
0x65: {  	[sflag:s15] =	ssyncadd.s32 $0xFFFFFC00  }
0x66: {  	_ =	swait.ge [sflag:s15], $0x400  }
0x67: {  	[sflag:s15] =	ssyncset.done $0x0  }
0x68: {  	[sflag:s15] =	ssyncadd.s32 $0xFFFFFC00  }
0x69: {  	_ =	swait.ge [sflag:s15], $0x400  }
0x6a: {  	[sflag:s15] =	ssyncset.done $0x0  }
0x6b: {  	[sflag:s15] =	ssyncadd.s32 $0xFFFFFC00  }
0x6c: {  	_ =	swait.ge [sflag:s15], $0x400  }
0x6d: {  	[sflag:s15] =	ssyncset.done $0x0  }
0x6e: {  	[sflag:s15] =	ssyncadd.s32 $0xFFFFFC00  }
0x6f: {  	_ =	swait.ge [sflag:s15], $0x400  }
0x70: {  	[sflag:s15] =	ssyncset.done $0x0  }
0x71: {  	[sflag:s15] =	ssyncadd.s32 $0xFFFFFC00  }
0x72: {  	_ =	swait.ge [sflag:s15], $0x400  }
0x73: {  	[sflag:s15] =	ssyncset.done $0x0  }
0x74: {  	[sflag:s15] =	ssyncadd.s32 $0xFFFFFC00  }
0x75: {  	_ =	swait.ge [sflag:s15], $0x400  }
0x76: {  	[sflag:s15] =	ssyncset.done $0x0  }
0x77: {  	[sflag:s15] =	ssyncadd.s32 $0xFFFFFC00  }
0x78: {  	_ =	swait.ge [sflag:s15], $0x400  }
0x79: {  	[sflag:s15] =	ssyncset.done $0x0  }
0x7a: {  	[sflag:s15] =	ssyncadd.s32 $0xFFFFFC00  }
0x7b: {  	_ =	swait.ge [sflag:s15], $0x400  }
0x7c: {  	[sflag:s15] =	ssyncset.done $0x0  }
0x7d: {  	[sflag:s15] =	ssyncadd.s32 $0xFFFFFC00  }
0x7e: {  	_ =	swait.ge [sflag:s15], $0x400  }
0x7f: {  	[sflag:s15] =	ssyncset.done $0x0  }
0x80: {  	[sflag:s15] =	ssyncadd.s32 $0xFFFFFC00  }
0x81: {  	_ =	swait.ge [sflag:s15], $0x400  }
0x82: {  	[sflag:s15] =	ssyncset.done $0x0  }
0x83: {  	[sflag:s15] =	ssyncadd.s32 $0xFFFFFC00  }
0x84: {  	_ =	swait.ge [sflag:s15], $0x400  }
0x85: {  	[sflag:s15] =	ssyncset.done $0x0  }
0x86: {  	[sflag:s15] =	ssyncadd.s32 $0xFFFFFC00  }
0x87: {  	_ =	swait.ge [sflag:s15], $0x400  }
0x88: {  	[sflag:s15] =	ssyncset.done $0x0  }
0x89: {  	[sflag:s15] =	ssyncadd.s32 $0xFFFFFC00  }
0x8a: {  	_ =	swait.ge [sflag:s15], $0x400  }
0x8b: {  	[sflag:s15] =	ssyncset.done $0x0  }
0x8c: {  	v0 =	vand.u32 $0x7, v0;
	[sflag:s15] =	ssyncadd.s32 $0xFFFFFC00  }
0x8d: {  	v0 =	vshll.u32 v0, $0x7;
	_ =	swait.ge [sflag:s15], $0x400  }
0x8e: {  	(v2sf) =	vpush v0, $0x1  }
0x8f: {  	(v2sf) =	vpush v0, $0x0;
	_ =	sdelay $0xd  }
0x90: {  	[sflag:s15] =	ssyncset.done $0x0;
	s23 =	spop (v2sf)  }
0x91: {  	[sflag:s15] =	ssyncadd.s32 $0xFFFFFC00;
	s24 =	spop (v2sf)  }
0x92: {  	v62 =	vld [tilespmem:s24+$0x180];
	_ =	sdelay $0x4  }
0x93: {  	[tilespmem:s19+$0xFFFFFC00] =	vst v62  }
0x94: {  	v1 =	vld [tilespmem:s24+$0x190];
	_ =	sdelay $0x4  }
0x95: {  	[tilespmem:s19+$0xFFFFFC10] =	vst v1  }
0x96: {  	v1 =	vld [tilespmem:s24+$0x1A0];
	_ =	sdelay $0x4  }
0x97: {  	[tilespmem:s19+$0xFFFFFC20] =	vst v1  }
0x98: {  	v1 =	vld [tilespmem:s24+$0x1B0];
	_ =	sdelay $0x4  }
0x99: {  	[tilespmem:s19+$0xFFFFFC30] =	vst v1  }
0x9a: {  	v1 =	vld [tilespmem:s23+$0x580];
	_ =	sdelay $0x4  }
0x9b: {  	[tilespmem:s19+$0xFFFFFC80] =	vst v1  }
0x9c: {  	v1 =	vld [tilespmem:s23+$0x590]  }
0x9d: {  	(v2sf) =	vpush v0, $0x3  }
0x9e: {  	(v2sf) =	vpush v0, $0x2;
	_ =	sdelay $0x2  }
0x9f: {  	[tilespmem:s19+$0xFFFFFC90] =	vst v1  }
0xa0: {  	v1 =	vld [tilespmem:s23+$0x5A0];
	_ =	sdelay $0x4  }
0xa1: {  	[tilespmem:s19+$0xFFFFFCA0] =	vst v1  }
0xa2: {  	v1 =	vld [tilespmem:s23+$0x5B0];
	_ =	sdelay $0x3  }
0xa3: {  	s25 =	spop (v2sf)  }
0xa4: {  	s26 =	spop (v2sf);
	[tilespmem:s19+$0xFFFFFCB0] =	vst v1  }
0xa5: {  	v1 =	vld [tilespmem:s26+$0x980];
	_ =	sdelay $0x4  }
0xa6: {  	[tilespmem:s19+$0xFFFFFD00] =	vst v1  }
0xa7: {  	v1 =	vld [tilespmem:s26+$0x990];
	_ =	sdelay $0x4  }
0xa8: {  	[tilespmem:s19+$0xFFFFFD10] =	vst v1  }
0xa9: {  	v1 =	vld [tilespmem:s26+$0x9A0];
	_ =	sdelay $0x4  }
0xaa: {  	[tilespmem:s19+$0xFFFFFD20] =	vst v1  }
0xab: {  	v1 =	vld [tilespmem:s26+$0x9B0];
	_ =	sdelay $0x4  }
0xac: {  	[tilespmem:s19+$0xFFFFFD30] =	vst v1  }
0xad: {  	v1 =	vld [tilespmem:s25+$0xD80];
	_ =	sdelay $0x4  }
0xae: {  	[tilespmem:s19+$0xFFFFFD80] =	vst v1  }
0xaf: {  	v1 =	vld [tilespmem:s25+$0xD90]  }
0xb0: {  	(v2sf) =	vpush v0, $0x5  }
0xb1: {  	(v2sf) =	vpush v0, $0x4;
	_ =	sdelay $0x2  }
0xb2: {  	[tilespmem:s19+$0xFFFFFD90] =	vst v1  }
0xb3: {  	v1 =	vld [tilespmem:s25+$0xDA0];
	_ =	sdelay $0x4  }
0xb4: {  	[tilespmem:s19+$0xFFFFFDA0] =	vst v1  }
0xb5: {  	v1 =	vld [tilespmem:s25+$0xDB0];
	_ =	sdelay $0x3  }
0xb6: {  	s28 =	spop (v2sf)  }
0xb7: {  	s29 =	spop (v2sf);
	[tilespmem:s19+$0xFFFFFDB0] =	vst v1  }
0xb8: {  	v1 =	vld [tilespmem:s29+$0x1180];
	_ =	sdelay $0x4  }
0xb9: {  	[tilespmem:s19+$0xFFFFFE00] =	vst v1  }
0xba: {  	v1 =	vld [tilespmem:s29+$0x1190];
	_ =	sdelay $0x4  }
0xbb: {  	[tilespmem:s19+$0xFFFFFE10] =	vst v1  }
0xbc: {  	v1 =	vld [tilespmem:s29+$0x11A0];
	_ =	sdelay $0x4  }
0xbd: {  	[tilespmem:s19+$0xFFFFFE20] =	vst v1  }
0xbe: {  	v1 =	vld [tilespmem:s29+$0x11B0];
	_ =	sdelay $0x4  }
0xbf: {  	[tilespmem:s19+$0xFFFFFE30] =	vst v1  }
0xc0: {  	v1 =	vld [tilespmem:s28+$0x1580];
	_ =	sdelay $0x4  }
0xc1: {  	[tilespmem:s19+$0xFFFFFE80] =	vst v1  }
0xc2: {  	v1 =	vld [tilespmem:s28+$0x1590]  }
0xc3: {  	(v2sf) =	vpush v0, $0x7  }
0xc4: {  	(v2sf) =	vpush v0, $0x6;
	_ =	sdelay $0x2  }
0xc5: {  	[tilespmem:s19+$0xFFFFFE90] =	vst v1  }
0xc6: {  	v1 =	vld [tilespmem:s28+$0x15A0];
	_ =	sdelay $0x4  }
0xc7: {  	[tilespmem:s19+$0xFFFFFEA0] =	vst v1  }
0xc8: {  	v1 =	vld [tilespmem:s28+$0x15B0];
	_ =	sdelay $0x3  }
0xc9: {  	s30 =	spop (v2sf)  }
0xca: {  	s31 =	spop (v2sf);
	[tilespmem:s19+$0xFFFFFEB0] =	vst v1  }
0xcb: {  	v1 =	vld [tilespmem:s31+$0x1980];
	_ =	sdelay $0x4  }
0xcc: {  	[tilespmem:s19+$0xFFFFFF00] =	vst v1  }
0xcd: {  	v1 =	vld [tilespmem:s31+$0x1990];
	_ =	sdelay $0x4  }
0xce: {  	[tilespmem:s19+$0xFFFFFF10] =	vst v1  }
0xcf: {  	v1 =	vld [tilespmem:s31+$0x19A0];
	_ =	sdelay $0x4  }
0xd0: {  	[tilespmem:s19+$0xFFFFFF20] =	vst v1  }
0xd1: {  	v1 =	vld [tilespmem:s31+$0x19B0];
	_ =	sdelay $0x4  }
0xd2: {  	[tilespmem:s19+$0xFFFFFF30] =	vst v1  }
0xd3: {  	v1 =	vld [tilespmem:s30+$0x1D80];
	_ =	sdelay $0x4  }
0xd4: {  	[tilespmem:s19+$0xFFFFFF80] =	vst v1  }
0xd5: {  	v1 =	vld [tilespmem:s30+$0x1D90]  }
0xd6: {  	(v2sf) =	vpush v0, $0x9  }
0xd7: {  	(v2sf) =	vpush v0, $0x8;
	_ =	sdelay $0x2  }
0xd8: {  	[tilespmem:s19+$0xFFFFFF90] =	vst v1  }
0xd9: {  	v1 =	vld [tilespmem:s30+$0x1DA0];
	_ =	sdelay $0x4  }
0xda: {  	[tilespmem:s19+$0xFFFFFFA0] =	vst v1  }
0xdb: {  	v1 =	vld [tilespmem:s30+$0x1DB0];
	_ =	sdelay $0x3  }
0xdc: {  	s23 =	spop (v2sf)  }
0xdd: {  	s24 =	spop (v2sf);
	[tilespmem:s19+$0xFFFFFFB0] =	vst v1  }
0xde: {  	v1 =	vld [tilespmem:s24+$0x2180];
	_ =	sdelay $0x4  }
0xdf: {  	[tilespmem:s19+$0x0] =	vst v1  }
0xe0: {  	v1 =	vld [tilespmem:s24+$0x2190];
	_ =	sdelay $0x4  }
0xe1: {  	[tilespmem:s19+$0x10] =	vst v1  }
0xe2: {  	v1 =	vld [tilespmem:s24+$0x21A0];
	_ =	sdelay $0x4  }
0xe3: {  	[tilespmem:s19+$0x20] =	vst v1  }
0xe4: {  	v1 =	vld [tilespmem:s24+$0x21B0];
	_ =	sdelay $0x4  }
0xe5: {  	[tilespmem:s19+$0x30] =	vst v1  }
0xe6: {  	v1 =	vld [tilespmem:s23+$0x2580];
	_ =	sdelay $0x4  }
0xe7: {  	[tilespmem:s19+$0x80] =	vst v1  }
0xe8: {  	v1 =	vld [tilespmem:s23+$0x2590]  }
0xe9: {  	(v2sf) =	vpush v0, $0xB  }
0xea: {  	(v2sf) =	vpush v0, $0xA;
	_ =	sdelay $0x2  }
0xeb: {  	[tilespmem:s19+$0x90] =	vst v1  }
0xec: {  	v1 =	vld [tilespmem:s23+$0x25A0];
	_ =	sdelay $0x4  }
0xed: {  	[tilespmem:s19+$0xA0] =	vst v1  }
0xee: {  	v1 =	vld [tilespmem:s23+$0x25B0];
	_ =	sdelay $0x3  }
0xef: {  	s25 =	spop (v2sf)  }
0xf0: {  	s26 =	spop (v2sf);
	[tilespmem:s19+$0xB0] =	vst v1  }
0xf1: {  	v1 =	vld [tilespmem:s26+$0x2980];
	_ =	sdelay $0x4  }
0xf2: {  	[tilespmem:s19+$0x100] =	vst v1  }
0xf3: {  	v1 =	vld [tilespmem:s26+$0x2990];
	_ =	sdelay $0x4  }
0xf4: {  	[tilespmem:s19+$0x110] =	vst v1  }
0xf5: {  	v1 =	vld [tilespmem:s26+$0x29A0];
	_ =	sdelay $0x4  }
0xf6: {  	[tilespmem:s19+$0x120] =	vst v1  }
0xf7: {  	v1 =	vld [tilespmem:s26+$0x29B0];
	_ =	sdelay $0x4  }
0xf8: {  	[tilespmem:s19+$0x130] =	vst v1  }
0xf9: {  	v1 =	vld [tilespmem:s25+$0x2D80];
	_ =	sdelay $0x4  }
0xfa: {  	[tilespmem:s19+$0x180] =	vst v1  }
0xfb: {  	v1 =	vld [tilespmem:s25+$0x2D90]  }
0xfc: {  	(v2sf) =	vpush v0, $0xD  }
0xfd: {  	(v2sf) =	vpush v0, $0xC;
	_ =	sdelay $0x2  }
0xfe: {  	[tilespmem:s19+$0x190] =	vst v1  }
0xff: {  	v1 =	vld [tilespmem:s25+$0x2DA0];
	_ =	sdelay $0x4  }
0x100: {  	[tilespmem:s19+$0x1A0] =	vst v1  }
0x101: {  	v1 =	vld [tilespmem:s25+$0x2DB0];
	_ =	sdelay $0x3  }
0x102: {  	s28 =	spop (v2sf)  }
0x103: {  	s29 =	spop (v2sf);
	[tilespmem:s19+$0x1B0] =	vst v1  }
0x104: {  	v1 =	vld [tilespmem:s29+$0x3180];
	_ =	sdelay $0x4  }
0x105: {  	[tilespmem:s19+$0x200] =	vst v1  }
0x106: {  	v1 =	vld [tilespmem:s29+$0x3190];
	_ =	sdelay $0x4  }
0x107: {  	[tilespmem:s19+$0x210] =	vst v1  }
0x108: {  	v1 =	vld [tilespmem:s29+$0x31A0];
	_ =	sdelay $0x4  }
0x109: {  	[tilespmem:s19+$0x220] =	vst v1  }
0x10a: {  	v1 =	vld [tilespmem:s29+$0x31B0];
	_ =	sdelay $0x4  }
0x10b: {  	[tilespmem:s19+$0x230] =	vst v1  }
0x10c: {  	v1 =	vld [tilespmem:s28+$0x3580];
	_ =	sdelay $0x4  }
0x10d: {  	[tilespmem:s19+$0x280] =	vst v1  }
0x10e: {  	v1 =	vld [tilespmem:s28+$0x3590]  }
0x10f: {  	(v2sf) =	vpush v0, $0xF  }
0x110: {  	(v2sf) =	vpush v0, $0xE;
	_ =	sdelay $0x2  }
0x111: {  	[tilespmem:s19+$0x290] =	vst v1  }
0x112: {  	v63 =	vld [tilespmem:s28+$0x35A0];
	_ =	sdelay $0x4  }
0x113: {  	[tilespmem:s19+$0x2A0] =	vst v63  }
0x114: {  	v0 =	vld [tilespmem:s28+$0x35B0];
	_ =	sdelay $0x3  }
0x115: {  	s30 =	spop (v2sf)  }
0x116: {  	s31 =	spop (v2sf);
	[tilespmem:s19+$0x2B0] =	vst v0  }
0x117: {  	v0 =	vld [tilespmem:s31+$0x3980];
	_ =	sdelay $0x4  }
0x118: {  	[tilespmem:s19+$0x300] =	vst v0  }
0x119: {  	v0 =	vld [tilespmem:s31+$0x3990];
	_ =	sdelay $0x4  }
0x11a: {  	[tilespmem:s19+$0x310] =	vst v0  }
0x11b: {  	v0 =	vld [tilespmem:s31+$0x39A0];
	_ =	sdelay $0x4  }
0x11c: {  	[tilespmem:s19+$0x320] =	vst v0  }
0x11d: {  	v0 =	vld [tilespmem:s31+$0x39B0];
	_ =	sdelay $0x4  }
0x11e: {  	[tilespmem:s19+$0x330] =	vst v0  }
0x11f: {  	v0 =	vld [tilespmem:s30+$0x3D80];
	_ =	sdelay $0x4  }
0x120: {  	[tilespmem:s19+$0x380] =	vst v0  }
0x121: {  	v0 =	vld [tilespmem:s30+$0x3D90];
	_ =	sdelay $0x4  }
0x122: {  	[tilespmem:s19+$0x390] =	vst v0  }
0x123: {  	v0 =	vld [tilespmem:s30+$0x3DA0];
	_ =	sdelay $0x4  }
0x124: {  	[tilespmem:s19+$0x3A0] =	vst v0  }
0x125: {  	p0 =	sne.s32 s20, $0x5C0;
	v0 =	vld [tilespmem:s30+$0x3DB0]  }
.Ltmp0:
0x126: {  	_ = 	snop;
	(pc) =	sbr.rel @p0 .LBB2_2-.Ltmp0, $2  }
0x127: {  	_ =	sdelay $0x2  }
0x128: {  	s20 =	sadd.s32 $0x40, s20;
	[tilespmem:s19+$0x3B0] =	vst v0;
	s19 =	sadd.s32 $0x800, s19  }
0x129: {  	_ =	swait.ge [sflag:s16], $0x80  }
0x12a: {  	[sflag:s16] =	ssyncset.done $0x0  }
0x12b: {  	[sflag:s16] =	ssyncadd.s32 $0xFFFFFF80  }
0x12c: {  	_ =	swait.ge [sflag:s16], $0x80  }
0x12d: {  	[sflag:s16] =	ssyncset.done $0x0  }
0x12e: {  	[sflag:s16] =	ssyncadd.s32 $0xFFFFFF80  }
0x12f: {  	_ =	swait.ge [sflag:s16], $0x80  }
0x130: {  	[sflag:s16] =	ssyncset.done $0x0  }
0x131: {  	[sflag:s16] =	ssyncadd.s32 $0xFFFFFF80  }
0x132: {  	[hbm4b:s6+s3] =	stream.linear.scatter [tilespmem:s17], [sflag:$0x3], $0xC000, $0x38;
	[tilespmem:$0x10300] =	vst v63  }
0x133: {  	s18 =	sadd.s32 $0x1, s18;
	_ =	swait.ge [sflag:s9], $0xC000  }
0x134: {  	p0 =	sne.s32 s18, s8;
	[sflag:s9] =	ssyncset.done $0x0  }
.Ltmp1:
0x135: {  	[sflag:s9] =	ssyncadd.s32 $0xFFFF4000;
	(pc) =	sbr.rel @p0 .LBB2_1-.Ltmp1, $4  }
0x136: {  	[hbm4b:s7+s3] =	stream.linear.scatter [tilespmem:s11], [sflag:$0x3], $0x180, $0x38;
	[tilespmem:$0x10300] =	vst v63  }
0x137: {  	_ =	swait.ge [sflag:s9], $0x180  }
0x138: {  	[sflag:s9] =	ssyncset.done $0x0  }
0x139: {  	[sflag:s9] =	ssyncadd.s32 $0xFFFFFE80  }
0x13a: {  	_ =	sfence.sel $0x180000  }
0x13b: {  	[bflag:$0x0] =	sbarrier.arrive $0xFFFF  }
0x13c: {  	p0 =	sne.s32 s1, $0x0;
	_ =	strace $0x90000047  }
0x13d: {  	s0 =	sadd.s32 @!p0 $0x100000, s0;
	[bflag:$0x2] =	sbarrier.arrive $0xFFFF  }
0x13e: {  	[sflag:s0] =	ssyncadd.tile.s32 @!p0 $0x1;
	_ =	shalt  }
.Lfunc_end2:
_tile_overlayer_lowered:
.L_overlay_start_2:
0x13f: {  	(tag) =	ssettag $0x2  }
0x140: {  	s0 =	rddreg [dreg:$0x0];
	s2 =	stileid.u32  }
0x141: {  	s1 =	rddreg [dreg:$0x1];
	p0 =	sne.s32 s2, $0x0  }
0x142: {  	s3 =	rddreg [dreg:$0x2];
	[bflag:$0x3] =	sbarrier.arrive $0xFFFF;
	s2 =	simm.s32 @!p0 $0x1C03  }
0x143: {  	[timem:s3], [sflag:s2] =	dma.local @!p0 [hbm:s0], s1  }
0x144: {  	s0 =	simm.s32 @!p0 $0x3  }
0x145: {  	_ =	swait.ge @!p0 [sflag:s0], s1  }
0x146: {  	s1 =	ssub.s32 @!p0 $0x0, s1;
	[sflag:s0] =	ssyncset.done @!p0 $0x0  }
0x147: {  	[sflag:s0] =	ssyncadd.s32 @!p0 s1  }
0x148: {  	[bflag:$0x3] =	sbarrier.arrive $0xFFFF  }
0x149: {  	_ =	shalt  }

</sc_bundles>
